<compile_context>
chip_gen: v7x
topology: tpu7x:2x2x1
jax: 0.10.2.dev20260603
libtpu: 0.0.44.dev20260713+nightly
codegen_flags: <defaults>
</compile_context>

<pallas_src>
import jax
import jax.numpy as jnp
import numpy as np
from jax import lax
from jax.experimental import pallas as pl
from jax.experimental.pallas import tpu as pltpu
from jax.experimental.pallas import tpu_sc as plsc

R = 128
N = 100000
NC = 2
NS = 16
NW = NC * NS
ROWS_PER_W = R // NW
CHUNK = 2000
NCHUNK = N // CHUNK
NPAIR = NCHUNK // 2
LANES = 16
STEPS = CHUNK // LANES


def _perm_np():
    try:
        with jax.default_device(jax.local_devices(backend="cpu")[0]):
            p = jax.random.permutation(jax.random.key(42), N)
            return np.asarray(p, dtype=np.int32)
    except Exception:
        return None


_PERM = _perm_np()


def _perm_idx():
    if _PERM is not None:
        return jnp.asarray(_PERM)
    return jax.random.permutation(jax.random.key(42), N).astype(jnp.int32)


def _sc_body(in_hbm, idx_hbm, out_hbm,
             row_v, idx_v0, idx_v1, out_v0, out_v1, idx_sp,
             is0, is1, os0, os1):
    sid = lax.axis_index("s")
    wid = sid * NC + lax.axis_index("c")
    idx_bufs = (idx_v0, idx_v1)
    out_bufs = (out_v0, out_v1)
    idx_sems = (is0, is1)
    out_sems = (os0, os1)

    @pl.when(sid == 0)
    def _():
        pltpu.sync_copy(idx_hbm, idx_sp)

    plsc.subcore_barrier()

    def chunk_work(j, b, base, *, prefetch, wait_out):
        nb = 1 - b
        if prefetch:
            @pl.when(j + 1 < NCHUNK)
            def _():
                pltpu.async_copy(
                    idx_sp.at[pl.ds((j + 1) * CHUNK, CHUNK)],
                    idx_bufs[nb], idx_sems[nb])

        pltpu.make_async_copy(
            idx_sp.at[pl.ds(0, CHUNK)], idx_bufs[b], idx_sems[b]).wait()

        if wait_out is not None:
            @pl.when(wait_out)
            def _():
                pltpu.make_async_copy(
                    out_bufs[b], out_hbm.at[pl.ds(0, CHUNK)],
                    out_sems[b]).wait()

        for v in range(STEPS):
            sl = pl.ds(v * LANES, LANES)
            out_bufs[b][sl] = plsc.load_gather(row_v, [idx_bufs[b][sl]])

        pltpu.async_copy(
            out_bufs[b], out_hbm.at[pl.ds(base + j * CHUNK, CHUNK)],
            out_sems[b])

    def row_body(k, carry):
        r = wid * ROWS_PER_W + k
        base = r * N
        pltpu.async_copy(idx_sp.at[pl.ds(0, CHUNK)], idx_v0, is0)
        pltpu.sync_copy(in_hbm.at[pl.ds(base, N)], row_v)

        def outer(j2, carry):
            for b in (0, 1):
                chunk_work(2 * j2 + b, b, base, prefetch=True,
                           wait_out=j2 > 0)
            return carry

        lax.fori_loop(0, NPAIR, outer, 0)
        if NCHUNK % 2:
            chunk_work(NCHUNK - 1, 0, base, prefetch=False,
                       wait_out=jnp.bool_(True))
        pltpu.make_async_copy(out_v0, out_hbm.at[pl.ds(0, CHUNK)], os0).wait()
        pltpu.make_async_copy(out_v1, out_hbm.at[pl.ds(0, CHUNK)], os1).wait()
        return carry

    lax.fori_loop(0, ROWS_PER_W, row_body, 0)


_shuffle_sc = pl.kernel(
    _sc_body,
    out_type=jax.ShapeDtypeStruct((R * N,), jnp.float32),
    mesh=plsc.VectorSubcoreMesh(
        core_axis_name="c", subcore_axis_name="s", num_cores=NC, num_subcores=NS
    ),
    scratch_types=[
        pltpu.VMEM((N,), jnp.float32),
        pltpu.VMEM((CHUNK,), jnp.int32),
        pltpu.VMEM((CHUNK,), jnp.int32),
        pltpu.VMEM((CHUNK,), jnp.float32),
        pltpu.VMEM((CHUNK,), jnp.float32),
        pltpu.VMEM_SHARED((N,), jnp.int32),
        pltpu.SemaphoreType.DMA,
        pltpu.SemaphoreType.DMA,
        pltpu.SemaphoreType.DMA,
        pltpu.SemaphoreType.DMA,
    ],
    compiler_params=pltpu.CompilerParams(needs_layout_passes=False),
)


@jax.jit
def _run(inputs):
    idx = _perm_idx()
    flat = _shuffle_sc(inputs.reshape(R * N), idx)
    return flat.reshape(R, N)


def kernel(inputs):
    return _run(inputs)

# --- scband reference (transcript-rebuilt; emitter-appended) ---
"""Pipeline reference for scband-shuffle-42949672960636 (READ-ONLY COPY).

The authoritative reference and input builder live on the scoring server;
editing this copy changes nothing except your own understanding.
"""

import jax, jax.numpy as jnp
import numpy as np


def setup_inputs(seed: int = 0) -> dict:
    key = jax.random.key(seed)
    inputs = jax.random.normal(key, (128, 100000), dtype=jnp.float32)
    return {"inputs": inputs}


def reference(inputs):
    # Shuffle(shuffle_axis=1, seed=42):
    # TF transposes so shuffle_axis becomes leading dim, shuffles rows with a
    # single random permutation (same permutation applied to every element
    # along the other axes), then transposes back. Equivalent to gathering
    # along shuffle_axis with a random permutation.
    shuffle_axis = 1
    n = inputs.shape[shuffle_axis]
    perm = jax.random.permutation(jax.random.key(42), n)
    # transpose -> shuffle leading dim -> transpose back
    perm_axes = list(range(inputs.ndim))
    perm_axes[0], perm_axes[shuffle_axis] = perm_axes[shuffle_axis], perm_axes[0]
    transposed = jnp.transpose(inputs, perm_axes)
    shuffled = jnp.take(transposed, perm, axis=0)
    return jnp.transpose(shuffled, perm_axes)

if __name__ == "__main__":
    import jax
    _d = setup_inputs()
    print(jax.jit(kernel)(*tuple(_d.values())))

</pallas_src>

<mosaic_0001>
#map = affine_map<(d0, d1) -> (0)>
module attributes {stable_mosaic.version = 14 : i64} {
  func.func @_sc_body(%arg0: i32, %arg1: i32, %arg2: memref<12800000xf32, #tpu.memory_space<hbm>>, %arg3: memref<100000xi32, #tpu.memory_space<hbm>>, %arg4: memref<12800000xf32, #tpu.memory_space<hbm>>, %arg5: memref<100000xf32, #tpu.memory_space<vmem>>, %arg6: memref<2000xi32, #tpu.memory_space<vmem>>, %arg7: memref<2000xi32, #tpu.memory_space<vmem>>, %arg8: memref<2000xf32, #tpu.memory_space<vmem>>, %arg9: memref<2000xf32, #tpu.memory_space<vmem>>, %arg10: memref<100000xi32, #tpu.memory_space<vmem_shared>>, %arg11: memref<!tpu.dma_semaphore, #tpu.memory_space<semaphore_mem>>, %arg12: memref<!tpu.dma_semaphore, #tpu.memory_space<semaphore_mem>>, %arg13: memref<!tpu.dma_semaphore, #tpu.memory_space<semaphore_mem>>, %arg14: memref<!tpu.dma_semaphore, #tpu.memory_space<semaphore_mem>>) attributes {dimension_semantics = [#tpu.dimension_semantics<core_parallel>, #tpu.dimension_semantics<subcore_parallel>], iteration_bounds = array<i64: 2, 16>, scalar_prefetch = 0 : i64, scratch_operands = 10 : i64, tpu.core_type = #tpu.core_type<sc_vector_subcore>, window_params = [{transform_indices = #map}, {transform_indices = #map}, {transform_indices = #map}]} {
    %mul3A = arith.constant 2 : i32
    %mul3A_0 = arith.muli %arg1, %mul3A : i32
    %add3A = arith.addi %mul3A_0, %arg0 : i32
    %eq3A = arith.constant 0 : i32
    %eq3A_1 = arith.cmpi eq, %arg1, %eq3A : i32
    %convert_element_type3A = arith.extui %eq3A_1 : i1 to i32
    %cond3A = arith.constant 0 : i32
    %cond3A_2 = arith.cmpi ne, %convert_element_type3A, %cond3A : i32
    scf.if %cond3A_2 {
      "tpu.region"() ({
        %run_scoped3A = tpu.sem_alloc : memref<!tpu.dma_semaphore, #tpu.memory_space<semaphore_mem>>
        tpu.enqueue_dma source(%arg3 : memref<100000xi32, #tpu.memory_space<hbm>>) target(%arg10 : memref<100000xi32, #tpu.memory_space<vmem_shared>>) target_semaphore(%run_scoped3A : memref<!tpu.dma_semaphore, #tpu.memory_space<semaphore_mem>>)
        tpu.wait_dma2 semaphore(%run_scoped3A : memref<!tpu.dma_semaphore, #tpu.memory_space<semaphore_mem>>) src(%arg3 : memref<100000xi32, #tpu.memory_space<hbm>>) dst(%arg10 : memref<100000xi32, #tpu.memory_space<vmem_shared>>)
        tpu.yield
      }) : () -> ()
    } else {
    }
    %barrier3A = arith.constant 0 : index
    tpu.barrier barrier_id(%barrier3A)
    %scan3A = arith.constant 0 : i32
    %scan3A_3 = arith.constant 0 : i32
    %scan3A_4 = arith.constant 4 : i32
    %scan3A_5 = arith.addi %scan3A_3, %scan3A_4 : i32
    %scan3A_6 = arith.constant 1 : i32
    scf.for %scan3A_8 = %scan3A_3 to %scan3A_5 step %scan3A_6  : i32 {
      %mul3A_9 = arith.constant 4 : i32
      %mul3A_10 = arith.muli %add3A, %mul3A_9 : i32
      %add3A_11 = arith.addi %mul3A_10, %scan3A_8 : i32
      %mul3A_12 = arith.constant 100000 : i32
      %mul3A_13 = arith.muli %add3A_11, %mul3A_12 : i32
      %dma_start3A = arith.constant 0 : i32
      %dma_start3A_14 = tpu.memref_slice %arg10[%dma_start3A] : memref<100000xi32, #tpu.memory_space<vmem_shared>> -> memref<2000xi32, #tpu.memory_space<vmem_shared>>
      %dma_start3A_15 = arith.constant 0 : i32
      %dma_start3A_16 = tpu.memref_slice %arg10[%dma_start3A_15] : memref<100000xi32, #tpu.memory_space<vmem_shared>> -> memref<2000xi32, #tpu.memory_space<vmem_shared>>
      tpu.enqueue_dma source(%dma_start3A_16 : memref<2000xi32, #tpu.memory_space<vmem_shared>>) target(%arg6 : memref<2000xi32, #tpu.memory_space<vmem>>) target_semaphore(%arg11 : memref<!tpu.dma_semaphore, #tpu.memory_space<semaphore_mem>>)
      "tpu.region"() ({
        %run_scoped3A = tpu.sem_alloc : memref<!tpu.dma_semaphore, #tpu.memory_space<semaphore_mem>>
        %dma_start3A_30 = tpu.memref_slice %arg2[%mul3A_13] : memref<12800000xf32, #tpu.memory_space<hbm>> -> memref<100000xf32, #tpu.memory_space<hbm>>
        %dma_start3A_31 = tpu.memref_slice %arg2[%mul3A_13] : memref<12800000xf32, #tpu.memory_space<hbm>> -> memref<100000xf32, #tpu.memory_space<hbm>>
        tpu.enqueue_dma source(%dma_start3A_31 : memref<100000xf32, #tpu.memory_space<hbm>>) target(%arg5 : memref<100000xf32, #tpu.memory_space<vmem>>) target_semaphore(%run_scoped3A : memref<!tpu.dma_semaphore, #tpu.memory_space<semaphore_mem>>)
        %dma_wait3A_32 = tpu.memref_slice %arg2[%mul3A_13] : memref<12800000xf32, #tpu.memory_space<hbm>> -> memref<100000xf32, #tpu.memory_space<hbm>>
        %dma_wait3A_33 = tpu.memref_slice %arg2[%mul3A_13] : memref<12800000xf32, #tpu.memory_space<hbm>> -> memref<100000xf32, #tpu.memory_space<hbm>>
        tpu.wait_dma2 semaphore(%run_scoped3A : memref<!tpu.dma_semaphore, #tpu.memory_space<semaphore_mem>>) src(%dma_wait3A_33 : memref<100000xf32, #tpu.memory_space<hbm>>) dst(%arg5 : memref<100000xf32, #tpu.memory_space<vmem>>)
        tpu.yield
      }) : () -> ()
      %scan3A_17 = arith.constant 0 : i32
      %scan3A_18 = arith.constant 0 : i32
      %scan3A_19 = arith.constant 25 : i32
      %scan3A_20 = arith.addi %scan3A_18, %scan3A_19 : i32
      %scan3A_21 = arith.constant 1 : i32
      scf.for %scan3A_30 = %scan3A_18 to %scan3A_20 step %scan3A_21  : i32 {
        %mul3A_31 = arith.constant 2 : i32
        %mul3A_32 = arith.muli %mul3A_31, %scan3A_30 : i32
        %add3A_33 = arith.constant 0 : i32
        %add3A_34 = arith.addi %mul3A_32, %add3A_33 : i32
        %gt3A = arith.constant 0 : i32
        %gt3A_35 = arith.cmpi sgt, %scan3A_30, %gt3A : i32
        %add3A_36 = arith.constant 1 : i32
        %add3A_37 = arith.addi %add3A_34, %add3A_36 : i32
        %lt3A = arith.constant 50 : i32
        %lt3A_38 = arith.cmpi slt, %add3A_37, %lt3A : i32
        %convert_element_type3A_39 = arith.extui %lt3A_38 : i1 to i32
        %cond3A_40 = arith.constant 0 : i32
        %cond3A_41 = arith.cmpi ne, %convert_element_type3A_39, %cond3A_40 : i32
        scf.if %cond3A_41 {
          %add3A_1326 = arith.constant 1 : i32
          %add3A_1327 = arith.addi %add3A_34, %add3A_1326 : i32
          %mul3A_1328 = arith.constant 2000 : i32
          %mul3A_1329 = arith.muli %add3A_1327, %mul3A_1328 : i32
          %dma_start3A_1330 = tpu.memref_slice %arg10[%mul3A_1329] : memref<100000xi32, #tpu.memory_space<vmem_shared>> -> memref<2000xi32, #tpu.memory_space<vmem_shared>>
          %dma_start3A_1331 = tpu.memref_slice %arg10[%mul3A_1329] : memref<100000xi32, #tpu.memory_space<vmem_shared>> -> memref<2000xi32, #tpu.memory_space<vmem_shared>>
          tpu.enqueue_dma source(%dma_start3A_1331 : memref<2000xi32, #tpu.memory_space<vmem_shared>>) target(%arg7 : memref<2000xi32, #tpu.memory_space<vmem>>) target_semaphore(%arg12 : memref<!tpu.dma_semaphore, #tpu.memory_space<semaphore_mem>>)
        } else {
        }
        %dma_wait3A_42 = arith.constant 0 : i32
        %dma_wait3A_43 = tpu.memref_slice %arg10[%dma_wait3A_42] : memref<100000xi32, #tpu.memory_space<vmem_shared>> -> memref<2000xi32, #tpu.memory_space<vmem_shared>>
        %dma_wait3A_44 = arith.constant 0 : i32
        %dma_wait3A_45 = tpu.memref_slice %arg10[%dma_wait3A_44] : memref<100000xi32, #tpu.memory_space<vmem_shared>> -> memref<2000xi32, #tpu.memory_space<vmem_shared>>
        tpu.wait_dma2 semaphore(%arg11 : memref<!tpu.dma_semaphore, #tpu.memory_space<semaphore_mem>>) src(%dma_wait3A_45 : memref<2000xi32, #tpu.memory_space<vmem_shared>>) dst(%arg6 : memref<2000xi32, #tpu.memory_space<vmem>>)
        %convert_element_type3A_46 = arith.extui %gt3A_35 : i1 to i32
        %cond3A_47 = arith.constant 0 : i32
        %cond3A_48 = arith.cmpi ne, %convert_element_type3A_46, %cond3A_47 : i32
        scf.if %cond3A_48 {
          %dma_wait3A_1326 = arith.constant 0 : i32
          %dma_wait3A_1327 = tpu.memref_slice %arg4[%dma_wait3A_1326] : memref<12800000xf32, #tpu.memory_space<hbm>> -> memref<2000xf32, #tpu.memory_space<hbm>>
          %dma_wait3A_1328 = arith.constant 0 : i32
          %dma_wait3A_1329 = tpu.memref_slice %arg4[%dma_wait3A_1328] : memref<12800000xf32, #tpu.memory_space<hbm>> -> memref<2000xf32, #tpu.memory_space<hbm>>
          tpu.wait_dma2 semaphore(%arg13 : memref<!tpu.dma_semaphore, #tpu.memory_space<semaphore_mem>>) src(%arg8 : memref<2000xf32, #tpu.memory_space<vmem>>) dst(%dma_wait3A_1329 : memref<2000xf32, #tpu.memory_space<hbm>>)
        } else {
        }
        %get3A = arith.constant 0 : index
        %get3A_49 = tpu.vector_load %arg6[%get3A] {strides = array<i32>} : memref<2000xi32, #tpu.memory_space<vmem>>, vector<16xi32>,
        %gather3A = tpu.vector_load_idx %arg5[%get3A_49] : memref<100000xf32, #tpu.memory_space<vmem>>[vector<16xi32>], vector<16xf32>,
        %swap3A = arith.constant 0 : index
        %swap3A_50 = tpu.vector_load %arg8[%swap3A] {strides = array<i32>} : memref<2000xf32, #tpu.memory_space<vmem>>, vector<16xf32>,
        tpu.vector_store %arg8[%swap3A], %gather3A {strides = array<i32>} : memref<2000xf32, #tpu.memory_space<vmem>>, vector<16xf32>,
        %get3A_51 = arith.constant 16 : index
        %get3A_52 = tpu.vector_load %arg6[%get3A_51] {strides = array<i32>} : memref<2000xi32, #tpu.memory_space<vmem>>, vector<16xi32>,
        %gather3A_53 = tpu.vector_load_idx %arg5[%get3A_52] : memref<100000xf32, #tpu.memory_space<vmem>>[vector<16xi32>], vector<16xf32>,
        %swap3A_54 = arith.constant 16 : index
        %swap3A_55 = tpu.vector_load %arg8[%swap3A_54] {strides = array<i32>} : memref<2000xf32, #tpu.memory_space<vmem>>, vector<16xf32>,
        tpu.vector_store %arg8[%swap3A_54], %gather3A_53 {strides = array<i32>} : memref<2000xf32, #tpu.memory_space<vmem>>, vector<16xf32>,
        %get3A_56 = arith.constant 32 : index
        %get3A_57 = tpu.vector_load %arg6[%get3A_56] {strides = array<i32>} : memref<2000xi32, #tpu.memory_space<vmem>>, vector<16xi32>,
        %gather3A_58 = tpu.vector_load_idx %arg5[%get3A_57] : memref<100000xf32, #tpu.memory_space<vmem>>[vector<16xi32>], vector<16xf32>,
        %swap3A_59 = arith.constant 32 : index
        %swap3A_60 = tpu.vector_load %arg8[%swap3A_59] {strides = array<i32>} : memref<2000xf32, #tpu.memory_space<vmem>>, vector<16xf32>,
        tpu.vector_store %arg8[%swap3A_59], %gather3A_58 {strides = array<i32>} : memref<2000xf32, #tpu.memory_space<vmem>>, vector<16xf32>,
        %get3A_61 = arith.constant 48 : index
        %get3A_62 = tpu.vector_load %arg6[%get3A_61] {strides = array<i32>} : memref<2000xi32, #tpu.memory_space<vmem>>, vector<16xi32>,
        %gather3A_63 = tpu.vector_load_idx %arg5[%get3A_62] : memref<100000xf32, #tpu.memory_space<vmem>>[vector<16xi32>], vector<16xf32>,
        %swap3A_64 = arith.constant 48 : index
        %swap3A_65 = tpu.vector_load %arg8[%swap3A_64] {strides = array<i32>} : memref<2000xf32, #tpu.memory_space<vmem>>, vector<16xf32>,
        tpu.vector_store %arg8[%swap3A_64], %gather3A_63 {strides = array<i32>} : memref<2000xf32, #tpu.memory_space<vmem>>, vector<16xf32>,
        %get3A_66 = arith.constant 64 : index
        %get3A_67 = tpu.vector_load %arg6[%get3A_66] {strides = array<i32>} : memref<2000xi32, #tpu.memory_space<vmem>>, vector<16xi32>,
        %gather3A_68 = tpu.vector_load_idx %arg5[%get3A_67] : memref<100000xf32, #tpu.memory_space<vmem>>[vector<16xi32>], vector<16xf32>,
        %swap3A_69 = arith.constant 64 : index
        %swap3A_70 = tpu.vector_load %arg8[%swap3A_69] {strides = array<i32>} : memref<2000xf32, #tpu.memory_space<vmem>>, vector<16xf32>,
        tpu.vector_store %arg8[%swap3A_69], %gather3A_68 {strides = array<i32>} : memref<2000xf32, #tpu.memory_space<vmem>>, vector<16xf32>,
        %get3A_71 = arith.constant 80 : index
        %get3A_72 = tpu.vector_load %arg6[%get3A_71] {strides = array<i32>} : memref<2000xi32, #tpu.memory_space<vmem>>, vector<16xi32>,
        %gather3A_73 = tpu.vector_load_idx %arg5[%get3A_72] : memref<100000xf32, #tpu.memory_space<vmem>>[vector<16xi32>], vector<16xf32>,
        %swap3A_74 = arith.constant 80 : index
        %swap3A_75 = tpu.vector_load %arg8[%swap3A_74] {strides = array<i32>} : memref<2000xf32, #tpu.memory_space<vmem>>, vector<16xf32>,
        tpu.vector_store %arg8[%swap3A_74], %gather3A_73 {strides = array<i32>} : memref<2000xf32, #tpu.memory_space<vmem>>, vector<16xf32>,
        %get3A_76 = arith.constant 96 : index
        %get3A_77 = tpu.vector_load %arg6[%get3A_76] {strides = array<i32>} : memref<2000xi32, #tpu.memory_space<vmem>>, vector<16xi32>,
        %gather3A_78 = tpu.vector_load_idx %arg5[%get3A_77] : memref<100000xf32, #tpu.memory_space<vmem>>[vector<16xi32>], vector<16xf32>,
        %swap3A_79 = arith.constant 96 : index
        %swap3A_80 = tpu.vector_load %arg8[%swap3A_79] {strides = array<i32>} : memref<2000xf32, #tpu.memory_space<vmem>>, vector<16xf32>,
        tpu.vector_store %arg8[%swap3A_79], %gather3A_78 {strides = array<i32>} : memref<2000xf32, #tpu.memory_space<vmem>>, vector<16xf32>,
        %get3A_81 = arith.constant 112 : index
        %get3A_82 = tpu.vector_load %arg6[%get3A_81] {strides = array<i32>} : memref<2000xi32, #tpu.memory_space<vmem>>, vector<16xi32>,
        %gather3A_83 = tpu.vector_load_idx %arg5[%get3A_82] : memref<100000xf32, #tpu.memory_space<vmem>>[vector<16xi32>], vector<16xf32>,
        %swap3A_84 = arith.constant 112 : index
        %swap3A_85 = tpu.vector_load %arg8[%swap3A_84] {strides = array<i32>} : memref<2000xf32, #tpu.memory_space<vmem>>, vector<16xf32>,
        tpu.vector_store %arg8[%swap3A_84], %gather3A_83 {strides = array<i32>} : memref<2000xf32, #tpu.memory_space<vmem>>, vector<16xf32>,
        %get3A_86 = arith.constant 128 : index
        %get3A_87 = tpu.vector_load %arg6[%get3A_86] {strides = array<i32>} : memref<2000xi32, #tpu.memory_space<vmem>>, vector<16xi32>,
        %gather3A_88 = tpu.vector_load_idx %arg5[%get3A_87] : memref<100000xf32, #tpu.memory_space<vmem>>[vector<16xi32>], vector<16xf32>,
        %swap3A_89 = arith.constant 128 : index
        %swap3A_90 = tpu.vector_load %arg8[%swap3A_89] {strides = array<i32>} : memref<2000xf32, #tpu.memory_space<vmem>>, vector<16xf32>,
        tpu.vector_store %arg8[%swap3A_89], %gather3A_88 {strides = array<i32>} : memref<2000xf32, #tpu.memory_space<vmem>>, vector<16xf32>,
        %get3A_91 = arith.constant 144 : index
        %get3A_92 = tpu.vector_load %arg6[%get3A_91] {strides = array<i32>} : memref<2000xi32, #tpu.memory_space<vmem>>, vector<16xi32>,
        %gather3A_93 = tpu.vector_load_idx %arg5[%get3A_92] : memref<100000xf32, #tpu.memory_space<vmem>>[vector<16xi32>], vector<16xf32>,
        %swap3A_94 = arith.constant 144 : index
        %swap3A_95 = tpu.vector_load %arg8[%swap3A_94] {strides = array<i32>} : memref<2000xf32, #tpu.memory_space<vmem>>, vector<16xf32>,
        tpu.vector_store %arg8[%swap3A_94], %gather3A_93 {strides = array<i32>} : memref<2000xf32, #tpu.memory_space<vmem>>, vector<16xf32>,
        %get3A_96 = arith.constant 160 : index
        %get3A_97 = tpu.vector_load %arg6[%get3A_96] {strides = array<i32>} : memref<2000xi32, #tpu.memory_space<vmem>>, vector<16xi32>,
        %gather3A_98 = tpu.vector_load_idx %arg5[%get3A_97] : memref<100000xf32, #tpu.memory_space<vmem>>[vector<16xi32>], vector<16xf32>,
        %swap3A_99 = arith.constant 160 : index
        %swap3A_100 = tpu.vector_load %arg8[%swap3A_99] {strides = array<i32>} : memref<2000xf32, #tpu.memory_space<vmem>>, vector<16xf32>,
        tpu.vector_store %arg8[%swap3A_99], %gather3A_98 {strides = array<i32>} : memref<2000xf32, #tpu.memory_space<vmem>>, vector<16xf32>,
        %get3A_101 = arith.constant 176 : index
        %get3A_102 = tpu.vector_load %arg6[%get3A_101] {strides = array<i32>} : memref<2000xi32, #tpu.memory_space<vmem>>, vector<16xi32>,
        %gather3A_103 = tpu.vector_load_idx %arg5[%get3A_102] : memref<100000xf32, #tpu.memory_space<vmem>>[vector<16xi32>], vector<16xf32>,
        %swap3A_104 = arith.constant 176 : index
        %swap3A_105 = tpu.vector_load %arg8[%swap3A_104] {strides = array<i32>} : memref<2000xf32, #tpu.memory_space<vmem>>, vector<16xf32>,
        tpu.vector_store %arg8[%swap3A_104], %gather3A_103 {strides = array<i32>} : memref<2000xf32, #tpu.memory_space<vmem>>, vector<16xf32>,
        %get3A_106 = arith.constant 192 : index
        %get3A_107 = tpu.vector_load %arg6[%get3A_106] {strides = array<i32>} : memref<2000xi32, #tpu.memory_space<vmem>>, vector<16xi32>,
        %gather3A_108 = tpu.vector_load_idx %arg5[%get3A_107] : memref<100000xf32, #tpu.memory_space<vmem>>[vector<16xi32>], vector<16xf32>,
        %swap3A_109 = arith.constant 192 : index
        %swap3A_110 = tpu.vector_load %arg8[%swap3A_109] {strides = array<i32>} : memref<2000xf32, #tpu.memory_space<vmem>>, vector<16xf32>,
        tpu.vector_store %arg8[%swap3A_109], %gather3A_108 {strides = array<i32>} : memref<2000xf32, #tpu.memory_space<vmem>>, vector<16xf32>,
        %get3A_111 = arith.constant 208 : index
        %get3A_112 = tpu.vector_load %arg6[%get3A_111] {strides = array<i32>} : memref<2000xi32, #tpu.memory_space<vmem>>, vector<16xi32>,
        %gather3A_113 = tpu.vector_load_idx %arg5[%get3A_112] : memref<100000xf32, #tpu.memory_space<vmem>>[vector<16xi32>], vector<16xf32>,
        %swap3A_114 = arith.constant 208 : index
        %swap3A_115 = tpu.vector_load %arg8[%swap3A_114] {strides = array<i32>} : memref<2000xf32, #tpu.memory_space<vmem>>, vector<16xf32>,
        tpu.vector_store %arg8[%swap3A_114], %gather3A_113 {strides = array<i32>} : memref<2000xf32, #tpu.memory_space<vmem>>, vector<16xf32>,
        %get3A_116 = arith.constant 224 : index
        %get3A_117 = tpu.vector_load %arg6[%get3A_116] {strides = array<i32>} : memref<2000xi32, #tpu.memory_space<vmem>>, vector<16xi32>,
        %gather3A_118 = tpu.vector_load_idx %arg5[%get3A_117] : memref<100000xf32, #tpu.memory_space<vmem>>[vector<16xi32>], vector<16xf32>,
        %swap3A_119 = arith.constant 224 : index
        %swap3A_120 = tpu.vector_load %arg8[%swap3A_119] {strides = array<i32>} : memref<2000xf32, #tpu.memory_space<vmem>>, vector<16xf32>,
        tpu.vector_store %arg8[%swap3A_119], %gather3A_118 {strides = array<i32>} : memref<2000xf32, #tpu.memory_space<vmem>>, vector<16xf32>,
        %get3A_121 = arith.constant 240 : index
        %get3A_122 = tpu.vector_load %arg6[%get3A_121] {strides = array<i32>} : memref<2000xi32, #tpu.memory_space<vmem>>, vector<16xi32>,
        %gather3A_123 = tpu.vector_load_idx %arg5[%get3A_122] : memref<100000xf32, #tpu.memory_space<vmem>>[vector<16xi32>], vector<16xf32>,
        %swap3A_124 = arith.constant 240 : index
        %swap3A_125 = tpu.vector_load %arg8[%swap3A_124] {strides = array<i32>} : memref<2000xf32, #tpu.memory_space<vmem>>, vector<16xf32>,
        tpu.vector_store %arg8[%swap3A_124], %gather3A_123 {strides = array<i32>} : memref<2000xf32, #tpu.memory_space<vmem>>, vector<16xf32>,
        %get3A_126 = arith.constant 256 : index
        %get3A_127 = tpu.vector_load %arg6[%get3A_126] {strides = array<i32>} : memref<2000xi32, #tpu.memory_space<vmem>>, vector<16xi32>,
        %gather3A_128 = tpu.vector_load_idx %arg5[%get3A_127] : memref<100000xf32, #tpu.memory_space<vmem>>[vector<16xi32>], vector<16xf32>,
        %swap3A_129 = arith.constant 256 : index
        %swap3A_130 = tpu.vector_load %arg8[%swap3A_129] {strides = array<i32>} : memref<2000xf32, #tpu.memory_space<vmem>>, vector<16xf32>,
        tpu.vector_store %arg8[%swap3A_129], %gather3A_128 {strides = array<i32>} : memref<2000xf32, #tpu.memory_space<vmem>>, vector<16xf32>,
        %get3A_131 = arith.constant 272 : index
        %get3A_132 = tpu.vector_load %arg6[%get3A_131] {strides = array<i32>} : memref<2000xi32, #tpu.memory_space<vmem>>, vector<16xi32>,
        %gather3A_133 = tpu.vector_load_idx %arg5[%get3A_132] : memref<100000xf32, #tpu.memory_space<vmem>>[vector<16xi32>], vector<16xf32>,
        %swap3A_134 = arith.constant 272 : index
        %swap3A_135 = tpu.vector_load %arg8[%swap3A_134] {strides = array<i32>} : memref<2000xf32, #tpu.memory_space<vmem>>, vector<16xf32>,
        tpu.vector_store %arg8[%swap3A_134], %gather3A_133 {strides = array<i32>} : memref<2000xf32, #tpu.memory_space<vmem>>, vector<16xf32>,
        %get3A_136 = arith.constant 288 : index
        %get3A_137 = tpu.vector_load %arg6[%get3A_136] {strides = array<i32>} : memref<2000xi32, #tpu.memory_space<vmem>>, vector<16xi32>,
        %gather3A_138 = tpu.vector_load_idx %arg5[%get3A_137] : memref<100000xf32, #tpu.memory_space<vmem>>[vector<16xi32>], vector<16xf32>,
        %swap3A_139 = arith.constant 288 : index
        %swap3A_140 = tpu.vector_load %arg8[%swap3A_139] {strides = array<i32>} : memref<2000xf32, #tpu.memory_space<vmem>>, vector<16xf32>,
        tpu.vector_store %arg8[%swap3A_139], %gather3A_138 {strides = array<i32>} : memref<2000xf32, #tpu.memory_space<vmem>>, vector<16xf32>,
        %get3A_141 = arith.constant 304 : index
        %get3A_142 = tpu.vector_load %arg6[%get3A_141] {strides = array<i32>} : memref<2000xi32, #tpu.memory_space<vmem>>, vector<16xi32>,
        %gather3A_143 = tpu.vector_load_idx %arg5[%get3A_142] : memref<100000xf32, #tpu.memory_space<vmem>>[vector<16xi32>], vector<16xf32>,
        %swap3A_144 = arith.constant 304 : index
        %swap3A_145 = tpu.vector_load %arg8[%swap3A_144] {strides = array<i32>} : memref<2000xf32, #tpu.memory_space<vmem>>, vector<16xf32>,
        tpu.vector_store %arg8[%swap3A_144], %gather3A_143 {strides = array<i32>} : memref<2000xf32, #tpu.memory_space<vmem>>, vector<16xf32>,
        %get3A_146 = arith.constant 320 : index
        %get3A_147 = tpu.vector_load %arg6[%get3A_146] {strides = array<i32>} : memref<2000xi32, #tpu.memory_space<vmem>>, vector<16xi32>,
        %gather3A_148 = tpu.vector_load_idx %arg5[%get3A_147] : memref<100000xf32, #tpu.memory_space<vmem>>[vector<16xi32>], vector<16xf32>,
        %swap3A_149 = arith.constant 320 : index
        %swap3A_150 = tpu.vector_load %arg8[%swap3A_149] {strides = array<i32>} : memref<2000xf32, #tpu.memory_space<vmem>>, vector<16xf32>,
        tpu.vector_store %arg8[%swap3A_149], %gather3A_148 {strides = array<i32>} : memref<2000xf32, #tpu.memory_space<vmem>>, vector<16xf32>,
        %get3A_151 = arith.constant 336 : index
        %get3A_152 = tpu.vector_load %arg6[%get3A_151] {strides = array<i32>} : memref<2000xi32, #tpu.memory_space<vmem>>, vector<16xi32>,
        %gather3A_153 = tpu.vector_load_idx %arg5[%get3A_152] : memref<100000xf32, #tpu.memory_space<vmem>>[vector<16xi32>], vector<16xf32>,
        %swap3A_154 = arith.constant 336 : index
        %swap3A_155 = tpu.vector_load %arg8[%swap3A_154] {strides = array<i32>} : memref<2000xf32, #tpu.memory_space<vmem>>, vector<16xf32>,
        tpu.vector_store %arg8[%swap3A_154], %gather3A_153 {strides = array<i32>} : memref<2000xf32, #tpu.memory_space<vmem>>, vector<16xf32>,
        %get3A_156 = arith.constant 352 : index
        %get3A_157 = tpu.vector_load %arg6[%get3A_156] {strides = array<i32>} : memref<2000xi32, #tpu.memory_space<vmem>>, vector<16xi32>,
        %gather3A_158 = tpu.vector_load_idx %arg5[%get3A_157] : memref<100000xf32, #tpu.memory_space<vmem>>[vector<16xi32>], vector<16xf32>,
        %swap3A_159 = arith.constant 352 : index
        %swap3A_160 = tpu.vector_load %arg8[%swap3A_159] {strides = array<i32>} : memref<2000xf32, #tpu.memory_space<vmem>>, vector<16xf32>,
        tpu.vector_store %arg8[%swap3A_159], %gather3A_158 {strides = array<i32>} : memref<2000xf32, #tpu.memory_space<vmem>>, vector<16xf32>,
        %get3A_161 = arith.constant 368 : index
        %get3A_162 = tpu.vector_load %arg6[%get3A_161] {strides = array<i32>} : memref<2000xi32, #tpu.memory_space<vmem>>, vector<16xi32>,
        %gather3A_163 = tpu.vector_load_idx %arg5[%get3A_162] : memref<100000xf32, #tpu.memory_space<vmem>>[vector<16xi32>], vector<16xf32>,
        %swap3A_164 = arith.constant 368 : index
        %swap3A_165 = tpu.vector_load %arg8[%swap3A_164] {strides = array<i32>} : memref<2000xf32, #tpu.memory_space<vmem>>, vector<16xf32>,
        tpu.vector_store %arg8[%swap3A_164], %gather3A_163 {strides = array<i32>} : memref<2000xf32, #tpu.memory_space<vmem>>, vector<16xf32>,
        %get3A_166 = arith.constant 384 : index
        %get3A_167 = tpu.vector_load %arg6[%get3A_166] {strides = array<i32>} : memref<2000xi32, #tpu.memory_space<vmem>>, vector<16xi32>,
        %gather3A_168 = tpu.vector_load_idx %arg5[%get3A_167] : memref<100000xf32, #tpu.memory_space<vmem>>[vector<16xi32>], vector<16xf32>,
        %swap3A_169 = arith.constant 384 : index
        %swap3A_170 = tpu.vector_load %arg8[%swap3A_169] {strides = array<i32>} : memref<2000xf32, #tpu.memory_space<vmem>>, vector<16xf32>,
        tpu.vector_store %arg8[%swap3A_169], %gather3A_168 {strides = array<i32>} : memref<2000xf32, #tpu.memory_space<vmem>>, vector<16xf32>,
        %get3A_171 = arith.constant 400 : index
        %get3A_172 = tpu.vector_load %arg6[%get3A_171] {strides = array<i32>} : memref<2000xi32, #tpu.memory_space<vmem>>, vector<16xi32>,
        %gather3A_173 = tpu.vector_load_idx %arg5[%get3A_172] : memref<100000xf32, #tpu.memory_space<vmem>>[vector<16xi32>], vector<16xf32>,
        %swap3A_174 = arith.constant 400 : index
        %swap3A_175 = tpu.vector_load %arg8[%swap3A_174] {strides = array<i32>} : memref<2000xf32, #tpu.memory_space<vmem>>, vector<16xf32>,
        tpu.vector_store %arg8[%swap3A_174], %gather3A_173 {strides = array<i32>} : memref<2000xf32, #tpu.memory_space<vmem>>, vector<16xf32>,
        %get3A_176 = arith.constant 416 : index
        %get3A_177 = tpu.vector_load %arg6[%get3A_176] {strides = array<i32>} : memref<2000xi32, #tpu.memory_space<vmem>>, vector<16xi32>,
        %gather3A_178 = tpu.vector_load_idx %arg5[%get3A_177] : memref<100000xf32, #tpu.memory_space<vmem>>[vector<16xi32>], vector<16xf32>,
        %swap3A_179 = arith.constant 416 : index
        %swap3A_180 = tpu.vector_load %arg8[%swap3A_179] {strides = array<i32>} : memref<2000xf32, #tpu.memory_space<vmem>>, vector<16xf32>,
        tpu.vector_store %arg8[%swap3A_179], %gather3A_178 {strides = array<i32>} : memref<2000xf32, #tpu.memory_space<vmem>>, vector<16xf32>,
        %get3A_181 = arith.constant 432 : index
        %get3A_182 = tpu.vector_load %arg6[%get3A_181] {strides = array<i32>} : memref<2000xi32, #tpu.memory_space<vmem>>, vector<16xi32>,
        %gather3A_183 = tpu.vector_load_idx %arg5[%get3A_182] : memref<100000xf32, #tpu.memory_space<vmem>>[vector<16xi32>], vector<16xf32>,
        %swap3A_184 = arith.constant 432 : index
        %swap3A_185 = tpu.vector_load %arg8[%swap3A_184] {strides = array<i32>} : memref<2000xf32, #tpu.memory_space<vmem>>, vector<16xf32>,
        tpu.vector_store %arg8[%swap3A_184], %gather3A_183 {strides = array<i32>} : memref<2000xf32, #tpu.memory_space<vmem>>, vector<16xf32>,
        %get3A_186 = arith.constant 448 : index
        %get3A_187 = tpu.vector_load %arg6[%get3A_186] {strides = array<i32>} : memref<2000xi32, #tpu.memory_space<vmem>>, vector<16xi32>,
        %gather3A_188 = tpu.vector_load_idx %arg5[%get3A_187] : memref<100000xf32, #tpu.memory_space<vmem>>[vector<16xi32>], vector<16xf32>,
        %swap3A_189 = arith.constant 448 : index
        %swap3A_190 = tpu.vector_load %arg8[%swap3A_189] {strides = array<i32>} : memref<2000xf32, #tpu.memory_space<vmem>>, vector<16xf32>,
        tpu.vector_store %arg8[%swap3A_189], %gather3A_188 {strides = array<i32>} : memref<2000xf32, #tpu.memory_space<vmem>>, vector<16xf32>,
        %get3A_191 = arith.constant 464 : index
        %get3A_192 = tpu.vector_load %arg6[%get3A_191] {strides = array<i32>} : memref<2000xi32, #tpu.memory_space<vmem>>, vector<16xi32>,
        %gather3A_193 = tpu.vector_load_idx %arg5[%get3A_192] : memref<100000xf32, #tpu.memory_space<vmem>>[vector<16xi32>], vector<16xf32>,
        %swap3A_194 = arith.constant 464 : index
        %swap3A_195 = tpu.vector_load %arg8[%swap3A_194] {strides = array<i32>} : memref<2000xf32, #tpu.memory_space<vmem>>, vector<16xf32>,
        tpu.vector_store %arg8[%swap3A_194], %gather3A_193 {strides = array<i32>} : memref<2000xf32, #tpu.memory_space<vmem>>, vector<16xf32>,
        %get3A_196 = arith.constant 480 : index
        %get3A_197 = tpu.vector_load %arg6[%get3A_196] {strides = array<i32>} : memref<2000xi32, #tpu.memory_space<vmem>>, vector<16xi32>,
        %gather3A_198 = tpu.vector_load_idx %arg5[%get3A_197] : memref<100000xf32, #tpu.memory_space<vmem>>[vector<16xi32>], vector<16xf32>,
        %swap3A_199 = arith.constant 480 : index
        %swap3A_200 = tpu.vector_load %arg8[%swap3A_199] {strides = array<i32>} : memref<2000xf32, #tpu.memory_space<vmem>>, vector<16xf32>,
        tpu.vector_store %arg8[%swap3A_199], %gather3A_198 {strides = array<i32>} : memref<2000xf32, #tpu.memory_space<vmem>>, vector<16xf32>,
        %get3A_201 = arith.constant 496 : index
        %get3A_202 = tpu.vector_load %arg6[%get3A_201] {strides = array<i32>} : memref<2000xi32, #tpu.memory_space<vmem>>, vector<16xi32>,
        %gather3A_203 = tpu.vector_load_idx %arg5[%get3A_202] : memref<100000xf32, #tpu.memory_space<vmem>>[vector<16xi32>], vector<16xf32>,
        %swap3A_204 = arith.constant 496 : index
        %swap3A_205 = tpu.vector_load %arg8[%swap3A_204] {strides = array<i32>} : memref<2000xf32, #tpu.memory_space<vmem>>, vector<16xf32>,
        tpu.vector_store %arg8[%swap3A_204], %gather3A_203 {strides = array<i32>} : memref<2000xf32, #tpu.memory_space<vmem>>, vector<16xf32>,
        %get3A_206 = arith.constant 512 : index
        %get3A_207 = tpu.vector_load %arg6[%get3A_206] {strides = array<i32>} : memref<2000xi32, #tpu.memory_space<vmem>>, vector<16xi32>,
        %gather3A_208 = tpu.vector_load_idx %arg5[%get3A_207] : memref<100000xf32, #tpu.memory_space<vmem>>[vector<16xi32>], vector<16xf32>,
        %swap3A_209 = arith.constant 512 : index
        %swap3A_210 = tpu.vector_load %arg8[%swap3A_209] {strides = array<i32>} : memref<2000xf32, #tpu.memory_space<vmem>>, vector<16xf32>,
        tpu.vector_store %arg8[%swap3A_209], %gather3A_208 {strides = array<i32>} : memref<2000xf32, #tpu.memory_space<vmem>>, vector<16xf32>,
        %get3A_211 = arith.constant 528 : index
        %get3A_212 = tpu.vector_load %arg6[%get3A_211] {strides = array<i32>} : memref<2000xi32, #tpu.memory_space<vmem>>, vector<16xi32>,
        %gather3A_213 = tpu.vector_load_idx %arg5[%get3A_212] : memref<100000xf32, #tpu.memory_space<vmem>>[vector<16xi32>], vector<16xf32>,
        %swap3A_214 = arith.constant 528 : index
        %swap3A_215 = tpu.vector_load %arg8[%swap3A_214] {strides = array<i32>} : memref<2000xf32, #tpu.memory_space<vmem>>, vector<16xf32>,
        tpu.vector_store %arg8[%swap3A_214], %gather3A_213 {strides = array<i32>} : memref<2000xf32, #tpu.memory_space<vmem>>, vector<16xf32>,
        %get3A_216 = arith.constant 544 : index
        %get3A_217 = tpu.vector_load %arg6[%get3A_216] {strides = array<i32>} : memref<2000xi32, #tpu.memory_space<vmem>>, vector<16xi32>,
        %gather3A_218 = tpu.vector_load_idx %arg5[%get3A_217] : memref<100000xf32, #tpu.memory_space<vmem>>[vector<16xi32>], vector<16xf32>,
        %swap3A_219 = arith.constant 544 : index
        %swap3A_220 = tpu.vector_load %arg8[%swap3A_219] {strides = array<i32>} : memref<2000xf32, #tpu.memory_space<vmem>>, vector<16xf32>,
        tpu.vector_store %arg8[%swap3A_219], %gather3A_218 {strides = array<i32>} : memref<2000xf32, #tpu.memory_space<vmem>>, vector<16xf32>,
        %get3A_221 = arith.constant 560 : index
        %get3A_222 = tpu.vector_load %arg6[%get3A_221] {strides = array<i32>} : memref<2000xi32, #tpu.memory_space<vmem>>, vector<16xi32>,
        %gather3A_223 = tpu.vector_load_idx %arg5[%get3A_222] : memref<100000xf32, #tpu.memory_space<vmem>>[vector<16xi32>], vector<16xf32>,
        %swap3A_224 = arith.constant 560 : index
        %swap3A_225 = tpu.vector_load %arg8[%swap3A_224] {strides = array<i32>} : memref<2000xf32, #tpu.memory_space<vmem>>, vector<16xf32>,
        tpu.vector_store %arg8[%swap3A_224], %gather3A_223 {strides = array<i32>} : memref<2000xf32, #tpu.memory_space<vmem>>, vector<16xf32>,
        %get3A_226 = arith.constant 576 : index
        %get3A_227 = tpu.vector_load %arg6[%get3A_226] {strides = array<i32>} : memref<2000xi32, #tpu.memory_space<vmem>>, vector<16xi32>,
        %gather3A_228 = tpu.vector_load_idx %arg5[%get3A_227] : memref<100000xf32, #tpu.memory_space<vmem>>[vector<16xi32>], vector<16xf32>,
        %swap3A_229 = arith.constant 576 : index
        %swap3A_230 = tpu.vector_load %arg8[%swap3A_229] {strides = array<i32>} : memref<2000xf32, #tpu.memory_space<vmem>>, vector<16xf32>,
        tpu.vector_store %arg8[%swap3A_229], %gather3A_228 {strides = array<i32>} : memref<2000xf32, #tpu.memory_space<vmem>>, vector<16xf32>,
        %get3A_231 = arith.constant 592 : index
        %get3A_232 = tpu.vector_load %arg6[%get3A_231] {strides = array<i32>} : memref<2000xi32, #tpu.memory_space<vmem>>, vector<16xi32>,
        %gather3A_233 = tpu.vector_load_idx %arg5[%get3A_232] : memref<100000xf32, #tpu.memory_space<vmem>>[vector<16xi32>], vector<16xf32>,
        %swap3A_234 = arith.constant 592 : index
        %swap3A_235 = tpu.vector_load %arg8[%swap3A_234] {strides = array<i32>} : memref<2000xf32, #tpu.memory_space<vmem>>, vector<16xf32>,
        tpu.vector_store %arg8[%swap3A_234], %gather3A_233 {strides = array<i32>} : memref<2000xf32, #tpu.memory_space<vmem>>, vector<16xf32>,
        %get3A_236 = arith.constant 608 : index
        %get3A_237 = tpu.vector_load %arg6[%get3A_236] {strides = array<i32>} : memref<2000xi32, #tpu.memory_space<vmem>>, vector<16xi32>,
        %gather3A_238 = tpu.vector_load_idx %arg5[%get3A_237] : memref<100000xf32, #tpu.memory_space<vmem>>[vector<16xi32>], vector<16xf32>,
        %swap3A_239 = arith.constant 608 : index
        %swap3A_240 = tpu.vector_load %arg8[%swap3A_239] {strides = array<i32>} : memref<2000xf32, #tpu.memory_space<vmem>>, vector<16xf32>,
        tpu.vector_store %arg8[%swap3A_239], %gather3A_238 {strides = array<i32>} : memref<2000xf32, #tpu.memory_space<vmem>>, vector<16xf32>,
        %get3A_241 = arith.constant 624 : index
        %get3A_242 = tpu.vector_load %arg6[%get3A_241] {strides = array<i32>} : memref<2000xi32, #tpu.memory_space<vmem>>, vector<16xi32>,
        %gather3A_243 = tpu.vector_load_idx %arg5[%get3A_242] : memref<100000xf32, #tpu.memory_space<vmem>>[vector<16xi32>], vector<16xf32>,
        %swap3A_244 = arith.constant 624 : index
        %swap3A_245 = tpu.vector_load %arg8[%swap3A_244] {strides = array<i32>} : memref<2000xf32, #tpu.memory_space<vmem>>, vector<16xf32>,
        tpu.vector_store %arg8[%swap3A_244], %gather3A_243 {strides = array<i32>} : memref<2000xf32, #tpu.memory_space<vmem>>, vector<16xf32>,
        %get3A_246 = arith.constant 640 : index
        %get3A_247 = tpu.vector_load %arg6[%get3A_246] {strides = array<i32>} : memref<2000xi32, #tpu.memory_space<vmem>>, vector<16xi32>,
        %gather3A_248 = tpu.vector_load_idx %arg5[%get3A_247] : memref<100000xf32, #tpu.memory_space<vmem>>[vector<16xi32>], vector<16xf32>,
        %swap3A_249 = arith.constant 640 : index
        %swap3A_250 = tpu.vector_load %arg8[%swap3A_249] {strides = array<i32>} : memref<2000xf32, #tpu.memory_space<vmem>>, vector<16xf32>,
        tpu.vector_store %arg8[%swap3A_249], %gather3A_248 {strides = array<i32>} : memref<2000xf32, #tpu.memory_space<vmem>>, vector<16xf32>,
        %get3A_251 = arith.constant 656 : index
        %get3A_252 = tpu.vector_load %arg6[%get3A_251] {strides = array<i32>} : memref<2000xi32, #tpu.memory_space<vmem>>, vector<16xi32>,
        %gather3A_253 = tpu.vector_load_idx %arg5[%get3A_252] : memref<100000xf32, #tpu.memory_space<vmem>>[vector<16xi32>], vector<16xf32>,
        %swap3A_254 = arith.constant 656 : index
        %swap3A_255 = tpu.vector_load %arg8[%swap3A_254] {strides = array<i32>} : memref<2000xf32, #tpu.memory_space<vmem>>, vector<16xf32>,
        tpu.vector_store %arg8[%swap3A_254], %gather3A_253 {strides = array<i32>} : memref<2000xf32, #tpu.memory_space<vmem>>, vector<16xf32>,
        %get3A_256 = arith.constant 672 : index
        %get3A_257 = tpu.vector_load %arg6[%get3A_256] {strides = array<i32>} : memref<2000xi32, #tpu.memory_space<vmem>>, vector<16xi32>,
        %gather3A_258 = tpu.vector_load_idx %arg5[%get3A_257] : memref<100000xf32, #tpu.memory_space<vmem>>[vector<16xi32>], vector<16xf32>,
        %swap3A_259 = arith.constant 672 : index
        %swap3A_260 = tpu.vector_load %arg8[%swap3A_259] {strides = array<i32>} : memref<2000xf32, #tpu.memory_space<vmem>>, vector<16xf32>,
        tpu.vector_store %arg8[%swap3A_259], %gather3A_258 {strides = array<i32>} : memref<2000xf32, #tpu.memory_space<vmem>>, vector<16xf32>,
        %get3A_261 = arith.constant 688 : index
        %get3A_262 = tpu.vector_load %arg6[%get3A_261] {strides = array<i32>} : memref<2000xi32, #tpu.memory_space<vmem>>, vector<16xi32>,
        %gather3A_263 = tpu.vector_load_idx %arg5[%get3A_262] : memref<100000xf32, #tpu.memory_space<vmem>>[vector<16xi32>], vector<16xf32>,
        %swap3A_264 = arith.constant 688 : index
        %swap3A_265 = tpu.vector_load %arg8[%swap3A_264] {strides = array<i32>} : memref<2000xf32, #tpu.memory_space<vmem>>, vector<16xf32>,
        tpu.vector_store %arg8[%swap3A_264], %gather3A_263 {strides = array<i32>} : memref<2000xf32, #tpu.memory_space<vmem>>, vector<16xf32>,
        %get3A_266 = arith.constant 704 : index
        %get3A_267 = tpu.vector_load %arg6[%get3A_266] {strides = array<i32>} : memref<2000xi32, #tpu.memory_space<vmem>>, vector<16xi32>,
        %gather3A_268 = tpu.vector_load_idx %arg5[%get3A_267] : memref<100000xf32, #tpu.memory_space<vmem>>[vector<16xi32>], vector<16xf32>,
        %swap3A_269 = arith.constant 704 : index
        %swap3A_270 = tpu.vector_load %arg8[%swap3A_269] {strides = array<i32>} : memref<2000xf32, #tpu.memory_space<vmem>>, vector<16xf32>,
        tpu.vector_store %arg8[%swap3A_269], %gather3A_268 {strides = array<i32>} : memref<2000xf32, #tpu.memory_space<vmem>>, vector<16xf32>,
        %get3A_271 = arith.constant 720 : index
        %get3A_272 = tpu.vector_load %arg6[%get3A_271] {strides = array<i32>} : memref<2000xi32, #tpu.memory_space<vmem>>, vector<16xi32>,
        %gather3A_273 = tpu.vector_load_idx %arg5[%get3A_272] : memref<100000xf32, #tpu.memory_space<vmem>>[vector<16xi32>], vector<16xf32>,
        %swap3A_274 = arith.constant 720 : index
        %swap3A_275 = tpu.vector_load %arg8[%swap3A_274] {strides = array<i32>} : memref<2000xf32, #tpu.memory_space<vmem>>, vector<16xf32>,
        tpu.vector_store %arg8[%swap3A_274], %gather3A_273 {strides = array<i32>} : memref<2000xf32, #tpu.memory_space<vmem>>, vector<16xf32>,
        %get3A_276 = arith.constant 736 : index
        %get3A_277 = tpu.vector_load %arg6[%get3A_276] {strides = array<i32>} : memref<2000xi32, #tpu.memory_space<vmem>>, vector<16xi32>,
        %gather3A_278 = tpu.vector_load_idx %arg5[%get3A_277] : memref<100000xf32, #tpu.memory_space<vmem>>[vector<16xi32>], vector<16xf32>,
        %swap3A_279 = arith.constant 736 : index
        %swap3A_280 = tpu.vector_load %arg8[%swap3A_279] {strides = array<i32>} : memref<2000xf32, #tpu.memory_space<vmem>>, vector<16xf32>,
        tpu.vector_store %arg8[%swap3A_279], %gather3A_278 {strides = array<i32>} : memref<2000xf32, #tpu.memory_space<vmem>>, vector<16xf32>,
        %get3A_281 = arith.constant 752 : index
        %get3A_282 = tpu.vector_load %arg6[%get3A_281] {strides = array<i32>} : memref<2000xi32, #tpu.memory_space<vmem>>, vector<16xi32>,
        %gather3A_283 = tpu.vector_load_idx %arg5[%get3A_282] : memref<100000xf32, #tpu.memory_space<vmem>>[vector<16xi32>], vector<16xf32>,
        %swap3A_284 = arith.constant 752 : index
        %swap3A_285 = tpu.vector_load %arg8[%swap3A_284] {strides = array<i32>} : memref<2000xf32, #tpu.memory_space<vmem>>, vector<16xf32>,
        tpu.vector_store %arg8[%swap3A_284], %gather3A_283 {strides = array<i32>} : memref<2000xf32, #tpu.memory_space<vmem>>, vector<16xf32>,
        %get3A_286 = arith.constant 768 : index
        %get3A_287 = tpu.vector_load %arg6[%get3A_286] {strides = array<i32>} : memref<2000xi32, #tpu.memory_space<vmem>>, vector<16xi32>,
        %gather3A_288 = tpu.vector_load_idx %arg5[%get3A_287] : memref<100000xf32, #tpu.memory_space<vmem>>[vector<16xi32>], vector<16xf32>,
        %swap3A_289 = arith.constant 768 : index
        %swap3A_290 = tpu.vector_load %arg8[%swap3A_289] {strides = array<i32>} : memref<2000xf32, #tpu.memory_space<vmem>>, vector<16xf32>,
        tpu.vector_store %arg8[%swap3A_289], %gather3A_288 {strides = array<i32>} : memref<2000xf32, #tpu.memory_space<vmem>>, vector<16xf32>,
        %get3A_291 = arith.constant 784 : index
        %get3A_292 = tpu.vector_load %arg6[%get3A_291] {strides = array<i32>} : memref<2000xi32, #tpu.memory_space<vmem>>, vector<16xi32>,
        %gather3A_293 = tpu.vector_load_idx %arg5[%get3A_292] : memref<100000xf32, #tpu.memory_space<vmem>>[vector<16xi32>], vector<16xf32>,
        %swap3A_294 = arith.constant 784 : index
        %swap3A_295 = tpu.vector_load %arg8[%swap3A_294] {strides = array<i32>} : memref<2000xf32, #tpu.memory_space<vmem>>, vector<16xf32>,
        tpu.vector_store %arg8[%swap3A_294], %gather3A_293 {strides = array<i32>} : memref<2000xf32, #tpu.memory_space<vmem>>, vector<16xf32>,
        %get3A_296 = arith.constant 800 : index
        %get3A_297 = tpu.vector_load %arg6[%get3A_296] {strides = array<i32>} : memref<2000xi32, #tpu.memory_space<vmem>>, vector<16xi32>,
        %gather3A_298 = tpu.vector_load_idx %arg5[%get3A_297] : memref<100000xf32, #tpu.memory_space<vmem>>[vector<16xi32>], vector<16xf32>,
        %swap3A_299 = arith.constant 800 : index
        %swap3A_300 = tpu.vector_load %arg8[%swap3A_299] {strides = array<i32>} : memref<2000xf32, #tpu.memory_space<vmem>>, vector<16xf32>,
        tpu.vector_store %arg8[%swap3A_299], %gather3A_298 {strides = array<i32>} : memref<2000xf32, #tpu.memory_space<vmem>>, vector<16xf32>,
        %get3A_301 = arith.constant 816 : index
        %get3A_302 = tpu.vector_load %arg6[%get3A_301] {strides = array<i32>} : memref<2000xi32, #tpu.memory_space<vmem>>, vector<16xi32>,
        %gather3A_303 = tpu.vector_load_idx %arg5[%get3A_302] : memref<100000xf32, #tpu.memory_space<vmem>>[vector<16xi32>], vector<16xf32>,
        %swap3A_304 = arith.constant 816 : index
        %swap3A_305 = tpu.vector_load %arg8[%swap3A_304] {strides = array<i32>} : memref<2000xf32, #tpu.memory_space<vmem>>, vector<16xf32>,
        tpu.vector_store %arg8[%swap3A_304], %gather3A_303 {strides = array<i32>} : memref<2000xf32, #tpu.memory_space<vmem>>, vector<16xf32>,
        %get3A_306 = arith.constant 832 : index
        %get3A_307 = tpu.vector_load %arg6[%get3A_306] {strides = array<i32>} : memref<2000xi32, #tpu.memory_space<vmem>>, vector<16xi32>,
        %gather3A_308 = tpu.vector_load_idx %arg5[%get3A_307] : memref<100000xf32, #tpu.memory_space<vmem>>[vector<16xi32>], vector<16xf32>,
        %swap3A_309 = arith.constant 832 : index
        %swap3A_310 = tpu.vector_load %arg8[%swap3A_309] {strides = array<i32>} : memref<2000xf32, #tpu.memory_space<vmem>>, vector<16xf32>,
        tpu.vector_store %arg8[%swap3A_309], %gather3A_308 {strides = array<i32>} : memref<2000xf32, #tpu.memory_space<vmem>>, vector<16xf32>,
        %get3A_311 = arith.constant 848 : index
        %get3A_312 = tpu.vector_load %arg6[%get3A_311] {strides = array<i32>} : memref<2000xi32, #tpu.memory_space<vmem>>, vector<16xi32>,
        %gather3A_313 = tpu.vector_load_idx %arg5[%get3A_312] : memref<100000xf32, #tpu.memory_space<vmem>>[vector<16xi32>], vector<16xf32>,
        %swap3A_314 = arith.constant 848 : index
        %swap3A_315 = tpu.vector_load %arg8[%swap3A_314] {strides = array<i32>} : memref<2000xf32, #tpu.memory_space<vmem>>, vector<16xf32>,
        tpu.vector_store %arg8[%swap3A_314], %gather3A_313 {strides = array<i32>} : memref<2000xf32, #tpu.memory_space<vmem>>, vector<16xf32>,
        %get3A_316 = arith.constant 864 : index
        %get3A_317 = tpu.vector_load %arg6[%get3A_316] {strides = array<i32>} : memref<2000xi32, #tpu.memory_space<vmem>>, vector<16xi32>,
        %gather3A_318 = tpu.vector_load_idx %arg5[%get3A_317] : memref<100000xf32, #tpu.memory_space<vmem>>[vector<16xi32>], vector<16xf32>,
        %swap3A_319 = arith.constant 864 : index
        %swap3A_320 = tpu.vector_load %arg8[%swap3A_319] {strides = array<i32>} : memref<2000xf32, #tpu.memory_space<vmem>>, vector<16xf32>,
        tpu.vector_store %arg8[%swap3A_319], %gather3A_318 {strides = array<i32>} : memref<2000xf32, #tpu.memory_space<vmem>>, vector<16xf32>,
        %get3A_321 = arith.constant 880 : index
        %get3A_322 = tpu.vector_load %arg6[%get3A_321] {strides = array<i32>} : memref<2000xi32, #tpu.memory_space<vmem>>, vector<16xi32>,
        %gather3A_323 = tpu.vector_load_idx %arg5[%get3A_322] : memref<100000xf32, #tpu.memory_space<vmem>>[vector<16xi32>], vector<16xf32>,
        %swap3A_324 = arith.constant 880 : index
        %swap3A_325 = tpu.vector_load %arg8[%swap3A_324] {strides = array<i32>} : memref<2000xf32, #tpu.memory_space<vmem>>, vector<16xf32>,
        tpu.vector_store %arg8[%swap3A_324], %gather3A_323 {strides = array<i32>} : memref<2000xf32, #tpu.memory_space<vmem>>, vector<16xf32>,
        %get3A_326 = arith.constant 896 : index
        %get3A_327 = tpu.vector_load %arg6[%get3A_326] {strides = array<i32>} : memref<2000xi32, #tpu.memory_space<vmem>>, vector<16xi32>,
        %gather3A_328 = tpu.vector_load_idx %arg5[%get3A_327] : memref<100000xf32, #tpu.memory_space<vmem>>[vector<16xi32>], vector<16xf32>,
        %swap3A_329 = arith.constant 896 : index
        %swap3A_330 = tpu.vector_load %arg8[%swap3A_329] {strides = array<i32>} : memref<2000xf32, #tpu.memory_space<vmem>>, vector<16xf32>,
        tpu.vector_store %arg8[%swap3A_329], %gather3A_328 {strides = array<i32>} : memref<2000xf32, #tpu.memory_space<vmem>>, vector<16xf32>,
        %get3A_331 = arith.constant 912 : index
        %get3A_332 = tpu.vector_load %arg6[%get3A_331] {strides = array<i32>} : memref<2000xi32, #tpu.memory_space<vmem>>, vector<16xi32>,
        %gather3A_333 = tpu.vector_load_idx %arg5[%get3A_332] : memref<100000xf32, #tpu.memory_space<vmem>>[vector<16xi32>], vector<16xf32>,
        %swap3A_334 = arith.constant 912 : index
        %swap3A_335 = tpu.vector_load %arg8[%swap3A_334] {strides = array<i32>} : memref<2000xf32, #tpu.memory_space<vmem>>, vector<16xf32>,
        tpu.vector_store %arg8[%swap3A_334], %gather3A_333 {strides = array<i32>} : memref<2000xf32, #tpu.memory_space<vmem>>, vector<16xf32>,
        %get3A_336 = arith.constant 928 : index
        %get3A_337 = tpu.vector_load %arg6[%get3A_336] {strides = array<i32>} : memref<2000xi32, #tpu.memory_space<vmem>>, vector<16xi32>,
        %gather3A_338 = tpu.vector_load_idx %arg5[%get3A_337] : memref<100000xf32, #tpu.memory_space<vmem>>[vector<16xi32>], vector<16xf32>,
        %swap3A_339 = arith.constant 928 : index
        %swap3A_340 = tpu.vector_load %arg8[%swap3A_339] {strides = array<i32>} : memref<2000xf32, #tpu.memory_space<vmem>>, vector<16xf32>,
        tpu.vector_store %arg8[%swap3A_339], %gather3A_338 {strides = array<i32>} : memref<2000xf32, #tpu.memory_space<vmem>>, vector<16xf32>,
        %get3A_341 = arith.constant 944 : index
        %get3A_342 = tpu.vector_load %arg6[%get3A_341] {strides = array<i32>} : memref<2000xi32, #tpu.memory_space<vmem>>, vector<16xi32>,
        %gather3A_343 = tpu.vector_load_idx %arg5[%get3A_342] : memref<100000xf32, #tpu.memory_space<vmem>>[vector<16xi32>], vector<16xf32>,
        %swap3A_344 = arith.constant 944 : index
        %swap3A_345 = tpu.vector_load %arg8[%swap3A_344] {strides = array<i32>} : memref<2000xf32, #tpu.memory_space<vmem>>, vector<16xf32>,
        tpu.vector_store %arg8[%swap3A_344], %gather3A_343 {strides = array<i32>} : memref<2000xf32, #tpu.memory_space<vmem>>, vector<16xf32>,
        %get3A_346 = arith.constant 960 : index
        %get3A_347 = tpu.vector_load %arg6[%get3A_346] {strides = array<i32>} : memref<2000xi32, #tpu.memory_space<vmem>>, vector<16xi32>,
        %gather3A_348 = tpu.vector_load_idx %arg5[%get3A_347] : memref<100000xf32, #tpu.memory_space<vmem>>[vector<16xi32>], vector<16xf32>,
        %swap3A_349 = arith.constant 960 : index
        %swap3A_350 = tpu.vector_load %arg8[%swap3A_349] {strides = array<i32>} : memref<2000xf32, #tpu.memory_space<vmem>>, vector<16xf32>,
        tpu.vector_store %arg8[%swap3A_349], %gather3A_348 {strides = array<i32>} : memref<2000xf32, #tpu.memory_space<vmem>>, vector<16xf32>,
        %get3A_351 = arith.constant 976 : index
        %get3A_352 = tpu.vector_load %arg6[%get3A_351] {strides = array<i32>} : memref<2000xi32, #tpu.memory_space<vmem>>, vector<16xi32>,
        %gather3A_353 = tpu.vector_load_idx %arg5[%get3A_352] : memref<100000xf32, #tpu.memory_space<vmem>>[vector<16xi32>], vector<16xf32>,
        %swap3A_354 = arith.constant 976 : index
        %swap3A_355 = tpu.vector_load %arg8[%swap3A_354] {strides = array<i32>} : memref<2000xf32, #tpu.memory_space<vmem>>, vector<16xf32>,
        tpu.vector_store %arg8[%swap3A_354], %gather3A_353 {strides = array<i32>} : memref<2000xf32, #tpu.memory_space<vmem>>, vector<16xf32>,
        %get3A_356 = arith.constant 992 : index
        %get3A_357 = tpu.vector_load %arg6[%get3A_356] {strides = array<i32>} : memref<2000xi32, #tpu.memory_space<vmem>>, vector<16xi32>,
        %gather3A_358 = tpu.vector_load_idx %arg5[%get3A_357] : memref<100000xf32, #tpu.memory_space<vmem>>[vector<16xi32>], vector<16xf32>,
        %swap3A_359 = arith.constant 992 : index
        %swap3A_360 = tpu.vector_load %arg8[%swap3A_359] {strides = array<i32>} : memref<2000xf32, #tpu.memory_space<vmem>>, vector<16xf32>,
        tpu.vector_store %arg8[%swap3A_359], %gather3A_358 {strides = array<i32>} : memref<2000xf32, #tpu.memory_space<vmem>>, vector<16xf32>,
        %get3A_361 = arith.constant 1008 : index
        %get3A_362 = tpu.vector_load %arg6[%get3A_361] {strides = array<i32>} : memref<2000xi32, #tpu.memory_space<vmem>>, vector<16xi32>,
        %gather3A_363 = tpu.vector_load_idx %arg5[%get3A_362] : memref<100000xf32, #tpu.memory_space<vmem>>[vector<16xi32>], vector<16xf32>,
        %swap3A_364 = arith.constant 1008 : index
        %swap3A_365 = tpu.vector_load %arg8[%swap3A_364] {strides = array<i32>} : memref<2000xf32, #tpu.memory_space<vmem>>, vector<16xf32>,
        tpu.vector_store %arg8[%swap3A_364], %gather3A_363 {strides = array<i32>} : memref<2000xf32, #tpu.memory_space<vmem>>, vector<16xf32>,
        %get3A_366 = arith.constant 1024 : index
        %get3A_367 = tpu.vector_load %arg6[%get3A_366] {strides = array<i32>} : memref<2000xi32, #tpu.memory_space<vmem>>, vector<16xi32>,
        %gather3A_368 = tpu.vector_load_idx %arg5[%get3A_367] : memref<100000xf32, #tpu.memory_space<vmem>>[vector<16xi32>], vector<16xf32>,
        %swap3A_369 = arith.constant 1024 : index
        %swap3A_370 = tpu.vector_load %arg8[%swap3A_369] {strides = array<i32>} : memref<2000xf32, #tpu.memory_space<vmem>>, vector<16xf32>,
        tpu.vector_store %arg8[%swap3A_369], %gather3A_368 {strides = array<i32>} : memref<2000xf32, #tpu.memory_space<vmem>>, vector<16xf32>,
        %get3A_371 = arith.constant 1040 : index
        %get3A_372 = tpu.vector_load %arg6[%get3A_371] {strides = array<i32>} : memref<2000xi32, #tpu.memory_space<vmem>>, vector<16xi32>,
        %gather3A_373 = tpu.vector_load_idx %arg5[%get3A_372] : memref<100000xf32, #tpu.memory_space<vmem>>[vector<16xi32>], vector<16xf32>,
        %swap3A_374 = arith.constant 1040 : index
        %swap3A_375 = tpu.vector_load %arg8[%swap3A_374] {strides = array<i32>} : memref<2000xf32, #tpu.memory_space<vmem>>, vector<16xf32>,
        tpu.vector_store %arg8[%swap3A_374], %gather3A_373 {strides = array<i32>} : memref<2000xf32, #tpu.memory_space<vmem>>, vector<16xf32>,
        %get3A_376 = arith.constant 1056 : index
        %get3A_377 = tpu.vector_load %arg6[%get3A_376] {strides = array<i32>} : memref<2000xi32, #tpu.memory_space<vmem>>, vector<16xi32>,
        %gather3A_378 = tpu.vector_load_idx %arg5[%get3A_377] : memref<100000xf32, #tpu.memory_space<vmem>>[vector<16xi32>], vector<16xf32>,
        %swap3A_379 = arith.constant 1056 : index
        %swap3A_380 = tpu.vector_load %arg8[%swap3A_379] {strides = array<i32>} : memref<2000xf32, #tpu.memory_space<vmem>>, vector<16xf32>,
        tpu.vector_store %arg8[%swap3A_379], %gather3A_378 {strides = array<i32>} : memref<2000xf32, #tpu.memory_space<vmem>>, vector<16xf32>,
        %get3A_381 = arith.constant 1072 : index
        %get3A_382 = tpu.vector_load %arg6[%get3A_381] {strides = array<i32>} : memref<2000xi32, #tpu.memory_space<vmem>>, vector<16xi32>,
        %gather3A_383 = tpu.vector_load_idx %arg5[%get3A_382] : memref<100000xf32, #tpu.memory_space<vmem>>[vector<16xi32>], vector<16xf32>,
        %swap3A_384 = arith.constant 1072 : index
        %swap3A_385 = tpu.vector_load %arg8[%swap3A_384] {strides = array<i32>} : memref<2000xf32, #tpu.memory_space<vmem>>, vector<16xf32>,
        tpu.vector_store %arg8[%swap3A_384], %gather3A_383 {strides = array<i32>} : memref<2000xf32, #tpu.memory_space<vmem>>, vector<16xf32>,
        %get3A_386 = arith.constant 1088 : index
        %get3A_387 = tpu.vector_load %arg6[%get3A_386] {strides = array<i32>} : memref<2000xi32, #tpu.memory_space<vmem>>, vector<16xi32>,
        %gather3A_388 = tpu.vector_load_idx %arg5[%get3A_387] : memref<100000xf32, #tpu.memory_space<vmem>>[vector<16xi32>], vector<16xf32>,
        %swap3A_389 = arith.constant 1088 : index
        %swap3A_390 = tpu.vector_load %arg8[%swap3A_389] {strides = array<i32>} : memref<2000xf32, #tpu.memory_space<vmem>>, vector<16xf32>,
        tpu.vector_store %arg8[%swap3A_389], %gather3A_388 {strides = array<i32>} : memref<2000xf32, #tpu.memory_space<vmem>>, vector<16xf32>,
        %get3A_391 = arith.constant 1104 : index
        %get3A_392 = tpu.vector_load %arg6[%get3A_391] {strides = array<i32>} : memref<2000xi32, #tpu.memory_space<vmem>>, vector<16xi32>,
        %gather3A_393 = tpu.vector_load_idx %arg5[%get3A_392] : memref<100000xf32, #tpu.memory_space<vmem>>[vector<16xi32>], vector<16xf32>,
        %swap3A_394 = arith.constant 1104 : index
        %swap3A_395 = tpu.vector_load %arg8[%swap3A_394] {strides = array<i32>} : memref<2000xf32, #tpu.memory_space<vmem>>, vector<16xf32>,
        tpu.vector_store %arg8[%swap3A_394], %gather3A_393 {strides = array<i32>} : memref<2000xf32, #tpu.memory_space<vmem>>, vector<16xf32>,
        %get3A_396 = arith.constant 1120 : index
        %get3A_397 = tpu.vector_load %arg6[%get3A_396] {strides = array<i32>} : memref<2000xi32, #tpu.memory_space<vmem>>, vector<16xi32>,
        %gather3A_398 = tpu.vector_load_idx %arg5[%get3A_397] : memref<100000xf32, #tpu.memory_space<vmem>>[vector<16xi32>], vector<16xf32>,
        %swap3A_399 = arith.constant 1120 : index
        %swap3A_400 = tpu.vector_load %arg8[%swap3A_399] {strides = array<i32>} : memref<2000xf32, #tpu.memory_space<vmem>>, vector<16xf32>,
        tpu.vector_store %arg8[%swap3A_399], %gather3A_398 {strides = array<i32>} : memref<2000xf32, #tpu.memory_space<vmem>>, vector<16xf32>,
        %get3A_401 = arith.constant 1136 : index
        %get3A_402 = tpu.vector_load %arg6[%get3A_401] {strides = array<i32>} : memref<2000xi32, #tpu.memory_space<vmem>>, vector<16xi32>,
        %gather3A_403 = tpu.vector_load_idx %arg5[%get3A_402] : memref<100000xf32, #tpu.memory_space<vmem>>[vector<16xi32>], vector<16xf32>,
        %swap3A_404 = arith.constant 1136 : index
        %swap3A_405 = tpu.vector_load %arg8[%swap3A_404] {strides = array<i32>} : memref<2000xf32, #tpu.memory_space<vmem>>, vector<16xf32>,
        tpu.vector_store %arg8[%swap3A_404], %gather3A_403 {strides = array<i32>} : memref<2000xf32, #tpu.memory_space<vmem>>, vector<16xf32>,
        %get3A_406 = arith.constant 1152 : index
        %get3A_407 = tpu.vector_load %arg6[%get3A_406] {strides = array<i32>} : memref<2000xi32, #tpu.memory_space<vmem>>, vector<16xi32>,
        %gather3A_408 = tpu.vector_load_idx %arg5[%get3A_407] : memref<100000xf32, #tpu.memory_space<vmem>>[vector<16xi32>], vector<16xf32>,
        %swap3A_409 = arith.constant 1152 : index
        %swap3A_410 = tpu.vector_load %arg8[%swap3A_409] {strides = array<i32>} : memref<2000xf32, #tpu.memory_space<vmem>>, vector<16xf32>,
        tpu.vector_store %arg8[%swap3A_409], %gather3A_408 {strides = array<i32>} : memref<2000xf32, #tpu.memory_space<vmem>>, vector<16xf32>,
        %get3A_411 = arith.constant 1168 : index
        %get3A_412 = tpu.vector_load %arg6[%get3A_411] {strides = array<i32>} : memref<2000xi32, #tpu.memory_space<vmem>>, vector<16xi32>,
        %gather3A_413 = tpu.vector_load_idx %arg5[%get3A_412] : memref<100000xf32, #tpu.memory_space<vmem>>[vector<16xi32>], vector<16xf32>,
        %swap3A_414 = arith.constant 1168 : index
        %swap3A_415 = tpu.vector_load %arg8[%swap3A_414] {strides = array<i32>} : memref<2000xf32, #tpu.memory_space<vmem>>, vector<16xf32>,
        tpu.vector_store %arg8[%swap3A_414], %gather3A_413 {strides = array<i32>} : memref<2000xf32, #tpu.memory_space<vmem>>, vector<16xf32>,
        %get3A_416 = arith.constant 1184 : index
        %get3A_417 = tpu.vector_load %arg6[%get3A_416] {strides = array<i32>} : memref<2000xi32, #tpu.memory_space<vmem>>, vector<16xi32>,
        %gather3A_418 = tpu.vector_load_idx %arg5[%get3A_417] : memref<100000xf32, #tpu.memory_space<vmem>>[vector<16xi32>], vector<16xf32>,
        %swap3A_419 = arith.constant 1184 : index
        %swap3A_420 = tpu.vector_load %arg8[%swap3A_419] {strides = array<i32>} : memref<2000xf32, #tpu.memory_space<vmem>>, vector<16xf32>,
        tpu.vector_store %arg8[%swap3A_419], %gather3A_418 {strides = array<i32>} : memref<2000xf32, #tpu.memory_space<vmem>>, vector<16xf32>,
        %get3A_421 = arith.constant 1200 : index
        %get3A_422 = tpu.vector_load %arg6[%get3A_421] {strides = array<i32>} : memref<2000xi32, #tpu.memory_space<vmem>>, vector<16xi32>,
        %gather3A_423 = tpu.vector_load_idx %arg5[%get3A_422] : memref<100000xf32, #tpu.memory_space<vmem>>[vector<16xi32>], vector<16xf32>,
        %swap3A_424 = arith.constant 1200 : index
        %swap3A_425 = tpu.vector_load %arg8[%swap3A_424] {strides = array<i32>} : memref<2000xf32, #tpu.memory_space<vmem>>, vector<16xf32>,
        tpu.vector_store %arg8[%swap3A_424], %gather3A_423 {strides = array<i32>} : memref<2000xf32, #tpu.memory_space<vmem>>, vector<16xf32>,
        %get3A_426 = arith.constant 1216 : index
        %get3A_427 = tpu.vector_load %arg6[%get3A_426] {strides = array<i32>} : memref<2000xi32, #tpu.memory_space<vmem>>, vector<16xi32>,
        %gather3A_428 = tpu.vector_load_idx %arg5[%get3A_427] : memref<100000xf32, #tpu.memory_space<vmem>>[vector<16xi32>], vector<16xf32>,
        %swap3A_429 = arith.constant 1216 : index
        %swap3A_430 = tpu.vector_load %arg8[%swap3A_429] {strides = array<i32>} : memref<2000xf32, #tpu.memory_space<vmem>>, vector<16xf32>,
        tpu.vector_store %arg8[%swap3A_429], %gather3A_428 {strides = array<i32>} : memref<2000xf32, #tpu.memory_space<vmem>>, vector<16xf32>,
        %get3A_431 = arith.constant 1232 : index
        %get3A_432 = tpu.vector_load %arg6[%get3A_431] {strides = array<i32>} : memref<2000xi32, #tpu.memory_space<vmem>>, vector<16xi32>,
        %gather3A_433 = tpu.vector_load_idx %arg5[%get3A_432] : memref<100000xf32, #tpu.memory_space<vmem>>[vector<16xi32>], vector<16xf32>,
        %swap3A_434 = arith.constant 1232 : index
        %swap3A_435 = tpu.vector_load %arg8[%swap3A_434] {strides = array<i32>} : memref<2000xf32, #tpu.memory_space<vmem>>, vector<16xf32>,
        tpu.vector_store %arg8[%swap3A_434], %gather3A_433 {strides = array<i32>} : memref<2000xf32, #tpu.memory_space<vmem>>, vector<16xf32>,
        %get3A_436 = arith.constant 1248 : index
        %get3A_437 = tpu.vector_load %arg6[%get3A_436] {strides = array<i32>} : memref<2000xi32, #tpu.memory_space<vmem>>, vector<16xi32>,
        %gather3A_438 = tpu.vector_load_idx %arg5[%get3A_437] : memref<100000xf32, #tpu.memory_space<vmem>>[vector<16xi32>], vector<16xf32>,
        %swap3A_439 = arith.constant 1248 : index
        %swap3A_440 = tpu.vector_load %arg8[%swap3A_439] {strides = array<i32>} : memref<2000xf32, #tpu.memory_space<vmem>>, vector<16xf32>,
        tpu.vector_store %arg8[%swap3A_439], %gather3A_438 {strides = array<i32>} : memref<2000xf32, #tpu.memory_space<vmem>>, vector<16xf32>,
        %get3A_441 = arith.constant 1264 : index
        %get3A_442 = tpu.vector_load %arg6[%get3A_441] {strides = array<i32>} : memref<2000xi32, #tpu.memory_space<vmem>>, vector<16xi32>,
        %gather3A_443 = tpu.vector_load_idx %arg5[%get3A_442] : memref<100000xf32, #tpu.memory_space<vmem>>[vector<16xi32>], vector<16xf32>,
        %swap3A_444 = arith.constant 1264 : index
        %swap3A_445 = tpu.vector_load %arg8[%swap3A_444] {strides = array<i32>} : memref<2000xf32, #tpu.memory_space<vmem>>, vector<16xf32>,
        tpu.vector_store %arg8[%swap3A_444], %gather3A_443 {strides = array<i32>} : memref<2000xf32, #tpu.memory_space<vmem>>, vector<16xf32>,
        %get3A_446 = arith.constant 1280 : index
        %get3A_447 = tpu.vector_load %arg6[%get3A_446] {strides = array<i32>} : memref<2000xi32, #tpu.memory_space<vmem>>, vector<16xi32>,
        %gather3A_448 = tpu.vector_load_idx %arg5[%get3A_447] : memref<100000xf32, #tpu.memory_space<vmem>>[vector<16xi32>], vector<16xf32>,
        %swap3A_449 = arith.constant 1280 : index
        %swap3A_450 = tpu.vector_load %arg8[%swap3A_449] {strides = array<i32>} : memref<2000xf32, #tpu.memory_space<vmem>>, vector<16xf32>,
        tpu.vector_store %arg8[%swap3A_449], %gather3A_448 {strides = array<i32>} : memref<2000xf32, #tpu.memory_space<vmem>>, vector<16xf32>,
        %get3A_451 = arith.constant 1296 : index
        %get3A_452 = tpu.vector_load %arg6[%get3A_451] {strides = array<i32>} : memref<2000xi32, #tpu.memory_space<vmem>>, vector<16xi32>,
        %gather3A_453 = tpu.vector_load_idx %arg5[%get3A_452] : memref<100000xf32, #tpu.memory_space<vmem>>[vector<16xi32>], vector<16xf32>,
        %swap3A_454 = arith.constant 1296 : index
        %swap3A_455 = tpu.vector_load %arg8[%swap3A_454] {strides = array<i32>} : memref<2000xf32, #tpu.memory_space<vmem>>, vector<16xf32>,
        tpu.vector_store %arg8[%swap3A_454], %gather3A_453 {strides = array<i32>} : memref<2000xf32, #tpu.memory_space<vmem>>, vector<16xf32>,
        %get3A_456 = arith.constant 1312 : index
        %get3A_457 = tpu.vector_load %arg6[%get3A_456] {strides = array<i32>} : memref<2000xi32, #tpu.memory_space<vmem>>, vector<16xi32>,
        %gather3A_458 = tpu.vector_load_idx %arg5[%get3A_457] : memref<100000xf32, #tpu.memory_space<vmem>>[vector<16xi32>], vector<16xf32>,
        %swap3A_459 = arith.constant 1312 : index
        %swap3A_460 = tpu.vector_load %arg8[%swap3A_459] {strides = array<i32>} : memref<2000xf32, #tpu.memory_space<vmem>>, vector<16xf32>,
        tpu.vector_store %arg8[%swap3A_459], %gather3A_458 {strides = array<i32>} : memref<2000xf32, #tpu.memory_space<vmem>>, vector<16xf32>,
        %get3A_461 = arith.constant 1328 : index
        %get3A_462 = tpu.vector_load %arg6[%get3A_461] {strides = array<i32>} : memref<2000xi32, #tpu.memory_space<vmem>>, vector<16xi32>,
        %gather3A_463 = tpu.vector_load_idx %arg5[%get3A_462] : memref<100000xf32, #tpu.memory_space<vmem>>[vector<16xi32>], vector<16xf32>,
        %swap3A_464 = arith.constant 1328 : index
        %swap3A_465 = tpu.vector_load %arg8[%swap3A_464] {strides = array<i32>} : memref<2000xf32, #tpu.memory_space<vmem>>, vector<16xf32>,
        tpu.vector_store %arg8[%swap3A_464], %gather3A_463 {strides = array<i32>} : memref<2000xf32, #tpu.memory_space<vmem>>, vector<16xf32>,
        %get3A_466 = arith.constant 1344 : index
        %get3A_467 = tpu.vector_load %arg6[%get3A_466] {strides = array<i32>} : memref<2000xi32, #tpu.memory_space<vmem>>, vector<16xi32>,
        %gather3A_468 = tpu.vector_load_idx %arg5[%get3A_467] : memref<100000xf32, #tpu.memory_space<vmem>>[vector<16xi32>], vector<16xf32>,
        %swap3A_469 = arith.constant 1344 : index
        %swap3A_470 = tpu.vector_load %arg8[%swap3A_469] {strides = array<i32>} : memref<2000xf32, #tpu.memory_space<vmem>>, vector<16xf32>,
        tpu.vector_store %arg8[%swap3A_469], %gather3A_468 {strides = array<i32>} : memref<2000xf32, #tpu.memory_space<vmem>>, vector<16xf32>,
        %get3A_471 = arith.constant 1360 : index
        %get3A_472 = tpu.vector_load %arg6[%get3A_471] {strides = array<i32>} : memref<2000xi32, #tpu.memory_space<vmem>>, vector<16xi32>,
        %gather3A_473 = tpu.vector_load_idx %arg5[%get3A_472] : memref<100000xf32, #tpu.memory_space<vmem>>[vector<16xi32>], vector<16xf32>,
        %swap3A_474 = arith.constant 1360 : index
        %swap3A_475 = tpu.vector_load %arg8[%swap3A_474] {strides = array<i32>} : memref<2000xf32, #tpu.memory_space<vmem>>, vector<16xf32>,
        tpu.vector_store %arg8[%swap3A_474], %gather3A_473 {strides = array<i32>} : memref<2000xf32, #tpu.memory_space<vmem>>, vector<16xf32>,
        %get3A_476 = arith.constant 1376 : index
        %get3A_477 = tpu.vector_load %arg6[%get3A_476] {strides = array<i32>} : memref<2000xi32, #tpu.memory_space<vmem>>, vector<16xi32>,
        %gather3A_478 = tpu.vector_load_idx %arg5[%get3A_477] : memref<100000xf32, #tpu.memory_space<vmem>>[vector<16xi32>], vector<16xf32>,
        %swap3A_479 = arith.constant 1376 : index
        %swap3A_480 = tpu.vector_load %arg8[%swap3A_479] {strides = array<i32>} : memref<2000xf32, #tpu.memory_space<vmem>>, vector<16xf32>,
        tpu.vector_store %arg8[%swap3A_479], %gather3A_478 {strides = array<i32>} : memref<2000xf32, #tpu.memory_space<vmem>>, vector<16xf32>,
        %get3A_481 = arith.constant 1392 : index
        %get3A_482 = tpu.vector_load %arg6[%get3A_481] {strides = array<i32>} : memref<2000xi32, #tpu.memory_space<vmem>>, vector<16xi32>,
        %gather3A_483 = tpu.vector_load_idx %arg5[%get3A_482] : memref<100000xf32, #tpu.memory_space<vmem>>[vector<16xi32>], vector<16xf32>,
        %swap3A_484 = arith.constant 1392 : index
        %swap3A_485 = tpu.vector_load %arg8[%swap3A_484] {strides = array<i32>} : memref<2000xf32, #tpu.memory_space<vmem>>, vector<16xf32>,
        tpu.vector_store %arg8[%swap3A_484], %gather3A_483 {strides = array<i32>} : memref<2000xf32, #tpu.memory_space<vmem>>, vector<16xf32>,
        %get3A_486 = arith.constant 1408 : index
        %get3A_487 = tpu.vector_load %arg6[%get3A_486] {strides = array<i32>} : memref<2000xi32, #tpu.memory_space<vmem>>, vector<16xi32>,
        %gather3A_488 = tpu.vector_load_idx %arg5[%get3A_487] : memref<100000xf32, #tpu.memory_space<vmem>>[vector<16xi32>], vector<16xf32>,
        %swap3A_489 = arith.constant 1408 : index
        %swap3A_490 = tpu.vector_load %arg8[%swap3A_489] {strides = array<i32>} : memref<2000xf32, #tpu.memory_space<vmem>>, vector<16xf32>,
        tpu.vector_store %arg8[%swap3A_489], %gather3A_488 {strides = array<i32>} : memref<2000xf32, #tpu.memory_space<vmem>>, vector<16xf32>,
        %get3A_491 = arith.constant 1424 : index
        %get3A_492 = tpu.vector_load %arg6[%get3A_491] {strides = array<i32>} : memref<2000xi32, #tpu.memory_space<vmem>>, vector<16xi32>,
        %gather3A_493 = tpu.vector_load_idx %arg5[%get3A_492] : memref<100000xf32, #tpu.memory_space<vmem>>[vector<16xi32>], vector<16xf32>,
        %swap3A_494 = arith.constant 1424 : index
        %swap3A_495 = tpu.vector_load %arg8[%swap3A_494] {strides = array<i32>} : memref<2000xf32, #tpu.memory_space<vmem>>, vector<16xf32>,
        tpu.vector_store %arg8[%swap3A_494], %gather3A_493 {strides = array<i32>} : memref<2000xf32, #tpu.memory_space<vmem>>, vector<16xf32>,
        %get3A_496 = arith.constant 1440 : index
        %get3A_497 = tpu.vector_load %arg6[%get3A_496] {strides = array<i32>} : memref<2000xi32, #tpu.memory_space<vmem>>, vector<16xi32>,
        %gather3A_498 = tpu.vector_load_idx %arg5[%get3A_497] : memref<100000xf32, #tpu.memory_space<vmem>>[vector<16xi32>], vector<16xf32>,
        %swap3A_499 = arith.constant 1440 : index
        %swap3A_500 = tpu.vector_load %arg8[%swap3A_499] {strides = array<i32>} : memref<2000xf32, #tpu.memory_space<vmem>>, vector<16xf32>,
        tpu.vector_store %arg8[%swap3A_499], %gather3A_498 {strides = array<i32>} : memref<2000xf32, #tpu.memory_space<vmem>>, vector<16xf32>,
        %get3A_501 = arith.constant 1456 : index
        %get3A_502 = tpu.vector_load %arg6[%get3A_501] {strides = array<i32>} : memref<2000xi32, #tpu.memory_space<vmem>>, vector<16xi32>,
        %gather3A_503 = tpu.vector_load_idx %arg5[%get3A_502] : memref<100000xf32, #tpu.memory_space<vmem>>[vector<16xi32>], vector<16xf32>,
        %swap3A_504 = arith.constant 1456 : index
        %swap3A_505 = tpu.vector_load %arg8[%swap3A_504] {strides = array<i32>} : memref<2000xf32, #tpu.memory_space<vmem>>, vector<16xf32>,
        tpu.vector_store %arg8[%swap3A_504], %gather3A_503 {strides = array<i32>} : memref<2000xf32, #tpu.memory_space<vmem>>, vector<16xf32>,
        %get3A_506 = arith.constant 1472 : index
        %get3A_507 = tpu.vector_load %arg6[%get3A_506] {strides = array<i32>} : memref<2000xi32, #tpu.memory_space<vmem>>, vector<16xi32>,
        %gather3A_508 = tpu.vector_load_idx %arg5[%get3A_507] : memref<100000xf32, #tpu.memory_space<vmem>>[vector<16xi32>], vector<16xf32>,
        %swap3A_509 = arith.constant 1472 : index
        %swap3A_510 = tpu.vector_load %arg8[%swap3A_509] {strides = array<i32>} : memref<2000xf32, #tpu.memory_space<vmem>>, vector<16xf32>,
        tpu.vector_store %arg8[%swap3A_509], %gather3A_508 {strides = array<i32>} : memref<2000xf32, #tpu.memory_space<vmem>>, vector<16xf32>,
        %get3A_511 = arith.constant 1488 : index
        %get3A_512 = tpu.vector_load %arg6[%get3A_511] {strides = array<i32>} : memref<2000xi32, #tpu.memory_space<vmem>>, vector<16xi32>,
        %gather3A_513 = tpu.vector_load_idx %arg5[%get3A_512] : memref<100000xf32, #tpu.memory_space<vmem>>[vector<16xi32>], vector<16xf32>,
        %swap3A_514 = arith.constant 1488 : index
        %swap3A_515 = tpu.vector_load %arg8[%swap3A_514] {strides = array<i32>} : memref<2000xf32, #tpu.memory_space<vmem>>, vector<16xf32>,
        tpu.vector_store %arg8[%swap3A_514], %gather3A_513 {strides = array<i32>} : memref<2000xf32, #tpu.memory_space<vmem>>, vector<16xf32>,
        %get3A_516 = arith.constant 1504 : index
        %get3A_517 = tpu.vector_load %arg6[%get3A_516] {strides = array<i32>} : memref<2000xi32, #tpu.memory_space<vmem>>, vector<16xi32>,
        %gather3A_518 = tpu.vector_load_idx %arg5[%get3A_517] : memref<100000xf32, #tpu.memory_space<vmem>>[vector<16xi32>], vector<16xf32>,
        %swap3A_519 = arith.constant 1504 : index
        %swap3A_520 = tpu.vector_load %arg8[%swap3A_519] {strides = array<i32>} : memref<2000xf32, #tpu.memory_space<vmem>>, vector<16xf32>,
        tpu.vector_store %arg8[%swap3A_519], %gather3A_518 {strides = array<i32>} : memref<2000xf32, #tpu.memory_space<vmem>>, vector<16xf32>,
        %get3A_521 = arith.constant 1520 : index
        %get3A_522 = tpu.vector_load %arg6[%get3A_521] {strides = array<i32>} : memref<2000xi32, #tpu.memory_space<vmem>>, vector<16xi32>,
        %gather3A_523 = tpu.vector_load_idx %arg5[%get3A_522] : memref<100000xf32, #tpu.memory_space<vmem>>[vector<16xi32>], vector<16xf32>,
        %swap3A_524 = arith.constant 1520 : index
        %swap3A_525 = tpu.vector_load %arg8[%swap3A_524] {strides = array<i32>} : memref<2000xf32, #tpu.memory_space<vmem>>, vector<16xf32>,
        tpu.vector_store %arg8[%swap3A_524], %gather3A_523 {strides = array<i32>} : memref<2000xf32, #tpu.memory_space<vmem>>, vector<16xf32>,
        %get3A_526 = arith.constant 1536 : index
        %get3A_527 = tpu.vector_load %arg6[%get3A_526] {strides = array<i32>} : memref<2000xi32, #tpu.memory_space<vmem>>, vector<16xi32>,
        %gather3A_528 = tpu.vector_load_idx %arg5[%get3A_527] : memref<100000xf32, #tpu.memory_space<vmem>>[vector<16xi32>], vector<16xf32>,
        %swap3A_529 = arith.constant 1536 : index
        %swap3A_530 = tpu.vector_load %arg8[%swap3A_529] {strides = array<i32>} : memref<2000xf32, #tpu.memory_space<vmem>>, vector<16xf32>,
        tpu.vector_store %arg8[%swap3A_529], %gather3A_528 {strides = array<i32>} : memref<2000xf32, #tpu.memory_space<vmem>>, vector<16xf32>,
        %get3A_531 = arith.constant 1552 : index
        %get3A_532 = tpu.vector_load %arg6[%get3A_531] {strides = array<i32>} : memref<2000xi32, #tpu.memory_space<vmem>>, vector<16xi32>,
        %gather3A_533 = tpu.vector_load_idx %arg5[%get3A_532] : memref<100000xf32, #tpu.memory_space<vmem>>[vector<16xi32>], vector<16xf32>,
        %swap3A_534 = arith.constant 1552 : index
        %swap3A_535 = tpu.vector_load %arg8[%swap3A_534] {strides = array<i32>} : memref<2000xf32, #tpu.memory_space<vmem>>, vector<16xf32>,
        tpu.vector_store %arg8[%swap3A_534], %gather3A_533 {strides = array<i32>} : memref<2000xf32, #tpu.memory_space<vmem>>, vector<16xf32>,
        %get3A_536 = arith.constant 1568 : index
        %get3A_537 = tpu.vector_load %arg6[%get3A_536] {strides = array<i32>} : memref<2000xi32, #tpu.memory_space<vmem>>, vector<16xi32>,
        %gather3A_538 = tpu.vector_load_idx %arg5[%get3A_537] : memref<100000xf32, #tpu.memory_space<vmem>>[vector<16xi32>], vector<16xf32>,
        %swap3A_539 = arith.constant 1568 : index
        %swap3A_540 = tpu.vector_load %arg8[%swap3A_539] {strides = array<i32>} : memref<2000xf32, #tpu.memory_space<vmem>>, vector<16xf32>,
        tpu.vector_store %arg8[%swap3A_539], %gather3A_538 {strides = array<i32>} : memref<2000xf32, #tpu.memory_space<vmem>>, vector<16xf32>,
        %get3A_541 = arith.constant 1584 : index
        %get3A_542 = tpu.vector_load %arg6[%get3A_541] {strides = array<i32>} : memref<2000xi32, #tpu.memory_space<vmem>>, vector<16xi32>,
        %gather3A_543 = tpu.vector_load_idx %arg5[%get3A_542] : memref<100000xf32, #tpu.memory_space<vmem>>[vector<16xi32>], vector<16xf32>,
        %swap3A_544 = arith.constant 1584 : index
        %swap3A_545 = tpu.vector_load %arg8[%swap3A_544] {strides = array<i32>} : memref<2000xf32, #tpu.memory_space<vmem>>, vector<16xf32>,
        tpu.vector_store %arg8[%swap3A_544], %gather3A_543 {strides = array<i32>} : memref<2000xf32, #tpu.memory_space<vmem>>, vector<16xf32>,
        %get3A_546 = arith.constant 1600 : index
        %get3A_547 = tpu.vector_load %arg6[%get3A_546] {strides = array<i32>} : memref<2000xi32, #tpu.memory_space<vmem>>, vector<16xi32>,
        %gather3A_548 = tpu.vector_load_idx %arg5[%get3A_547] : memref<100000xf32, #tpu.memory_space<vmem>>[vector<16xi32>], vector<16xf32>,
        %swap3A_549 = arith.constant 1600 : index
        %swap3A_550 = tpu.vector_load %arg8[%swap3A_549] {strides = array<i32>} : memref<2000xf32, #tpu.memory_space<vmem>>, vector<16xf32>,
        tpu.vector_store %arg8[%swap3A_549], %gather3A_548 {strides = array<i32>} : memref<2000xf32, #tpu.memory_space<vmem>>, vector<16xf32>,
        %get3A_551 = arith.constant 1616 : index
        %get3A_552 = tpu.vector_load %arg6[%get3A_551] {strides = array<i32>} : memref<2000xi32, #tpu.memory_space<vmem>>, vector<16xi32>,
        %gather3A_553 = tpu.vector_load_idx %arg5[%get3A_552] : memref<100000xf32, #tpu.memory_space<vmem>>[vector<16xi32>], vector<16xf32>,
        %swap3A_554 = arith.constant 1616 : index
        %swap3A_555 = tpu.vector_load %arg8[%swap3A_554] {strides = array<i32>} : memref<2000xf32, #tpu.memory_space<vmem>>, vector<16xf32>,
        tpu.vector_store %arg8[%swap3A_554], %gather3A_553 {strides = array<i32>} : memref<2000xf32, #tpu.memory_space<vmem>>, vector<16xf32>,
        %get3A_556 = arith.constant 1632 : index
        %get3A_557 = tpu.vector_load %arg6[%get3A_556] {strides = array<i32>} : memref<2000xi32, #tpu.memory_space<vmem>>, vector<16xi32>,
        %gather3A_558 = tpu.vector_load_idx %arg5[%get3A_557] : memref<100000xf32, #tpu.memory_space<vmem>>[vector<16xi32>], vector<16xf32>,
        %swap3A_559 = arith.constant 1632 : index
        %swap3A_560 = tpu.vector_load %arg8[%swap3A_559] {strides = array<i32>} : memref<2000xf32, #tpu.memory_space<vmem>>, vector<16xf32>,
        tpu.vector_store %arg8[%swap3A_559], %gather3A_558 {strides = array<i32>} : memref<2000xf32, #tpu.memory_space<vmem>>, vector<16xf32>,
        %get3A_561 = arith.constant 1648 : index
        %get3A_562 = tpu.vector_load %arg6[%get3A_561] {strides = array<i32>} : memref<2000xi32, #tpu.memory_space<vmem>>, vector<16xi32>,
        %gather3A_563 = tpu.vector_load_idx %arg5[%get3A_562] : memref<100000xf32, #tpu.memory_space<vmem>>[vector<16xi32>], vector<16xf32>,
        %swap3A_564 = arith.constant 1648 : index
        %swap3A_565 = tpu.vector_load %arg8[%swap3A_564] {strides = array<i32>} : memref<2000xf32, #tpu.memory_space<vmem>>, vector<16xf32>,
        tpu.vector_store %arg8[%swap3A_564], %gather3A_563 {strides = array<i32>} : memref<2000xf32, #tpu.memory_space<vmem>>, vector<16xf32>,
        %get3A_566 = arith.constant 1664 : index
        %get3A_567 = tpu.vector_load %arg6[%get3A_566] {strides = array<i32>} : memref<2000xi32, #tpu.memory_space<vmem>>, vector<16xi32>,
        %gather3A_568 = tpu.vector_load_idx %arg5[%get3A_567] : memref<100000xf32, #tpu.memory_space<vmem>>[vector<16xi32>], vector<16xf32>,
        %swap3A_569 = arith.constant 1664 : index
        %swap3A_570 = tpu.vector_load %arg8[%swap3A_569] {strides = array<i32>} : memref<2000xf32, #tpu.memory_space<vmem>>, vector<16xf32>,
        tpu.vector_store %arg8[%swap3A_569], %gather3A_568 {strides = array<i32>} : memref<2000xf32, #tpu.memory_space<vmem>>, vector<16xf32>,
        %get3A_571 = arith.constant 1680 : index
        %get3A_572 = tpu.vector_load %arg6[%get3A_571] {strides = array<i32>} : memref<2000xi32, #tpu.memory_space<vmem>>, vector<16xi32>,
        %gather3A_573 = tpu.vector_load_idx %arg5[%get3A_572] : memref<100000xf32, #tpu.memory_space<vmem>>[vector<16xi32>], vector<16xf32>,
        %swap3A_574 = arith.constant 1680 : index
        %swap3A_575 = tpu.vector_load %arg8[%swap3A_574] {strides = array<i32>} : memref<2000xf32, #tpu.memory_space<vmem>>, vector<16xf32>,
        tpu.vector_store %arg8[%swap3A_574], %gather3A_573 {strides = array<i32>} : memref<2000xf32, #tpu.memory_space<vmem>>, vector<16xf32>,
        %get3A_576 = arith.constant 1696 : index
        %get3A_577 = tpu.vector_load %arg6[%get3A_576] {strides = array<i32>} : memref<2000xi32, #tpu.memory_space<vmem>>, vector<16xi32>,
        %gather3A_578 = tpu.vector_load_idx %arg5[%get3A_577] : memref<100000xf32, #tpu.memory_space<vmem>>[vector<16xi32>], vector<16xf32>,
        %swap3A_579 = arith.constant 1696 : index
        %swap3A_580 = tpu.vector_load %arg8[%swap3A_579] {strides = array<i32>} : memref<2000xf32, #tpu.memory_space<vmem>>, vector<16xf32>,
        tpu.vector_store %arg8[%swap3A_579], %gather3A_578 {strides = array<i32>} : memref<2000xf32, #tpu.memory_space<vmem>>, vector<16xf32>,
        %get3A_581 = arith.constant 1712 : index
        %get3A_582 = tpu.vector_load %arg6[%get3A_581] {strides = array<i32>} : memref<2000xi32, #tpu.memory_space<vmem>>, vector<16xi32>,
        %gather3A_583 = tpu.vector_load_idx %arg5[%get3A_582] : memref<100000xf32, #tpu.memory_space<vmem>>[vector<16xi32>], vector<16xf32>,
        %swap3A_584 = arith.constant 1712 : index
        %swap3A_585 = tpu.vector_load %arg8[%swap3A_584] {strides = array<i32>} : memref<2000xf32, #tpu.memory_space<vmem>>, vector<16xf32>,
        tpu.vector_store %arg8[%swap3A_584], %gather3A_583 {strides = array<i32>} : memref<2000xf32, #tpu.memory_space<vmem>>, vector<16xf32>,
        %get3A_586 = arith.constant 1728 : index
        %get3A_587 = tpu.vector_load %arg6[%get3A_586] {strides = array<i32>} : memref<2000xi32, #tpu.memory_space<vmem>>, vector<16xi32>,
        %gather3A_588 = tpu.vector_load_idx %arg5[%get3A_587] : memref<100000xf32, #tpu.memory_space<vmem>>[vector<16xi32>], vector<16xf32>,
        %swap3A_589 = arith.constant 1728 : index
        %swap3A_590 = tpu.vector_load %arg8[%swap3A_589] {strides = array<i32>} : memref<2000xf32, #tpu.memory_space<vmem>>, vector<16xf32>,
        tpu.vector_store %arg8[%swap3A_589], %gather3A_588 {strides = array<i32>} : memref<2000xf32, #tpu.memory_space<vmem>>, vector<16xf32>,
        %get3A_591 = arith.constant 1744 : index
        %get3A_592 = tpu.vector_load %arg6[%get3A_591] {strides = array<i32>} : memref<2000xi32, #tpu.memory_space<vmem>>, vector<16xi32>,
        %gather3A_593 = tpu.vector_load_idx %arg5[%get3A_592] : memref<100000xf32, #tpu.memory_space<vmem>>[vector<16xi32>], vector<16xf32>,
        %swap3A_594 = arith.constant 1744 : index
        %swap3A_595 = tpu.vector_load %arg8[%swap3A_594] {strides = array<i32>} : memref<2000xf32, #tpu.memory_space<vmem>>, vector<16xf32>,
        tpu.vector_store %arg8[%swap3A_594], %gather3A_593 {strides = array<i32>} : memref<2000xf32, #tpu.memory_space<vmem>>, vector<16xf32>,
        %get3A_596 = arith.constant 1760 : index
        %get3A_597 = tpu.vector_load %arg6[%get3A_596] {strides = array<i32>} : memref<2000xi32, #tpu.memory_space<vmem>>, vector<16xi32>,
        %gather3A_598 = tpu.vector_load_idx %arg5[%get3A_597] : memref<100000xf32, #tpu.memory_space<vmem>>[vector<16xi32>], vector<16xf32>,
        %swap3A_599 = arith.constant 1760 : index
        %swap3A_600 = tpu.vector_load %arg8[%swap3A_599] {strides = array<i32>} : memref<2000xf32, #tpu.memory_space<vmem>>, vector<16xf32>,
        tpu.vector_store %arg8[%swap3A_599], %gather3A_598 {strides = array<i32>} : memref<2000xf32, #tpu.memory_space<vmem>>, vector<16xf32>,
        %get3A_601 = arith.constant 1776 : index
        %get3A_602 = tpu.vector_load %arg6[%get3A_601] {strides = array<i32>} : memref<2000xi32, #tpu.memory_space<vmem>>, vector<16xi32>,
        %gather3A_603 = tpu.vector_load_idx %arg5[%get3A_602] : memref<100000xf32, #tpu.memory_space<vmem>>[vector<16xi32>], vector<16xf32>,
        %swap3A_604 = arith.constant 1776 : index
        %swap3A_605 = tpu.vector_load %arg8[%swap3A_604] {strides = array<i32>} : memref<2000xf32, #tpu.memory_space<vmem>>, vector<16xf32>,
        tpu.vector_store %arg8[%swap3A_604], %gather3A_603 {strides = array<i32>} : memref<2000xf32, #tpu.memory_space<vmem>>, vector<16xf32>,
        %get3A_606 = arith.constant 1792 : index
        %get3A_607 = tpu.vector_load %arg6[%get3A_606] {strides = array<i32>} : memref<2000xi32, #tpu.memory_space<vmem>>, vector<16xi32>,
        %gather3A_608 = tpu.vector_load_idx %arg5[%get3A_607] : memref<100000xf32, #tpu.memory_space<vmem>>[vector<16xi32>], vector<16xf32>,
        %swap3A_609 = arith.constant 1792 : index
        %swap3A_610 = tpu.vector_load %arg8[%swap3A_609] {strides = array<i32>} : memref<2000xf32, #tpu.memory_space<vmem>>, vector<16xf32>,
        tpu.vector_store %arg8[%swap3A_609], %gather3A_608 {strides = array<i32>} : memref<2000xf32, #tpu.memory_space<vmem>>, vector<16xf32>,
        %get3A_611 = arith.constant 1808 : index
        %get3A_612 = tpu.vector_load %arg6[%get3A_611] {strides = array<i32>} : memref<2000xi32, #tpu.memory_space<vmem>>, vector<16xi32>,
        %gather3A_613 = tpu.vector_load_idx %arg5[%get3A_612] : memref<100000xf32, #tpu.memory_space<vmem>>[vector<16xi32>], vector<16xf32>,
        %swap3A_614 = arith.constant 1808 : index
        %swap3A_615 = tpu.vector_load %arg8[%swap3A_614] {strides = array<i32>} : memref<2000xf32, #tpu.memory_space<vmem>>, vector<16xf32>,
        tpu.vector_store %arg8[%swap3A_614], %gather3A_613 {strides = array<i32>} : memref<2000xf32, #tpu.memory_space<vmem>>, vector<16xf32>,
        %get3A_616 = arith.constant 1824 : index
        %get3A_617 = tpu.vector_load %arg6[%get3A_616] {strides = array<i32>} : memref<2000xi32, #tpu.memory_space<vmem>>, vector<16xi32>,
        %gather3A_618 = tpu.vector_load_idx %arg5[%get3A_617] : memref<100000xf32, #tpu.memory_space<vmem>>[vector<16xi32>], vector<16xf32>,
        %swap3A_619 = arith.constant 1824 : index
        %swap3A_620 = tpu.vector_load %arg8[%swap3A_619] {strides = array<i32>} : memref<2000xf32, #tpu.memory_space<vmem>>, vector<16xf32>,
        tpu.vector_store %arg8[%swap3A_619], %gather3A_618 {strides = array<i32>} : memref<2000xf32, #tpu.memory_space<vmem>>, vector<16xf32>,
        %get3A_621 = arith.constant 1840 : index
        %get3A_622 = tpu.vector_load %arg6[%get3A_621] {strides = array<i32>} : memref<2000xi32, #tpu.memory_space<vmem>>, vector<16xi32>,
        %gather3A_623 = tpu.vector_load_idx %arg5[%get3A_622] : memref<100000xf32, #tpu.memory_space<vmem>>[vector<16xi32>], vector<16xf32>,
        %swap3A_624 = arith.constant 1840 : index
        %swap3A_625 = tpu.vector_load %arg8[%swap3A_624] {strides = array<i32>} : memref<2000xf32, #tpu.memory_space<vmem>>, vector<16xf32>,
        tpu.vector_store %arg8[%swap3A_624], %gather3A_623 {strides = array<i32>} : memref<2000xf32, #tpu.memory_space<vmem>>, vector<16xf32>,
        %get3A_626 = arith.constant 1856 : index
        %get3A_627 = tpu.vector_load %arg6[%get3A_626] {strides = array<i32>} : memref<2000xi32, #tpu.memory_space<vmem>>, vector<16xi32>,
        %gather3A_628 = tpu.vector_load_idx %arg5[%get3A_627] : memref<100000xf32, #tpu.memory_space<vmem>>[vector<16xi32>], vector<16xf32>,
        %swap3A_629 = arith.constant 1856 : index
        %swap3A_630 = tpu.vector_load %arg8[%swap3A_629] {strides = array<i32>} : memref<2000xf32, #tpu.memory_space<vmem>>, vector<16xf32>,
        tpu.vector_store %arg8[%swap3A_629], %gather3A_628 {strides = array<i32>} : memref<2000xf32, #tpu.memory_space<vmem>>, vector<16xf32>,
        %get3A_631 = arith.constant 1872 : index
        %get3A_632 = tpu.vector_load %arg6[%get3A_631] {strides = array<i32>} : memref<2000xi32, #tpu.memory_space<vmem>>, vector<16xi32>,
        %gather3A_633 = tpu.vector_load_idx %arg5[%get3A_632] : memref<100000xf32, #tpu.memory_space<vmem>>[vector<16xi32>], vector<16xf32>,
        %swap3A_634 = arith.constant 1872 : index
        %swap3A_635 = tpu.vector_load %arg8[%swap3A_634] {strides = array<i32>} : memref<2000xf32, #tpu.memory_space<vmem>>, vector<16xf32>,
        tpu.vector_store %arg8[%swap3A_634], %gather3A_633 {strides = array<i32>} : memref<2000xf32, #tpu.memory_space<vmem>>, vector<16xf32>,
        %get3A_636 = arith.constant 1888 : index
        %get3A_637 = tpu.vector_load %arg6[%get3A_636] {strides = array<i32>} : memref<2000xi32, #tpu.memory_space<vmem>>, vector<16xi32>,
        %gather3A_638 = tpu.vector_load_idx %arg5[%get3A_637] : memref<100000xf32, #tpu.memory_space<vmem>>[vector<16xi32>], vector<16xf32>,
        %swap3A_639 = arith.constant 1888 : index
        %swap3A_640 = tpu.vector_load %arg8[%swap3A_639] {strides = array<i32>} : memref<2000xf32, #tpu.memory_space<vmem>>, vector<16xf32>,
        tpu.vector_store %arg8[%swap3A_639], %gather3A_638 {strides = array<i32>} : memref<2000xf32, #tpu.memory_space<vmem>>, vector<16xf32>,
        %get3A_641 = arith.constant 1904 : index
        %get3A_642 = tpu.vector_load %arg6[%get3A_641] {strides = array<i32>} : memref<2000xi32, #tpu.memory_space<vmem>>, vector<16xi32>,
        %gather3A_643 = tpu.vector_load_idx %arg5[%get3A_642] : memref<100000xf32, #tpu.memory_space<vmem>>[vector<16xi32>], vector<16xf32>,
        %swap3A_644 = arith.constant 1904 : index
        %swap3A_645 = tpu.vector_load %arg8[%swap3A_644] {strides = array<i32>} : memref<2000xf32, #tpu.memory_space<vmem>>, vector<16xf32>,
        tpu.vector_store %arg8[%swap3A_644], %gather3A_643 {strides = array<i32>} : memref<2000xf32, #tpu.memory_space<vmem>>, vector<16xf32>,
        %get3A_646 = arith.constant 1920 : index
        %get3A_647 = tpu.vector_load %arg6[%get3A_646] {strides = array<i32>} : memref<2000xi32, #tpu.memory_space<vmem>>, vector<16xi32>,
        %gather3A_648 = tpu.vector_load_idx %arg5[%get3A_647] : memref<100000xf32, #tpu.memory_space<vmem>>[vector<16xi32>], vector<16xf32>,
        %swap3A_649 = arith.constant 1920 : index
        %swap3A_650 = tpu.vector_load %arg8[%swap3A_649] {strides = array<i32>} : memref<2000xf32, #tpu.memory_space<vmem>>, vector<16xf32>,
        tpu.vector_store %arg8[%swap3A_649], %gather3A_648 {strides = array<i32>} : memref<2000xf32, #tpu.memory_space<vmem>>, vector<16xf32>,
        %get3A_651 = arith.constant 1936 : index
        %get3A_652 = tpu.vector_load %arg6[%get3A_651] {strides = array<i32>} : memref<2000xi32, #tpu.memory_space<vmem>>, vector<16xi32>,
        %gather3A_653 = tpu.vector_load_idx %arg5[%get3A_652] : memref<100000xf32, #tpu.memory_space<vmem>>[vector<16xi32>], vector<16xf32>,
        %swap3A_654 = arith.constant 1936 : index
        %swap3A_655 = tpu.vector_load %arg8[%swap3A_654] {strides = array<i32>} : memref<2000xf32, #tpu.memory_space<vmem>>, vector<16xf32>,
        tpu.vector_store %arg8[%swap3A_654], %gather3A_653 {strides = array<i32>} : memref<2000xf32, #tpu.memory_space<vmem>>, vector<16xf32>,
        %get3A_656 = arith.constant 1952 : index
        %get3A_657 = tpu.vector_load %arg6[%get3A_656] {strides = array<i32>} : memref<2000xi32, #tpu.memory_space<vmem>>, vector<16xi32>,
        %gather3A_658 = tpu.vector_load_idx %arg5[%get3A_657] : memref<100000xf32, #tpu.memory_space<vmem>>[vector<16xi32>], vector<16xf32>,
        %swap3A_659 = arith.constant 1952 : index
        %swap3A_660 = tpu.vector_load %arg8[%swap3A_659] {strides = array<i32>} : memref<2000xf32, #tpu.memory_space<vmem>>, vector<16xf32>,
        tpu.vector_store %arg8[%swap3A_659], %gather3A_658 {strides = array<i32>} : memref<2000xf32, #tpu.memory_space<vmem>>, vector<16xf32>,
        %get3A_661 = arith.constant 1968 : index
        %get3A_662 = tpu.vector_load %arg6[%get3A_661] {strides = array<i32>} : memref<2000xi32, #tpu.memory_space<vmem>>, vector<16xi32>,
        %gather3A_663 = tpu.vector_load_idx %arg5[%get3A_662] : memref<100000xf32, #tpu.memory_space<vmem>>[vector<16xi32>], vector<16xf32>,
        %swap3A_664 = arith.constant 1968 : index
        %swap3A_665 = tpu.vector_load %arg8[%swap3A_664] {strides = array<i32>} : memref<2000xf32, #tpu.memory_space<vmem>>, vector<16xf32>,
        tpu.vector_store %arg8[%swap3A_664], %gather3A_663 {strides = array<i32>} : memref<2000xf32, #tpu.memory_space<vmem>>, vector<16xf32>,
        %get3A_666 = arith.constant 1984 : index
        %get3A_667 = tpu.vector_load %arg6[%get3A_666] {strides = array<i32>} : memref<2000xi32, #tpu.memory_space<vmem>>, vector<16xi32>,
        %gather3A_668 = tpu.vector_load_idx %arg5[%get3A_667] : memref<100000xf32, #tpu.memory_space<vmem>>[vector<16xi32>], vector<16xf32>,
        %swap3A_669 = arith.constant 1984 : index
        %swap3A_670 = tpu.vector_load %arg8[%swap3A_669] {strides = array<i32>} : memref<2000xf32, #tpu.memory_space<vmem>>, vector<16xf32>,
        tpu.vector_store %arg8[%swap3A_669], %gather3A_668 {strides = array<i32>} : memref<2000xf32, #tpu.memory_space<vmem>>, vector<16xf32>,
        %mul3A_671 = arith.constant 2000 : i32
        %mul3A_672 = arith.muli %add3A_34, %mul3A_671 : i32
        %add3A_673 = arith.addi %mul3A_13, %mul3A_672 : i32
        %dma_start3A_674 = tpu.memref_slice %arg4[%add3A_673] : memref<12800000xf32, #tpu.memory_space<hbm>> -> memref<2000xf32, #tpu.memory_space<hbm>>
        %dma_start3A_675 = tpu.memref_slice %arg4[%add3A_673] : memref<12800000xf32, #tpu.memory_space<hbm>> -> memref<2000xf32, #tpu.memory_space<hbm>>
        tpu.enqueue_dma source(%arg8 : memref<2000xf32, #tpu.memory_space<vmem>>) target(%dma_start3A_675 : memref<2000xf32, #tpu.memory_space<hbm>>) target_semaphore(%arg13 : memref<!tpu.dma_semaphore, #tpu.memory_space<semaphore_mem>>)
        %mul3A_676 = arith.constant 2 : i32
        %mul3A_677 = arith.muli %mul3A_676, %scan3A_30 : i32
        %add3A_678 = arith.constant 1 : i32
        %add3A_679 = arith.addi %mul3A_677, %add3A_678 : i32
        %gt3A_680 = arith.constant 0 : i32
        %gt3A_681 = arith.cmpi sgt, %scan3A_30, %gt3A_680 : i32
        %add3A_682 = arith.constant 1 : i32
        %add3A_683 = arith.addi %add3A_679, %add3A_682 : i32
        %lt3A_684 = arith.constant 50 : i32
        %lt3A_685 = arith.cmpi slt, %add3A_683, %lt3A_684 : i32
        %convert_element_type3A_686 = arith.extui %lt3A_685 : i1 to i32
        %cond3A_687 = arith.constant 0 : i32
        %cond3A_688 = arith.cmpi ne, %convert_element_type3A_686, %cond3A_687 : i32
        scf.if %cond3A_688 {
          %add3A_1326 = arith.constant 1 : i32
          %add3A_1327 = arith.addi %add3A_679, %add3A_1326 : i32
          %mul3A_1328 = arith.constant 2000 : i32
          %mul3A_1329 = arith.muli %add3A_1327, %mul3A_1328 : i32
          %dma_start3A_1330 = tpu.memref_slice %arg10[%mul3A_1329] : memref<100000xi32, #tpu.memory_space<vmem_shared>> -> memref<2000xi32, #tpu.memory_space<vmem_shared>>
          %dma_start3A_1331 = tpu.memref_slice %arg10[%mul3A_1329] : memref<100000xi32, #tpu.memory_space<vmem_shared>> -> memref<2000xi32, #tpu.memory_space<vmem_shared>>
          tpu.enqueue_dma source(%dma_start3A_1331 : memref<2000xi32, #tpu.memory_space<vmem_shared>>) target(%arg6 : memref<2000xi32, #tpu.memory_space<vmem>>) target_semaphore(%arg11 : memref<!tpu.dma_semaphore, #tpu.memory_space<semaphore_mem>>)
        } else {
        }
        %dma_wait3A_689 = arith.constant 0 : i32
        %dma_wait3A_690 = tpu.memref_slice %arg10[%dma_wait3A_689] : memref<100000xi32, #tpu.memory_space<vmem_shared>> -> memref<2000xi32, #tpu.memory_space<vmem_shared>>
        %dma_wait3A_691 = arith.constant 0 : i32
        %dma_wait3A_692 = tpu.memref_slice %arg10[%dma_wait3A_691] : memref<100000xi32, #tpu.memory_space<vmem_shared>> -> memref<2000xi32, #tpu.memory_space<vmem_shared>>
        tpu.wait_dma2 semaphore(%arg12 : memref<!tpu.dma_semaphore, #tpu.memory_space<semaphore_mem>>) src(%dma_wait3A_692 : memref<2000xi32, #tpu.memory_space<vmem_shared>>) dst(%arg7 : memref<2000xi32, #tpu.memory_space<vmem>>)
        %convert_element_type3A_693 = arith.extui %gt3A_681 : i1 to i32
        %cond3A_694 = arith.constant 0 : i32
        %cond3A_695 = arith.cmpi ne, %convert_element_type3A_693, %cond3A_694 : i32
        scf.if %cond3A_695 {
          %dma_wait3A_1326 = arith.constant 0 : i32
          %dma_wait3A_1327 = tpu.memref_slice %arg4[%dma_wait3A_1326] : memref<12800000xf32, #tpu.memory_space<hbm>> -> memref<2000xf32, #tpu.memory_space<hbm>>
          %dma_wait3A_1328 = arith.constant 0 : i32
          %dma_wait3A_1329 = tpu.memref_slice %arg4[%dma_wait3A_1328] : memref<12800000xf32, #tpu.memory_space<hbm>> -> memref<2000xf32, #tpu.memory_space<hbm>>
          tpu.wait_dma2 semaphore(%arg14 : memref<!tpu.dma_semaphore, #tpu.memory_space<semaphore_mem>>) src(%arg9 : memref<2000xf32, #tpu.memory_space<vmem>>) dst(%dma_wait3A_1329 : memref<2000xf32, #tpu.memory_space<hbm>>)
        } else {
        }
        %get3A_696 = arith.constant 0 : index
        %get3A_697 = tpu.vector_load %arg7[%get3A_696] {strides = array<i32>} : memref<2000xi32, #tpu.memory_space<vmem>>, vector<16xi32>,
        %gather3A_698 = tpu.vector_load_idx %arg5[%get3A_697] : memref<100000xf32, #tpu.memory_space<vmem>>[vector<16xi32>], vector<16xf32>,
        %swap3A_699 = arith.constant 0 : index
        %swap3A_700 = tpu.vector_load %arg9[%swap3A_699] {strides = array<i32>} : memref<2000xf32, #tpu.memory_space<vmem>>, vector<16xf32>,
        tpu.vector_store %arg9[%swap3A_699], %gather3A_698 {strides = array<i32>} : memref<2000xf32, #tpu.memory_space<vmem>>, vector<16xf32>,
        %get3A_701 = arith.constant 16 : index
        %get3A_702 = tpu.vector_load %arg7[%get3A_701] {strides = array<i32>} : memref<2000xi32, #tpu.memory_space<vmem>>, vector<16xi32>,
        %gather3A_703 = tpu.vector_load_idx %arg5[%get3A_702] : memref<100000xf32, #tpu.memory_space<vmem>>[vector<16xi32>], vector<16xf32>,
        %swap3A_704 = arith.constant 16 : index
        %swap3A_705 = tpu.vector_load %arg9[%swap3A_704] {strides = array<i32>} : memref<2000xf32, #tpu.memory_space<vmem>>, vector<16xf32>,
        tpu.vector_store %arg9[%swap3A_704], %gather3A_703 {strides = array<i32>} : memref<2000xf32, #tpu.memory_space<vmem>>, vector<16xf32>,
        %get3A_706 = arith.constant 32 : index
        %get3A_707 = tpu.vector_load %arg7[%get3A_706] {strides = array<i32>} : memref<2000xi32, #tpu.memory_space<vmem>>, vector<16xi32>,
        %gather3A_708 = tpu.vector_load_idx %arg5[%get3A_707] : memref<100000xf32, #tpu.memory_space<vmem>>[vector<16xi32>], vector<16xf32>,
        %swap3A_709 = arith.constant 32 : index
        %swap3A_710 = tpu.vector_load %arg9[%swap3A_709] {strides = array<i32>} : memref<2000xf32, #tpu.memory_space<vmem>>, vector<16xf32>,
        tpu.vector_store %arg9[%swap3A_709], %gather3A_708 {strides = array<i32>} : memref<2000xf32, #tpu.memory_space<vmem>>, vector<16xf32>,
        %get3A_711 = arith.constant 48 : index
        %get3A_712 = tpu.vector_load %arg7[%get3A_711] {strides = array<i32>} : memref<2000xi32, #tpu.memory_space<vmem>>, vector<16xi32>,
        %gather3A_713 = tpu.vector_load_idx %arg5[%get3A_712] : memref<100000xf32, #tpu.memory_space<vmem>>[vector<16xi32>], vector<16xf32>,
        %swap3A_714 = arith.constant 48 : index
        %swap3A_715 = tpu.vector_load %arg9[%swap3A_714] {strides = array<i32>} : memref<2000xf32, #tpu.memory_space<vmem>>, vector<16xf32>,
        tpu.vector_store %arg9[%swap3A_714], %gather3A_713 {strides = array<i32>} : memref<2000xf32, #tpu.memory_space<vmem>>, vector<16xf32>,
        %get3A_716 = arith.constant 64 : index
        %get3A_717 = tpu.vector_load %arg7[%get3A_716] {strides = array<i32>} : memref<2000xi32, #tpu.memory_space<vmem>>, vector<16xi32>,
        %gather3A_718 = tpu.vector_load_idx %arg5[%get3A_717] : memref<100000xf32, #tpu.memory_space<vmem>>[vector<16xi32>], vector<16xf32>,
        %swap3A_719 = arith.constant 64 : index
        %swap3A_720 = tpu.vector_load %arg9[%swap3A_719] {strides = array<i32>} : memref<2000xf32, #tpu.memory_space<vmem>>, vector<16xf32>,
        tpu.vector_store %arg9[%swap3A_719], %gather3A_718 {strides = array<i32>} : memref<2000xf32, #tpu.memory_space<vmem>>, vector<16xf32>,
        %get3A_721 = arith.constant 80 : index
        %get3A_722 = tpu.vector_load %arg7[%get3A_721] {strides = array<i32>} : memref<2000xi32, #tpu.memory_space<vmem>>, vector<16xi32>,
        %gather3A_723 = tpu.vector_load_idx %arg5[%get3A_722] : memref<100000xf32, #tpu.memory_space<vmem>>[vector<16xi32>], vector<16xf32>,
        %swap3A_724 = arith.constant 80 : index
        %swap3A_725 = tpu.vector_load %arg9[%swap3A_724] {strides = array<i32>} : memref<2000xf32, #tpu.memory_space<vmem>>, vector<16xf32>,
        tpu.vector_store %arg9[%swap3A_724], %gather3A_723 {strides = array<i32>} : memref<2000xf32, #tpu.memory_space<vmem>>, vector<16xf32>,
        %get3A_726 = arith.constant 96 : index
        %get3A_727 = tpu.vector_load %arg7[%get3A_726] {strides = array<i32>} : memref<2000xi32, #tpu.memory_space<vmem>>, vector<16xi32>,
        %gather3A_728 = tpu.vector_load_idx %arg5[%get3A_727] : memref<100000xf32, #tpu.memory_space<vmem>>[vector<16xi32>], vector<16xf32>,
        %swap3A_729 = arith.constant 96 : index
        %swap3A_730 = tpu.vector_load %arg9[%swap3A_729] {strides = array<i32>} : memref<2000xf32, #tpu.memory_space<vmem>>, vector<16xf32>,
        tpu.vector_store %arg9[%swap3A_729], %gather3A_728 {strides = array<i32>} : memref<2000xf32, #tpu.memory_space<vmem>>, vector<16xf32>,
        %get3A_731 = arith.constant 112 : index
        %get3A_732 = tpu.vector_load %arg7[%get3A_731] {strides = array<i32>} : memref<2000xi32, #tpu.memory_space<vmem>>, vector<16xi32>,
        %gather3A_733 = tpu.vector_load_idx %arg5[%get3A_732] : memref<100000xf32, #tpu.memory_space<vmem>>[vector<16xi32>], vector<16xf32>,
        %swap3A_734 = arith.constant 112 : index
        %swap3A_735 = tpu.vector_load %arg9[%swap3A_734] {strides = array<i32>} : memref<2000xf32, #tpu.memory_space<vmem>>, vector<16xf32>,
        tpu.vector_store %arg9[%swap3A_734], %gather3A_733 {strides = array<i32>} : memref<2000xf32, #tpu.memory_space<vmem>>, vector<16xf32>,
        %get3A_736 = arith.constant 128 : index
        %get3A_737 = tpu.vector_load %arg7[%get3A_736] {strides = array<i32>} : memref<2000xi32, #tpu.memory_space<vmem>>, vector<16xi32>,
        %gather3A_738 = tpu.vector_load_idx %arg5[%get3A_737] : memref<100000xf32, #tpu.memory_space<vmem>>[vector<16xi32>], vector<16xf32>,
        %swap3A_739 = arith.constant 128 : index
        %swap3A_740 = tpu.vector_load %arg9[%swap3A_739] {strides = array<i32>} : memref<2000xf32, #tpu.memory_space<vmem>>, vector<16xf32>,
        tpu.vector_store %arg9[%swap3A_739], %gather3A_738 {strides = array<i32>} : memref<2000xf32, #tpu.memory_space<vmem>>, vector<16xf32>,
        %get3A_741 = arith.constant 144 : index
        %get3A_742 = tpu.vector_load %arg7[%get3A_741] {strides = array<i32>} : memref<2000xi32, #tpu.memory_space<vmem>>, vector<16xi32>,
        %gather3A_743 = tpu.vector_load_idx %arg5[%get3A_742] : memref<100000xf32, #tpu.memory_space<vmem>>[vector<16xi32>], vector<16xf32>,
        %swap3A_744 = arith.constant 144 : index
        %swap3A_745 = tpu.vector_load %arg9[%swap3A_744] {strides = array<i32>} : memref<2000xf32, #tpu.memory_space<vmem>>, vector<16xf32>,
        tpu.vector_store %arg9[%swap3A_744], %gather3A_743 {strides = array<i32>} : memref<2000xf32, #tpu.memory_space<vmem>>, vector<16xf32>,
        %get3A_746 = arith.constant 160 : index
        %get3A_747 = tpu.vector_load %arg7[%get3A_746] {strides = array<i32>} : memref<2000xi32, #tpu.memory_space<vmem>>, vector<16xi32>,
        %gather3A_748 = tpu.vector_load_idx %arg5[%get3A_747] : memref<100000xf32, #tpu.memory_space<vmem>>[vector<16xi32>], vector<16xf32>,
        %swap3A_749 = arith.constant 160 : index
        %swap3A_750 = tpu.vector_load %arg9[%swap3A_749] {strides = array<i32>} : memref<2000xf32, #tpu.memory_space<vmem>>, vector<16xf32>,
        tpu.vector_store %arg9[%swap3A_749], %gather3A_748 {strides = array<i32>} : memref<2000xf32, #tpu.memory_space<vmem>>, vector<16xf32>,
        %get3A_751 = arith.constant 176 : index
        %get3A_752 = tpu.vector_load %arg7[%get3A_751] {strides = array<i32>} : memref<2000xi32, #tpu.memory_space<vmem>>, vector<16xi32>,
        %gather3A_753 = tpu.vector_load_idx %arg5[%get3A_752] : memref<100000xf32, #tpu.memory_space<vmem>>[vector<16xi32>], vector<16xf32>,
        %swap3A_754 = arith.constant 176 : index
        %swap3A_755 = tpu.vector_load %arg9[%swap3A_754] {strides = array<i32>} : memref<2000xf32, #tpu.memory_space<vmem>>, vector<16xf32>,
        tpu.vector_store %arg9[%swap3A_754], %gather3A_753 {strides = array<i32>} : memref<2000xf32, #tpu.memory_space<vmem>>, vector<16xf32>,
        %get3A_756 = arith.constant 192 : index
        %get3A_757 = tpu.vector_load %arg7[%get3A_756] {strides = array<i32>} : memref<2000xi32, #tpu.memory_space<vmem>>, vector<16xi32>,
        %gather3A_758 = tpu.vector_load_idx %arg5[%get3A_757] : memref<100000xf32, #tpu.memory_space<vmem>>[vector<16xi32>], vector<16xf32>,
        %swap3A_759 = arith.constant 192 : index
        %swap3A_760 = tpu.vector_load %arg9[%swap3A_759] {strides = array<i32>} : memref<2000xf32, #tpu.memory_space<vmem>>, vector<16xf32>,
        tpu.vector_store %arg9[%swap3A_759], %gather3A_758 {strides = array<i32>} : memref<2000xf32, #tpu.memory_space<vmem>>, vector<16xf32>,
        %get3A_761 = arith.constant 208 : index
        %get3A_762 = tpu.vector_load %arg7[%get3A_761] {strides = array<i32>} : memref<2000xi32, #tpu.memory_space<vmem>>, vector<16xi32>,
        %gather3A_763 = tpu.vector_load_idx %arg5[%get3A_762] : memref<100000xf32, #tpu.memory_space<vmem>>[vector<16xi32>], vector<16xf32>,
        %swap3A_764 = arith.constant 208 : index
        %swap3A_765 = tpu.vector_load %arg9[%swap3A_764] {strides = array<i32>} : memref<2000xf32, #tpu.memory_space<vmem>>, vector<16xf32>,
        tpu.vector_store %arg9[%swap3A_764], %gather3A_763 {strides = array<i32>} : memref<2000xf32, #tpu.memory_space<vmem>>, vector<16xf32>,
        %get3A_766 = arith.constant 224 : index
        %get3A_767 = tpu.vector_load %arg7[%get3A_766] {strides = array<i32>} : memref<2000xi32, #tpu.memory_space<vmem>>, vector<16xi32>,
        %gather3A_768 = tpu.vector_load_idx %arg5[%get3A_767] : memref<100000xf32, #tpu.memory_space<vmem>>[vector<16xi32>], vector<16xf32>,
        %swap3A_769 = arith.constant 224 : index
        %swap3A_770 = tpu.vector_load %arg9[%swap3A_769] {strides = array<i32>} : memref<2000xf32, #tpu.memory_space<vmem>>, vector<16xf32>,
        tpu.vector_store %arg9[%swap3A_769], %gather3A_768 {strides = array<i32>} : memref<2000xf32, #tpu.memory_space<vmem>>, vector<16xf32>,
        %get3A_771 = arith.constant 240 : index
        %get3A_772 = tpu.vector_load %arg7[%get3A_771] {strides = array<i32>} : memref<2000xi32, #tpu.memory_space<vmem>>, vector<16xi32>,
        %gather3A_773 = tpu.vector_load_idx %arg5[%get3A_772] : memref<100000xf32, #tpu.memory_space<vmem>>[vector<16xi32>], vector<16xf32>,
        %swap3A_774 = arith.constant 240 : index
        %swap3A_775 = tpu.vector_load %arg9[%swap3A_774] {strides = array<i32>} : memref<2000xf32, #tpu.memory_space<vmem>>, vector<16xf32>,
        tpu.vector_store %arg9[%swap3A_774], %gather3A_773 {strides = array<i32>} : memref<2000xf32, #tpu.memory_space<vmem>>, vector<16xf32>,
        %get3A_776 = arith.constant 256 : index
        %get3A_777 = tpu.vector_load %arg7[%get3A_776] {strides = array<i32>} : memref<2000xi32, #tpu.memory_space<vmem>>, vector<16xi32>,
        %gather3A_778 = tpu.vector_load_idx %arg5[%get3A_777] : memref<100000xf32, #tpu.memory_space<vmem>>[vector<16xi32>], vector<16xf32>,
        %swap3A_779 = arith.constant 256 : index
        %swap3A_780 = tpu.vector_load %arg9[%swap3A_779] {strides = array<i32>} : memref<2000xf32, #tpu.memory_space<vmem>>, vector<16xf32>,
        tpu.vector_store %arg9[%swap3A_779], %gather3A_778 {strides = array<i32>} : memref<2000xf32, #tpu.memory_space<vmem>>, vector<16xf32>,
        %get3A_781 = arith.constant 272 : index
        %get3A_782 = tpu.vector_load %arg7[%get3A_781] {strides = array<i32>} : memref<2000xi32, #tpu.memory_space<vmem>>, vector<16xi32>,
        %gather3A_783 = tpu.vector_load_idx %arg5[%get3A_782] : memref<100000xf32, #tpu.memory_space<vmem>>[vector<16xi32>], vector<16xf32>,
        %swap3A_784 = arith.constant 272 : index
        %swap3A_785 = tpu.vector_load %arg9[%swap3A_784] {strides = array<i32>} : memref<2000xf32, #tpu.memory_space<vmem>>, vector<16xf32>,
        tpu.vector_store %arg9[%swap3A_784], %gather3A_783 {strides = array<i32>} : memref<2000xf32, #tpu.memory_space<vmem>>, vector<16xf32>,
        %get3A_786 = arith.constant 288 : index
        %get3A_787 = tpu.vector_load %arg7[%get3A_786] {strides = array<i32>} : memref<2000xi32, #tpu.memory_space<vmem>>, vector<16xi32>,
        %gather3A_788 = tpu.vector_load_idx %arg5[%get3A_787] : memref<100000xf32, #tpu.memory_space<vmem>>[vector<16xi32>], vector<16xf32>,
        %swap3A_789 = arith.constant 288 : index
        %swap3A_790 = tpu.vector_load %arg9[%swap3A_789] {strides = array<i32>} : memref<2000xf32, #tpu.memory_space<vmem>>, vector<16xf32>,
        tpu.vector_store %arg9[%swap3A_789], %gather3A_788 {strides = array<i32>} : memref<2000xf32, #tpu.memory_space<vmem>>, vector<16xf32>,
        %get3A_791 = arith.constant 304 : index
        %get3A_792 = tpu.vector_load %arg7[%get3A_791] {strides = array<i32>} : memref<2000xi32, #tpu.memory_space<vmem>>, vector<16xi32>,
        %gather3A_793 = tpu.vector_load_idx %arg5[%get3A_792] : memref<100000xf32, #tpu.memory_space<vmem>>[vector<16xi32>], vector<16xf32>,
        %swap3A_794 = arith.constant 304 : index
        %swap3A_795 = tpu.vector_load %arg9[%swap3A_794] {strides = array<i32>} : memref<2000xf32, #tpu.memory_space<vmem>>, vector<16xf32>,
        tpu.vector_store %arg9[%swap3A_794], %gather3A_793 {strides = array<i32>} : memref<2000xf32, #tpu.memory_space<vmem>>, vector<16xf32>,
        %get3A_796 = arith.constant 320 : index
        %get3A_797 = tpu.vector_load %arg7[%get3A_796] {strides = array<i32>} : memref<2000xi32, #tpu.memory_space<vmem>>, vector<16xi32>,
        %gather3A_798 = tpu.vector_load_idx %arg5[%get3A_797] : memref<100000xf32, #tpu.memory_space<vmem>>[vector<16xi32>], vector<16xf32>,
        %swap3A_799 = arith.constant 320 : index
        %swap3A_800 = tpu.vector_load %arg9[%swap3A_799] {strides = array<i32>} : memref<2000xf32, #tpu.memory_space<vmem>>, vector<16xf32>,
        tpu.vector_store %arg9[%swap3A_799], %gather3A_798 {strides = array<i32>} : memref<2000xf32, #tpu.memory_space<vmem>>, vector<16xf32>,
        %get3A_801 = arith.constant 336 : index
        %get3A_802 = tpu.vector_load %arg7[%get3A_801] {strides = array<i32>} : memref<2000xi32, #tpu.memory_space<vmem>>, vector<16xi32>,
        %gather3A_803 = tpu.vector_load_idx %arg5[%get3A_802] : memref<100000xf32, #tpu.memory_space<vmem>>[vector<16xi32>], vector<16xf32>,
        %swap3A_804 = arith.constant 336 : index
        %swap3A_805 = tpu.vector_load %arg9[%swap3A_804] {strides = array<i32>} : memref<2000xf32, #tpu.memory_space<vmem>>, vector<16xf32>,
        tpu.vector_store %arg9[%swap3A_804], %gather3A_803 {strides = array<i32>} : memref<2000xf32, #tpu.memory_space<vmem>>, vector<16xf32>,
        %get3A_806 = arith.constant 352 : index
        %get3A_807 = tpu.vector_load %arg7[%get3A_806] {strides = array<i32>} : memref<2000xi32, #tpu.memory_space<vmem>>, vector<16xi32>,
        %gather3A_808 = tpu.vector_load_idx %arg5[%get3A_807] : memref<100000xf32, #tpu.memory_space<vmem>>[vector<16xi32>], vector<16xf32>,
        %swap3A_809 = arith.constant 352 : index
        %swap3A_810 = tpu.vector_load %arg9[%swap3A_809] {strides = array<i32>} : memref<2000xf32, #tpu.memory_space<vmem>>, vector<16xf32>,
        tpu.vector_store %arg9[%swap3A_809], %gather3A_808 {strides = array<i32>} : memref<2000xf32, #tpu.memory_space<vmem>>, vector<16xf32>,
        %get3A_811 = arith.constant 368 : index
        %get3A_812 = tpu.vector_load %arg7[%get3A_811] {strides = array<i32>} : memref<2000xi32, #tpu.memory_space<vmem>>, vector<16xi32>,
        %gather3A_813 = tpu.vector_load_idx %arg5[%get3A_812] : memref<100000xf32, #tpu.memory_space<vmem>>[vector<16xi32>], vector<16xf32>,
        %swap3A_814 = arith.constant 368 : index
        %swap3A_815 = tpu.vector_load %arg9[%swap3A_814] {strides = array<i32>} : memref<2000xf32, #tpu.memory_space<vmem>>, vector<16xf32>,
        tpu.vector_store %arg9[%swap3A_814], %gather3A_813 {strides = array<i32>} : memref<2000xf32, #tpu.memory_space<vmem>>, vector<16xf32>,
        %get3A_816 = arith.constant 384 : index
        %get3A_817 = tpu.vector_load %arg7[%get3A_816] {strides = array<i32>} : memref<2000xi32, #tpu.memory_space<vmem>>, vector<16xi32>,
        %gather3A_818 = tpu.vector_load_idx %arg5[%get3A_817] : memref<100000xf32, #tpu.memory_space<vmem>>[vector<16xi32>], vector<16xf32>,
        %swap3A_819 = arith.constant 384 : index
        %swap3A_820 = tpu.vector_load %arg9[%swap3A_819] {strides = array<i32>} : memref<2000xf32, #tpu.memory_space<vmem>>, vector<16xf32>,
        tpu.vector_store %arg9[%swap3A_819], %gather3A_818 {strides = array<i32>} : memref<2000xf32, #tpu.memory_space<vmem>>, vector<16xf32>,
        %get3A_821 = arith.constant 400 : index
        %get3A_822 = tpu.vector_load %arg7[%get3A_821] {strides = array<i32>} : memref<2000xi32, #tpu.memory_space<vmem>>, vector<16xi32>,
        %gather3A_823 = tpu.vector_load_idx %arg5[%get3A_822] : memref<100000xf32, #tpu.memory_space<vmem>>[vector<16xi32>], vector<16xf32>,
        %swap3A_824 = arith.constant 400 : index
        %swap3A_825 = tpu.vector_load %arg9[%swap3A_824] {strides = array<i32>} : memref<2000xf32, #tpu.memory_space<vmem>>, vector<16xf32>,
        tpu.vector_store %arg9[%swap3A_824], %gather3A_823 {strides = array<i32>} : memref<2000xf32, #tpu.memory_space<vmem>>, vector<16xf32>,
        %get3A_826 = arith.constant 416 : index
        %get3A_827 = tpu.vector_load %arg7[%get3A_826] {strides = array<i32>} : memref<2000xi32, #tpu.memory_space<vmem>>, vector<16xi32>,
        %gather3A_828 = tpu.vector_load_idx %arg5[%get3A_827] : memref<100000xf32, #tpu.memory_space<vmem>>[vector<16xi32>], vector<16xf32>,
        %swap3A_829 = arith.constant 416 : index
        %swap3A_830 = tpu.vector_load %arg9[%swap3A_829] {strides = array<i32>} : memref<2000xf32, #tpu.memory_space<vmem>>, vector<16xf32>,
        tpu.vector_store %arg9[%swap3A_829], %gather3A_828 {strides = array<i32>} : memref<2000xf32, #tpu.memory_space<vmem>>, vector<16xf32>,
        %get3A_831 = arith.constant 432 : index
        %get3A_832 = tpu.vector_load %arg7[%get3A_831] {strides = array<i32>} : memref<2000xi32, #tpu.memory_space<vmem>>, vector<16xi32>,
        %gather3A_833 = tpu.vector_load_idx %arg5[%get3A_832] : memref<100000xf32, #tpu.memory_space<vmem>>[vector<16xi32>], vector<16xf32>,
        %swap3A_834 = arith.constant 432 : index
        %swap3A_835 = tpu.vector_load %arg9[%swap3A_834] {strides = array<i32>} : memref<2000xf32, #tpu.memory_space<vmem>>, vector<16xf32>,
        tpu.vector_store %arg9[%swap3A_834], %gather3A_833 {strides = array<i32>} : memref<2000xf32, #tpu.memory_space<vmem>>, vector<16xf32>,
        %get3A_836 = arith.constant 448 : index
        %get3A_837 = tpu.vector_load %arg7[%get3A_836] {strides = array<i32>} : memref<2000xi32, #tpu.memory_space<vmem>>, vector<16xi32>,
        %gather3A_838 = tpu.vector_load_idx %arg5[%get3A_837] : memref<100000xf32, #tpu.memory_space<vmem>>[vector<16xi32>], vector<16xf32>,
        %swap3A_839 = arith.constant 448 : index
        %swap3A_840 = tpu.vector_load %arg9[%swap3A_839] {strides = array<i32>} : memref<2000xf32, #tpu.memory_space<vmem>>, vector<16xf32>,
        tpu.vector_store %arg9[%swap3A_839], %gather3A_838 {strides = array<i32>} : memref<2000xf32, #tpu.memory_space<vmem>>, vector<16xf32>,
        %get3A_841 = arith.constant 464 : index
        %get3A_842 = tpu.vector_load %arg7[%get3A_841] {strides = array<i32>} : memref<2000xi32, #tpu.memory_space<vmem>>, vector<16xi32>,
        %gather3A_843 = tpu.vector_load_idx %arg5[%get3A_842] : memref<100000xf32, #tpu.memory_space<vmem>>[vector<16xi32>], vector<16xf32>,
        %swap3A_844 = arith.constant 464 : index
        %swap3A_845 = tpu.vector_load %arg9[%swap3A_844] {strides = array<i32>} : memref<2000xf32, #tpu.memory_space<vmem>>, vector<16xf32>,
        tpu.vector_store %arg9[%swap3A_844], %gather3A_843 {strides = array<i32>} : memref<2000xf32, #tpu.memory_space<vmem>>, vector<16xf32>,
        %get3A_846 = arith.constant 480 : index
        %get3A_847 = tpu.vector_load %arg7[%get3A_846] {strides = array<i32>} : memref<2000xi32, #tpu.memory_space<vmem>>, vector<16xi32>,
        %gather3A_848 = tpu.vector_load_idx %arg5[%get3A_847] : memref<100000xf32, #tpu.memory_space<vmem>>[vector<16xi32>], vector<16xf32>,
        %swap3A_849 = arith.constant 480 : index
        %swap3A_850 = tpu.vector_load %arg9[%swap3A_849] {strides = array<i32>} : memref<2000xf32, #tpu.memory_space<vmem>>, vector<16xf32>,
        tpu.vector_store %arg9[%swap3A_849], %gather3A_848 {strides = array<i32>} : memref<2000xf32, #tpu.memory_space<vmem>>, vector<16xf32>,
        %get3A_851 = arith.constant 496 : index
        %get3A_852 = tpu.vector_load %arg7[%get3A_851] {strides = array<i32>} : memref<2000xi32, #tpu.memory_space<vmem>>, vector<16xi32>,
        %gather3A_853 = tpu.vector_load_idx %arg5[%get3A_852] : memref<100000xf32, #tpu.memory_space<vmem>>[vector<16xi32>], vector<16xf32>,
        %swap3A_854 = arith.constant 496 : index
        %swap3A_855 = tpu.vector_load %arg9[%swap3A_854] {strides = array<i32>} : memref<2000xf32, #tpu.memory_space<vmem>>, vector<16xf32>,
        tpu.vector_store %arg9[%swap3A_854], %gather3A_853 {strides = array<i32>} : memref<2000xf32, #tpu.memory_space<vmem>>, vector<16xf32>,
        %get3A_856 = arith.constant 512 : index
        %get3A_857 = tpu.vector_load %arg7[%get3A_856] {strides = array<i32>} : memref<2000xi32, #tpu.memory_space<vmem>>, vector<16xi32>,
        %gather3A_858 = tpu.vector_load_idx %arg5[%get3A_857] : memref<100000xf32, #tpu.memory_space<vmem>>[vector<16xi32>], vector<16xf32>,
        %swap3A_859 = arith.constant 512 : index
        %swap3A_860 = tpu.vector_load %arg9[%swap3A_859] {strides = array<i32>} : memref<2000xf32, #tpu.memory_space<vmem>>, vector<16xf32>,
        tpu.vector_store %arg9[%swap3A_859], %gather3A_858 {strides = array<i32>} : memref<2000xf32, #tpu.memory_space<vmem>>, vector<16xf32>,
        %get3A_861 = arith.constant 528 : index
        %get3A_862 = tpu.vector_load %arg7[%get3A_861] {strides = array<i32>} : memref<2000xi32, #tpu.memory_space<vmem>>, vector<16xi32>,
        %gather3A_863 = tpu.vector_load_idx %arg5[%get3A_862] : memref<100000xf32, #tpu.memory_space<vmem>>[vector<16xi32>], vector<16xf32>,
        %swap3A_864 = arith.constant 528 : index
        %swap3A_865 = tpu.vector_load %arg9[%swap3A_864] {strides = array<i32>} : memref<2000xf32, #tpu.memory_space<vmem>>, vector<16xf32>,
        tpu.vector_store %arg9[%swap3A_864], %gather3A_863 {strides = array<i32>} : memref<2000xf32, #tpu.memory_space<vmem>>, vector<16xf32>,
        %get3A_866 = arith.constant 544 : index
        %get3A_867 = tpu.vector_load %arg7[%get3A_866] {strides = array<i32>} : memref<2000xi32, #tpu.memory_space<vmem>>, vector<16xi32>,
        %gather3A_868 = tpu.vector_load_idx %arg5[%get3A_867] : memref<100000xf32, #tpu.memory_space<vmem>>[vector<16xi32>], vector<16xf32>,
        %swap3A_869 = arith.constant 544 : index
        %swap3A_870 = tpu.vector_load %arg9[%swap3A_869] {strides = array<i32>} : memref<2000xf32, #tpu.memory_space<vmem>>, vector<16xf32>,
        tpu.vector_store %arg9[%swap3A_869], %gather3A_868 {strides = array<i32>} : memref<2000xf32, #tpu.memory_space<vmem>>, vector<16xf32>,
        %get3A_871 = arith.constant 560 : index
        %get3A_872 = tpu.vector_load %arg7[%get3A_871] {strides = array<i32>} : memref<2000xi32, #tpu.memory_space<vmem>>, vector<16xi32>,
        %gather3A_873 = tpu.vector_load_idx %arg5[%get3A_872] : memref<100000xf32, #tpu.memory_space<vmem>>[vector<16xi32>], vector<16xf32>,
        %swap3A_874 = arith.constant 560 : index
        %swap3A_875 = tpu.vector_load %arg9[%swap3A_874] {strides = array<i32>} : memref<2000xf32, #tpu.memory_space<vmem>>, vector<16xf32>,
        tpu.vector_store %arg9[%swap3A_874], %gather3A_873 {strides = array<i32>} : memref<2000xf32, #tpu.memory_space<vmem>>, vector<16xf32>,
        %get3A_876 = arith.constant 576 : index
        %get3A_877 = tpu.vector_load %arg7[%get3A_876] {strides = array<i32>} : memref<2000xi32, #tpu.memory_space<vmem>>, vector<16xi32>,
        %gather3A_878 = tpu.vector_load_idx %arg5[%get3A_877] : memref<100000xf32, #tpu.memory_space<vmem>>[vector<16xi32>], vector<16xf32>,
        %swap3A_879 = arith.constant 576 : index
        %swap3A_880 = tpu.vector_load %arg9[%swap3A_879] {strides = array<i32>} : memref<2000xf32, #tpu.memory_space<vmem>>, vector<16xf32>,
        tpu.vector_store %arg9[%swap3A_879], %gather3A_878 {strides = array<i32>} : memref<2000xf32, #tpu.memory_space<vmem>>, vector<16xf32>,
        %get3A_881 = arith.constant 592 : index
        %get3A_882 = tpu.vector_load %arg7[%get3A_881] {strides = array<i32>} : memref<2000xi32, #tpu.memory_space<vmem>>, vector<16xi32>,
        %gather3A_883 = tpu.vector_load_idx %arg5[%get3A_882] : memref<100000xf32, #tpu.memory_space<vmem>>[vector<16xi32>], vector<16xf32>,
        %swap3A_884 = arith.constant 592 : index
        %swap3A_885 = tpu.vector_load %arg9[%swap3A_884] {strides = array<i32>} : memref<2000xf32, #tpu.memory_space<vmem>>, vector<16xf32>,
        tpu.vector_store %arg9[%swap3A_884], %gather3A_883 {strides = array<i32>} : memref<2000xf32, #tpu.memory_space<vmem>>, vector<16xf32>,
        %get3A_886 = arith.constant 608 : index
        %get3A_887 = tpu.vector_load %arg7[%get3A_886] {strides = array<i32>} : memref<2000xi32, #tpu.memory_space<vmem>>, vector<16xi32>,
        %gather3A_888 = tpu.vector_load_idx %arg5[%get3A_887] : memref<100000xf32, #tpu.memory_space<vmem>>[vector<16xi32>], vector<16xf32>,
        %swap3A_889 = arith.constant 608 : index
        %swap3A_890 = tpu.vector_load %arg9[%swap3A_889] {strides = array<i32>} : memref<2000xf32, #tpu.memory_space<vmem>>, vector<16xf32>,
        tpu.vector_store %arg9[%swap3A_889], %gather3A_888 {strides = array<i32>} : memref<2000xf32, #tpu.memory_space<vmem>>, vector<16xf32>,
        %get3A_891 = arith.constant 624 : index
        %get3A_892 = tpu.vector_load %arg7[%get3A_891] {strides = array<i32>} : memref<2000xi32, #tpu.memory_space<vmem>>, vector<16xi32>,
        %gather3A_893 = tpu.vector_load_idx %arg5[%get3A_892] : memref<100000xf32, #tpu.memory_space<vmem>>[vector<16xi32>], vector<16xf32>,
        %swap3A_894 = arith.constant 624 : index
        %swap3A_895 = tpu.vector_load %arg9[%swap3A_894] {strides = array<i32>} : memref<2000xf32, #tpu.memory_space<vmem>>, vector<16xf32>,
        tpu.vector_store %arg9[%swap3A_894], %gather3A_893 {strides = array<i32>} : memref<2000xf32, #tpu.memory_space<vmem>>, vector<16xf32>,
        %get3A_896 = arith.constant 640 : index
        %get3A_897 = tpu.vector_load %arg7[%get3A_896] {strides = array<i32>} : memref<2000xi32, #tpu.memory_space<vmem>>, vector<16xi32>,
        %gather3A_898 = tpu.vector_load_idx %arg5[%get3A_897] : memref<100000xf32, #tpu.memory_space<vmem>>[vector<16xi32>], vector<16xf32>,
        %swap3A_899 = arith.constant 640 : index
        %swap3A_900 = tpu.vector_load %arg9[%swap3A_899] {strides = array<i32>} : memref<2000xf32, #tpu.memory_space<vmem>>, vector<16xf32>,
        tpu.vector_store %arg9[%swap3A_899], %gather3A_898 {strides = array<i32>} : memref<2000xf32, #tpu.memory_space<vmem>>, vector<16xf32>,
        %get3A_901 = arith.constant 656 : index
        %get3A_902 = tpu.vector_load %arg7[%get3A_901] {strides = array<i32>} : memref<2000xi32, #tpu.memory_space<vmem>>, vector<16xi32>,
        %gather3A_903 = tpu.vector_load_idx %arg5[%get3A_902] : memref<100000xf32, #tpu.memory_space<vmem>>[vector<16xi32>], vector<16xf32>,
        %swap3A_904 = arith.constant 656 : index
        %swap3A_905 = tpu.vector_load %arg9[%swap3A_904] {strides = array<i32>} : memref<2000xf32, #tpu.memory_space<vmem>>, vector<16xf32>,
        tpu.vector_store %arg9[%swap3A_904], %gather3A_903 {strides = array<i32>} : memref<2000xf32, #tpu.memory_space<vmem>>, vector<16xf32>,
        %get3A_906 = arith.constant 672 : index
        %get3A_907 = tpu.vector_load %arg7[%get3A_906] {strides = array<i32>} : memref<2000xi32, #tpu.memory_space<vmem>>, vector<16xi32>,
        %gather3A_908 = tpu.vector_load_idx %arg5[%get3A_907] : memref<100000xf32, #tpu.memory_space<vmem>>[vector<16xi32>], vector<16xf32>,
        %swap3A_909 = arith.constant 672 : index
        %swap3A_910 = tpu.vector_load %arg9[%swap3A_909] {strides = array<i32>} : memref<2000xf32, #tpu.memory_space<vmem>>, vector<16xf32>,
        tpu.vector_store %arg9[%swap3A_909], %gather3A_908 {strides = array<i32>} : memref<2000xf32, #tpu.memory_space<vmem>>, vector<16xf32>,
        %get3A_911 = arith.constant 688 : index
        %get3A_912 = tpu.vector_load %arg7[%get3A_911] {strides = array<i32>} : memref<2000xi32, #tpu.memory_space<vmem>>, vector<16xi32>,
        %gather3A_913 = tpu.vector_load_idx %arg5[%get3A_912] : memref<100000xf32, #tpu.memory_space<vmem>>[vector<16xi32>], vector<16xf32>,
        %swap3A_914 = arith.constant 688 : index
        %swap3A_915 = tpu.vector_load %arg9[%swap3A_914] {strides = array<i32>} : memref<2000xf32, #tpu.memory_space<vmem>>, vector<16xf32>,
        tpu.vector_store %arg9[%swap3A_914], %gather3A_913 {strides = array<i32>} : memref<2000xf32, #tpu.memory_space<vmem>>, vector<16xf32>,
        %get3A_916 = arith.constant 704 : index
        %get3A_917 = tpu.vector_load %arg7[%get3A_916] {strides = array<i32>} : memref<2000xi32, #tpu.memory_space<vmem>>, vector<16xi32>,
        %gather3A_918 = tpu.vector_load_idx %arg5[%get3A_917] : memref<100000xf32, #tpu.memory_space<vmem>>[vector<16xi32>], vector<16xf32>,
        %swap3A_919 = arith.constant 704 : index
        %swap3A_920 = tpu.vector_load %arg9[%swap3A_919] {strides = array<i32>} : memref<2000xf32, #tpu.memory_space<vmem>>, vector<16xf32>,
        tpu.vector_store %arg9[%swap3A_919], %gather3A_918 {strides = array<i32>} : memref<2000xf32, #tpu.memory_space<vmem>>, vector<16xf32>,
        %get3A_921 = arith.constant 720 : index
        %get3A_922 = tpu.vector_load %arg7[%get3A_921] {strides = array<i32>} : memref<2000xi32, #tpu.memory_space<vmem>>, vector<16xi32>,
        %gather3A_923 = tpu.vector_load_idx %arg5[%get3A_922] : memref<100000xf32, #tpu.memory_space<vmem>>[vector<16xi32>], vector<16xf32>,
        %swap3A_924 = arith.constant 720 : index
        %swap3A_925 = tpu.vector_load %arg9[%swap3A_924] {strides = array<i32>} : memref<2000xf32, #tpu.memory_space<vmem>>, vector<16xf32>,
        tpu.vector_store %arg9[%swap3A_924], %gather3A_923 {strides = array<i32>} : memref<2000xf32, #tpu.memory_space<vmem>>, vector<16xf32>,
        %get3A_926 = arith.constant 736 : index
        %get3A_927 = tpu.vector_load %arg7[%get3A_926] {strides = array<i32>} : memref<2000xi32, #tpu.memory_space<vmem>>, vector<16xi32>,
        %gather3A_928 = tpu.vector_load_idx %arg5[%get3A_927] : memref<100000xf32, #tpu.memory_space<vmem>>[vector<16xi32>], vector<16xf32>,
        %swap3A_929 = arith.constant 736 : index
        %swap3A_930 = tpu.vector_load %arg9[%swap3A_929] {strides = array<i32>} : memref<2000xf32, #tpu.memory_space<vmem>>, vector<16xf32>,
        tpu.vector_store %arg9[%swap3A_929], %gather3A_928 {strides = array<i32>} : memref<2000xf32, #tpu.memory_space<vmem>>, vector<16xf32>,
        %get3A_931 = arith.constant 752 : index
        %get3A_932 = tpu.vector_load %arg7[%get3A_931] {strides = array<i32>} : memref<2000xi32, #tpu.memory_space<vmem>>, vector<16xi32>,
        %gather3A_933 = tpu.vector_load_idx %arg5[%get3A_932] : memref<100000xf32, #tpu.memory_space<vmem>>[vector<16xi32>], vector<16xf32>,
        %swap3A_934 = arith.constant 752 : index
        %swap3A_935 = tpu.vector_load %arg9[%swap3A_934] {strides = array<i32>} : memref<2000xf32, #tpu.memory_space<vmem>>, vector<16xf32>,
        tpu.vector_store %arg9[%swap3A_934], %gather3A_933 {strides = array<i32>} : memref<2000xf32, #tpu.memory_space<vmem>>, vector<16xf32>,
        %get3A_936 = arith.constant 768 : index
        %get3A_937 = tpu.vector_load %arg7[%get3A_936] {strides = array<i32>} : memref<2000xi32, #tpu.memory_space<vmem>>, vector<16xi32>,
        %gather3A_938 = tpu.vector_load_idx %arg5[%get3A_937] : memref<100000xf32, #tpu.memory_space<vmem>>[vector<16xi32>], vector<16xf32>,
        %swap3A_939 = arith.constant 768 : index
        %swap3A_940 = tpu.vector_load %arg9[%swap3A_939] {strides = array<i32>} : memref<2000xf32, #tpu.memory_space<vmem>>, vector<16xf32>,
        tpu.vector_store %arg9[%swap3A_939], %gather3A_938 {strides = array<i32>} : memref<2000xf32, #tpu.memory_space<vmem>>, vector<16xf32>,
        %get3A_941 = arith.constant 784 : index
        %get3A_942 = tpu.vector_load %arg7[%get3A_941] {strides = array<i32>} : memref<2000xi32, #tpu.memory_space<vmem>>, vector<16xi32>,
        %gather3A_943 = tpu.vector_load_idx %arg5[%get3A_942] : memref<100000xf32, #tpu.memory_space<vmem>>[vector<16xi32>], vector<16xf32>,
        %swap3A_944 = arith.constant 784 : index
        %swap3A_945 = tpu.vector_load %arg9[%swap3A_944] {strides = array<i32>} : memref<2000xf32, #tpu.memory_space<vmem>>, vector<16xf32>,
        tpu.vector_store %arg9[%swap3A_944], %gather3A_943 {strides = array<i32>} : memref<2000xf32, #tpu.memory_space<vmem>>, vector<16xf32>,
        %get3A_946 = arith.constant 800 : index
        %get3A_947 = tpu.vector_load %arg7[%get3A_946] {strides = array<i32>} : memref<2000xi32, #tpu.memory_space<vmem>>, vector<16xi32>,
        %gather3A_948 = tpu.vector_load_idx %arg5[%get3A_947] : memref<100000xf32, #tpu.memory_space<vmem>>[vector<16xi32>], vector<16xf32>,
        %swap3A_949 = arith.constant 800 : index
        %swap3A_950 = tpu.vector_load %arg9[%swap3A_949] {strides = array<i32>} : memref<2000xf32, #tpu.memory_space<vmem>>, vector<16xf32>,
        tpu.vector_store %arg9[%swap3A_949], %gather3A_948 {strides = array<i32>} : memref<2000xf32, #tpu.memory_space<vmem>>, vector<16xf32>,
        %get3A_951 = arith.constant 816 : index
        %get3A_952 = tpu.vector_load %arg7[%get3A_951] {strides = array<i32>} : memref<2000xi32, #tpu.memory_space<vmem>>, vector<16xi32>,
        %gather3A_953 = tpu.vector_load_idx %arg5[%get3A_952] : memref<100000xf32, #tpu.memory_space<vmem>>[vector<16xi32>], vector<16xf32>,
        %swap3A_954 = arith.constant 816 : index
        %swap3A_955 = tpu.vector_load %arg9[%swap3A_954] {strides = array<i32>} : memref<2000xf32, #tpu.memory_space<vmem>>, vector<16xf32>,
        tpu.vector_store %arg9[%swap3A_954], %gather3A_953 {strides = array<i32>} : memref<2000xf32, #tpu.memory_space<vmem>>, vector<16xf32>,
        %get3A_956 = arith.constant 832 : index
        %get3A_957 = tpu.vector_load %arg7[%get3A_956] {strides = array<i32>} : memref<2000xi32, #tpu.memory_space<vmem>>, vector<16xi32>,
        %gather3A_958 = tpu.vector_load_idx %arg5[%get3A_957] : memref<100000xf32, #tpu.memory_space<vmem>>[vector<16xi32>], vector<16xf32>,
        %swap3A_959 = arith.constant 832 : index
        %swap3A_960 = tpu.vector_load %arg9[%swap3A_959] {strides = array<i32>} : memref<2000xf32, #tpu.memory_space<vmem>>, vector<16xf32>,
        tpu.vector_store %arg9[%swap3A_959], %gather3A_958 {strides = array<i32>} : memref<2000xf32, #tpu.memory_space<vmem>>, vector<16xf32>,
        %get3A_961 = arith.constant 848 : index
        %get3A_962 = tpu.vector_load %arg7[%get3A_961] {strides = array<i32>} : memref<2000xi32, #tpu.memory_space<vmem>>, vector<16xi32>,
        %gather3A_963 = tpu.vector_load_idx %arg5[%get3A_962] : memref<100000xf32, #tpu.memory_space<vmem>>[vector<16xi32>], vector<16xf32>,
        %swap3A_964 = arith.constant 848 : index
        %swap3A_965 = tpu.vector_load %arg9[%swap3A_964] {strides = array<i32>} : memref<2000xf32, #tpu.memory_space<vmem>>, vector<16xf32>,
        tpu.vector_store %arg9[%swap3A_964], %gather3A_963 {strides = array<i32>} : memref<2000xf32, #tpu.memory_space<vmem>>, vector<16xf32>,
        %get3A_966 = arith.constant 864 : index
        %get3A_967 = tpu.vector_load %arg7[%get3A_966] {strides = array<i32>} : memref<2000xi32, #tpu.memory_space<vmem>>, vector<16xi32>,
        %gather3A_968 = tpu.vector_load_idx %arg5[%get3A_967] : memref<100000xf32, #tpu.memory_space<vmem>>[vector<16xi32>], vector<16xf32>,
        %swap3A_969 = arith.constant 864 : index
        %swap3A_970 = tpu.vector_load %arg9[%swap3A_969] {strides = array<i32>} : memref<2000xf32, #tpu.memory_space<vmem>>, vector<16xf32>,
        tpu.vector_store %arg9[%swap3A_969], %gather3A_968 {strides = array<i32>} : memref<2000xf32, #tpu.memory_space<vmem>>, vector<16xf32>,
        %get3A_971 = arith.constant 880 : index
        %get3A_972 = tpu.vector_load %arg7[%get3A_971] {strides = array<i32>} : memref<2000xi32, #tpu.memory_space<vmem>>, vector<16xi32>,
        %gather3A_973 = tpu.vector_load_idx %arg5[%get3A_972] : memref<100000xf32, #tpu.memory_space<vmem>>[vector<16xi32>], vector<16xf32>,
        %swap3A_974 = arith.constant 880 : index
        %swap3A_975 = tpu.vector_load %arg9[%swap3A_974] {strides = array<i32>} : memref<2000xf32, #tpu.memory_space<vmem>>, vector<16xf32>,
        tpu.vector_store %arg9[%swap3A_974], %gather3A_973 {strides = array<i32>} : memref<2000xf32, #tpu.memory_space<vmem>>, vector<16xf32>,
        %get3A_976 = arith.constant 896 : index
        %get3A_977 = tpu.vector_load %arg7[%get3A_976] {strides = array<i32>} : memref<2000xi32, #tpu.memory_space<vmem>>, vector<16xi32>,
        %gather3A_978 = tpu.vector_load_idx %arg5[%get3A_977] : memref<100000xf32, #tpu.memory_space<vmem>>[vector<16xi32>], vector<16xf32>,
        %swap3A_979 = arith.constant 896 : index
        %swap3A_980 = tpu.vector_load %arg9[%swap3A_979] {strides = array<i32>} : memref<2000xf32, #tpu.memory_space<vmem>>, vector<16xf32>,
        tpu.vector_store %arg9[%swap3A_979], %gather3A_978 {strides = array<i32>} : memref<2000xf32, #tpu.memory_space<vmem>>, vector<16xf32>,
        %get3A_981 = arith.constant 912 : index
        %get3A_982 = tpu.vector_load %arg7[%get3A_981] {strides = array<i32>} : memref<2000xi32, #tpu.memory_space<vmem>>, vector<16xi32>,
        %gather3A_983 = tpu.vector_load_idx %arg5[%get3A_982] : memref<100000xf32, #tpu.memory_space<vmem>>[vector<16xi32>], vector<16xf32>,
        %swap3A_984 = arith.constant 912 : index
        %swap3A_985 = tpu.vector_load %arg9[%swap3A_984] {strides = array<i32>} : memref<2000xf32, #tpu.memory_space<vmem>>, vector<16xf32>,
        tpu.vector_store %arg9[%swap3A_984], %gather3A_983 {strides = array<i32>} : memref<2000xf32, #tpu.memory_space<vmem>>, vector<16xf32>,
        %get3A_986 = arith.constant 928 : index
        %get3A_987 = tpu.vector_load %arg7[%get3A_986] {strides = array<i32>} : memref<2000xi32, #tpu.memory_space<vmem>>, vector<16xi32>,
        %gather3A_988 = tpu.vector_load_idx %arg5[%get3A_987] : memref<100000xf32, #tpu.memory_space<vmem>>[vector<16xi32>], vector<16xf32>,
        %swap3A_989 = arith.constant 928 : index
        %swap3A_990 = tpu.vector_load %arg9[%swap3A_989] {strides = array<i32>} : memref<2000xf32, #tpu.memory_space<vmem>>, vector<16xf32>,
        tpu.vector_store %arg9[%swap3A_989], %gather3A_988 {strides = array<i32>} : memref<2000xf32, #tpu.memory_space<vmem>>, vector<16xf32>,
        %get3A_991 = arith.constant 944 : index
        %get3A_992 = tpu.vector_load %arg7[%get3A_991] {strides = array<i32>} : memref<2000xi32, #tpu.memory_space<vmem>>, vector<16xi32>,
        %gather3A_993 = tpu.vector_load_idx %arg5[%get3A_992] : memref<100000xf32, #tpu.memory_space<vmem>>[vector<16xi32>], vector<16xf32>,
        %swap3A_994 = arith.constant 944 : index
        %swap3A_995 = tpu.vector_load %arg9[%swap3A_994] {strides = array<i32>} : memref<2000xf32, #tpu.memory_space<vmem>>, vector<16xf32>,
        tpu.vector_store %arg9[%swap3A_994], %gather3A_993 {strides = array<i32>} : memref<2000xf32, #tpu.memory_space<vmem>>, vector<16xf32>,
        %get3A_996 = arith.constant 960 : index
        %get3A_997 = tpu.vector_load %arg7[%get3A_996] {strides = array<i32>} : memref<2000xi32, #tpu.memory_space<vmem>>, vector<16xi32>,
        %gather3A_998 = tpu.vector_load_idx %arg5[%get3A_997] : memref<100000xf32, #tpu.memory_space<vmem>>[vector<16xi32>], vector<16xf32>,
        %swap3A_999 = arith.constant 960 : index
        %swap3A_1000 = tpu.vector_load %arg9[%swap3A_999] {strides = array<i32>} : memref<2000xf32, #tpu.memory_space<vmem>>, vector<16xf32>,
        tpu.vector_store %arg9[%swap3A_999], %gather3A_998 {strides = array<i32>} : memref<2000xf32, #tpu.memory_space<vmem>>, vector<16xf32>,
        %get3A_1001 = arith.constant 976 : index
        %get3A_1002 = tpu.vector_load %arg7[%get3A_1001] {strides = array<i32>} : memref<2000xi32, #tpu.memory_space<vmem>>, vector<16xi32>,
        %gather3A_1003 = tpu.vector_load_idx %arg5[%get3A_1002] : memref<100000xf32, #tpu.memory_space<vmem>>[vector<16xi32>], vector<16xf32>,
        %swap3A_1004 = arith.constant 976 : index
        %swap3A_1005 = tpu.vector_load %arg9[%swap3A_1004] {strides = array<i32>} : memref<2000xf32, #tpu.memory_space<vmem>>, vector<16xf32>,
        tpu.vector_store %arg9[%swap3A_1004], %gather3A_1003 {strides = array<i32>} : memref<2000xf32, #tpu.memory_space<vmem>>, vector<16xf32>,
        %get3A_1006 = arith.constant 992 : index
        %get3A_1007 = tpu.vector_load %arg7[%get3A_1006] {strides = array<i32>} : memref<2000xi32, #tpu.memory_space<vmem>>, vector<16xi32>,
        %gather3A_1008 = tpu.vector_load_idx %arg5[%get3A_1007] : memref<100000xf32, #tpu.memory_space<vmem>>[vector<16xi32>], vector<16xf32>,
        %swap3A_1009 = arith.constant 992 : index
        %swap3A_1010 = tpu.vector_load %arg9[%swap3A_1009] {strides = array<i32>} : memref<2000xf32, #tpu.memory_space<vmem>>, vector<16xf32>,
        tpu.vector_store %arg9[%swap3A_1009], %gather3A_1008 {strides = array<i32>} : memref<2000xf32, #tpu.memory_space<vmem>>, vector<16xf32>,
        %get3A_1011 = arith.constant 1008 : index
        %get3A_1012 = tpu.vector_load %arg7[%get3A_1011] {strides = array<i32>} : memref<2000xi32, #tpu.memory_space<vmem>>, vector<16xi32>,
        %gather3A_1013 = tpu.vector_load_idx %arg5[%get3A_1012] : memref<100000xf32, #tpu.memory_space<vmem>>[vector<16xi32>], vector<16xf32>,
        %swap3A_1014 = arith.constant 1008 : index
        %swap3A_1015 = tpu.vector_load %arg9[%swap3A_1014] {strides = array<i32>} : memref<2000xf32, #tpu.memory_space<vmem>>, vector<16xf32>,
        tpu.vector_store %arg9[%swap3A_1014], %gather3A_1013 {strides = array<i32>} : memref<2000xf32, #tpu.memory_space<vmem>>, vector<16xf32>,
        %get3A_1016 = arith.constant 1024 : index
        %get3A_1017 = tpu.vector_load %arg7[%get3A_1016] {strides = array<i32>} : memref<2000xi32, #tpu.memory_space<vmem>>, vector<16xi32>,
        %gather3A_1018 = tpu.vector_load_idx %arg5[%get3A_1017] : memref<100000xf32, #tpu.memory_space<vmem>>[vector<16xi32>], vector<16xf32>,
        %swap3A_1019 = arith.constant 1024 : index
        %swap3A_1020 = tpu.vector_load %arg9[%swap3A_1019] {strides = array<i32>} : memref<2000xf32, #tpu.memory_space<vmem>>, vector<16xf32>,
        tpu.vector_store %arg9[%swap3A_1019], %gather3A_1018 {strides = array<i32>} : memref<2000xf32, #tpu.memory_space<vmem>>, vector<16xf32>,
        %get3A_1021 = arith.constant 1040 : index
        %get3A_1022 = tpu.vector_load %arg7[%get3A_1021] {strides = array<i32>} : memref<2000xi32, #tpu.memory_space<vmem>>, vector<16xi32>,
        %gather3A_1023 = tpu.vector_load_idx %arg5[%get3A_1022] : memref<100000xf32, #tpu.memory_space<vmem>>[vector<16xi32>], vector<16xf32>,
        %swap3A_1024 = arith.constant 1040 : index
        %swap3A_1025 = tpu.vector_load %arg9[%swap3A_1024] {strides = array<i32>} : memref<2000xf32, #tpu.memory_space<vmem>>, vector<16xf32>,
        tpu.vector_store %arg9[%swap3A_1024], %gather3A_1023 {strides = array<i32>} : memref<2000xf32, #tpu.memory_space<vmem>>, vector<16xf32>,
        %get3A_1026 = arith.constant 1056 : index
        %get3A_1027 = tpu.vector_load %arg7[%get3A_1026] {strides = array<i32>} : memref<2000xi32, #tpu.memory_space<vmem>>, vector<16xi32>,
        %gather3A_1028 = tpu.vector_load_idx %arg5[%get3A_1027] : memref<100000xf32, #tpu.memory_space<vmem>>[vector<16xi32>], vector<16xf32>,
        %swap3A_1029 = arith.constant 1056 : index
        %swap3A_1030 = tpu.vector_load %arg9[%swap3A_1029] {strides = array<i32>} : memref<2000xf32, #tpu.memory_space<vmem>>, vector<16xf32>,
        tpu.vector_store %arg9[%swap3A_1029], %gather3A_1028 {strides = array<i32>} : memref<2000xf32, #tpu.memory_space<vmem>>, vector<16xf32>,
        %get3A_1031 = arith.constant 1072 : index
        %get3A_1032 = tpu.vector_load %arg7[%get3A_1031] {strides = array<i32>} : memref<2000xi32, #tpu.memory_space<vmem>>, vector<16xi32>,
        %gather3A_1033 = tpu.vector_load_idx %arg5[%get3A_1032] : memref<100000xf32, #tpu.memory_space<vmem>>[vector<16xi32>], vector<16xf32>,
        %swap3A_1034 = arith.constant 1072 : index
        %swap3A_1035 = tpu.vector_load %arg9[%swap3A_1034] {strides = array<i32>} : memref<2000xf32, #tpu.memory_space<vmem>>, vector<16xf32>,
        tpu.vector_store %arg9[%swap3A_1034], %gather3A_1033 {strides = array<i32>} : memref<2000xf32, #tpu.memory_space<vmem>>, vector<16xf32>,
        %get3A_1036 = arith.constant 1088 : index
        %get3A_1037 = tpu.vector_load %arg7[%get3A_1036] {strides = array<i32>} : memref<2000xi32, #tpu.memory_space<vmem>>, vector<16xi32>,
        %gather3A_1038 = tpu.vector_load_idx %arg5[%get3A_1037] : memref<100000xf32, #tpu.memory_space<vmem>>[vector<16xi32>], vector<16xf32>,
        %swap3A_1039 = arith.constant 1088 : index
        %swap3A_1040 = tpu.vector_load %arg9[%swap3A_1039] {strides = array<i32>} : memref<2000xf32, #tpu.memory_space<vmem>>, vector<16xf32>,
        tpu.vector_store %arg9[%swap3A_1039], %gather3A_1038 {strides = array<i32>} : memref<2000xf32, #tpu.memory_space<vmem>>, vector<16xf32>,
        %get3A_1041 = arith.constant 1104 : index
        %get3A_1042 = tpu.vector_load %arg7[%get3A_1041] {strides = array<i32>} : memref<2000xi32, #tpu.memory_space<vmem>>, vector<16xi32>,
        %gather3A_1043 = tpu.vector_load_idx %arg5[%get3A_1042] : memref<100000xf32, #tpu.memory_space<vmem>>[vector<16xi32>], vector<16xf32>,
        %swap3A_1044 = arith.constant 1104 : index
        %swap3A_1045 = tpu.vector_load %arg9[%swap3A_1044] {strides = array<i32>} : memref<2000xf32, #tpu.memory_space<vmem>>, vector<16xf32>,
        tpu.vector_store %arg9[%swap3A_1044], %gather3A_1043 {strides = array<i32>} : memref<2000xf32, #tpu.memory_space<vmem>>, vector<16xf32>,
        %get3A_1046 = arith.constant 1120 : index
        %get3A_1047 = tpu.vector_load %arg7[%get3A_1046] {strides = array<i32>} : memref<2000xi32, #tpu.memory_space<vmem>>, vector<16xi32>,
        %gather3A_1048 = tpu.vector_load_idx %arg5[%get3A_1047] : memref<100000xf32, #tpu.memory_space<vmem>>[vector<16xi32>], vector<16xf32>,
        %swap3A_1049 = arith.constant 1120 : index
        %swap3A_1050 = tpu.vector_load %arg9[%swap3A_1049] {strides = array<i32>} : memref<2000xf32, #tpu.memory_space<vmem>>, vector<16xf32>,
        tpu.vector_store %arg9[%swap3A_1049], %gather3A_1048 {strides = array<i32>} : memref<2000xf32, #tpu.memory_space<vmem>>, vector<16xf32>,
        %get3A_1051 = arith.constant 1136 : index
        %get3A_1052 = tpu.vector_load %arg7[%get3A_1051] {strides = array<i32>} : memref<2000xi32, #tpu.memory_space<vmem>>, vector<16xi32>,
        %gather3A_1053 = tpu.vector_load_idx %arg5[%get3A_1052] : memref<100000xf32, #tpu.memory_space<vmem>>[vector<16xi32>], vector<16xf32>,
        %swap3A_1054 = arith.constant 1136 : index
        %swap3A_1055 = tpu.vector_load %arg9[%swap3A_1054] {strides = array<i32>} : memref<2000xf32, #tpu.memory_space<vmem>>, vector<16xf32>,
        tpu.vector_store %arg9[%swap3A_1054], %gather3A_1053 {strides = array<i32>} : memref<2000xf32, #tpu.memory_space<vmem>>, vector<16xf32>,
        %get3A_1056 = arith.constant 1152 : index
        %get3A_1057 = tpu.vector_load %arg7[%get3A_1056] {strides = array<i32>} : memref<2000xi32, #tpu.memory_space<vmem>>, vector<16xi32>,
        %gather3A_1058 = tpu.vector_load_idx %arg5[%get3A_1057] : memref<100000xf32, #tpu.memory_space<vmem>>[vector<16xi32>], vector<16xf32>,
        %swap3A_1059 = arith.constant 1152 : index
        %swap3A_1060 = tpu.vector_load %arg9[%swap3A_1059] {strides = array<i32>} : memref<2000xf32, #tpu.memory_space<vmem>>, vector<16xf32>,
        tpu.vector_store %arg9[%swap3A_1059], %gather3A_1058 {strides = array<i32>} : memref<2000xf32, #tpu.memory_space<vmem>>, vector<16xf32>,
        %get3A_1061 = arith.constant 1168 : index
        %get3A_1062 = tpu.vector_load %arg7[%get3A_1061] {strides = array<i32>} : memref<2000xi32, #tpu.memory_space<vmem>>, vector<16xi32>,
        %gather3A_1063 = tpu.vector_load_idx %arg5[%get3A_1062] : memref<100000xf32, #tpu.memory_space<vmem>>[vector<16xi32>], vector<16xf32>,
        %swap3A_1064 = arith.constant 1168 : index
        %swap3A_1065 = tpu.vector_load %arg9[%swap3A_1064] {strides = array<i32>} : memref<2000xf32, #tpu.memory_space<vmem>>, vector<16xf32>,
        tpu.vector_store %arg9[%swap3A_1064], %gather3A_1063 {strides = array<i32>} : memref<2000xf32, #tpu.memory_space<vmem>>, vector<16xf32>,
        %get3A_1066 = arith.constant 1184 : index
        %get3A_1067 = tpu.vector_load %arg7[%get3A_1066] {strides = array<i32>} : memref<2000xi32, #tpu.memory_space<vmem>>, vector<16xi32>,
        %gather3A_1068 = tpu.vector_load_idx %arg5[%get3A_1067] : memref<100000xf32, #tpu.memory_space<vmem>>[vector<16xi32>], vector<16xf32>,
        %swap3A_1069 = arith.constant 1184 : index
        %swap3A_1070 = tpu.vector_load %arg9[%swap3A_1069] {strides = array<i32>} : memref<2000xf32, #tpu.memory_space<vmem>>, vector<16xf32>,
        tpu.vector_store %arg9[%swap3A_1069], %gather3A_1068 {strides = array<i32>} : memref<2000xf32, #tpu.memory_space<vmem>>, vector<16xf32>,
        %get3A_1071 = arith.constant 1200 : index
        %get3A_1072 = tpu.vector_load %arg7[%get3A_1071] {strides = array<i32>} : memref<2000xi32, #tpu.memory_space<vmem>>, vector<16xi32>,
        %gather3A_1073 = tpu.vector_load_idx %arg5[%get3A_1072] : memref<100000xf32, #tpu.memory_space<vmem>>[vector<16xi32>], vector<16xf32>,
        %swap3A_1074 = arith.constant 1200 : index
        %swap3A_1075 = tpu.vector_load %arg9[%swap3A_1074] {strides = array<i32>} : memref<2000xf32, #tpu.memory_space<vmem>>, vector<16xf32>,
        tpu.vector_store %arg9[%swap3A_1074], %gather3A_1073 {strides = array<i32>} : memref<2000xf32, #tpu.memory_space<vmem>>, vector<16xf32>,
        %get3A_1076 = arith.constant 1216 : index
        %get3A_1077 = tpu.vector_load %arg7[%get3A_1076] {strides = array<i32>} : memref<2000xi32, #tpu.memory_space<vmem>>, vector<16xi32>,
        %gather3A_1078 = tpu.vector_load_idx %arg5[%get3A_1077] : memref<100000xf32, #tpu.memory_space<vmem>>[vector<16xi32>], vector<16xf32>,
        %swap3A_1079 = arith.constant 1216 : index
        %swap3A_1080 = tpu.vector_load %arg9[%swap3A_1079] {strides = array<i32>} : memref<2000xf32, #tpu.memory_space<vmem>>, vector<16xf32>,
        tpu.vector_store %arg9[%swap3A_1079], %gather3A_1078 {strides = array<i32>} : memref<2000xf32, #tpu.memory_space<vmem>>, vector<16xf32>,
        %get3A_1081 = arith.constant 1232 : index
        %get3A_1082 = tpu.vector_load %arg7[%get3A_1081] {strides = array<i32>} : memref<2000xi32, #tpu.memory_space<vmem>>, vector<16xi32>,
        %gather3A_1083 = tpu.vector_load_idx %arg5[%get3A_1082] : memref<100000xf32, #tpu.memory_space<vmem>>[vector<16xi32>], vector<16xf32>,
        %swap3A_1084 = arith.constant 1232 : index
        %swap3A_1085 = tpu.vector_load %arg9[%swap3A_1084] {strides = array<i32>} : memref<2000xf32, #tpu.memory_space<vmem>>, vector<16xf32>,
        tpu.vector_store %arg9[%swap3A_1084], %gather3A_1083 {strides = array<i32>} : memref<2000xf32, #tpu.memory_space<vmem>>, vector<16xf32>,
        %get3A_1086 = arith.constant 1248 : index
        %get3A_1087 = tpu.vector_load %arg7[%get3A_1086] {strides = array<i32>} : memref<2000xi32, #tpu.memory_space<vmem>>, vector<16xi32>,
        %gather3A_1088 = tpu.vector_load_idx %arg5[%get3A_1087] : memref<100000xf32, #tpu.memory_space<vmem>>[vector<16xi32>], vector<16xf32>,
        %swap3A_1089 = arith.constant 1248 : index
        %swap3A_1090 = tpu.vector_load %arg9[%swap3A_1089] {strides = array<i32>} : memref<2000xf32, #tpu.memory_space<vmem>>, vector<16xf32>,
        tpu.vector_store %arg9[%swap3A_1089], %gather3A_1088 {strides = array<i32>} : memref<2000xf32, #tpu.memory_space<vmem>>, vector<16xf32>,
        %get3A_1091 = arith.constant 1264 : index
        %get3A_1092 = tpu.vector_load %arg7[%get3A_1091] {strides = array<i32>} : memref<2000xi32, #tpu.memory_space<vmem>>, vector<16xi32>,
        %gather3A_1093 = tpu.vector_load_idx %arg5[%get3A_1092] : memref<100000xf32, #tpu.memory_space<vmem>>[vector<16xi32>], vector<16xf32>,
        %swap3A_1094 = arith.constant 1264 : index
        %swap3A_1095 = tpu.vector_load %arg9[%swap3A_1094] {strides = array<i32>} : memref<2000xf32, #tpu.memory_space<vmem>>, vector<16xf32>,
        tpu.vector_store %arg9[%swap3A_1094], %gather3A_1093 {strides = array<i32>} : memref<2000xf32, #tpu.memory_space<vmem>>, vector<16xf32>,
        %get3A_1096 = arith.constant 1280 : index
        %get3A_1097 = tpu.vector_load %arg7[%get3A_1096] {strides = array<i32>} : memref<2000xi32, #tpu.memory_space<vmem>>, vector<16xi32>,
        %gather3A_1098 = tpu.vector_load_idx %arg5[%get3A_1097] : memref<100000xf32, #tpu.memory_space<vmem>>[vector<16xi32>], vector<16xf32>,
        %swap3A_1099 = arith.constant 1280 : index
        %swap3A_1100 = tpu.vector_load %arg9[%swap3A_1099] {strides = array<i32>} : memref<2000xf32, #tpu.memory_space<vmem>>, vector<16xf32>,
        tpu.vector_store %arg9[%swap3A_1099], %gather3A_1098 {strides = array<i32>} : memref<2000xf32, #tpu.memory_space<vmem>>, vector<16xf32>,
        %get3A_1101 = arith.constant 1296 : index
        %get3A_1102 = tpu.vector_load %arg7[%get3A_1101] {strides = array<i32>} : memref<2000xi32, #tpu.memory_space<vmem>>, vector<16xi32>,
        %gather3A_1103 = tpu.vector_load_idx %arg5[%get3A_1102] : memref<100000xf32, #tpu.memory_space<vmem>>[vector<16xi32>], vector<16xf32>,
        %swap3A_1104 = arith.constant 1296 : index
        %swap3A_1105 = tpu.vector_load %arg9[%swap3A_1104] {strides = array<i32>} : memref<2000xf32, #tpu.memory_space<vmem>>, vector<16xf32>,
        tpu.vector_store %arg9[%swap3A_1104], %gather3A_1103 {strides = array<i32>} : memref<2000xf32, #tpu.memory_space<vmem>>, vector<16xf32>,
        %get3A_1106 = arith.constant 1312 : index
        %get3A_1107 = tpu.vector_load %arg7[%get3A_1106] {strides = array<i32>} : memref<2000xi32, #tpu.memory_space<vmem>>, vector<16xi32>,
        %gather3A_1108 = tpu.vector_load_idx %arg5[%get3A_1107] : memref<100000xf32, #tpu.memory_space<vmem>>[vector<16xi32>], vector<16xf32>,
        %swap3A_1109 = arith.constant 1312 : index
        %swap3A_1110 = tpu.vector_load %arg9[%swap3A_1109] {strides = array<i32>} : memref<2000xf32, #tpu.memory_space<vmem>>, vector<16xf32>,
        tpu.vector_store %arg9[%swap3A_1109], %gather3A_1108 {strides = array<i32>} : memref<2000xf32, #tpu.memory_space<vmem>>, vector<16xf32>,
        %get3A_1111 = arith.constant 1328 : index
        %get3A_1112 = tpu.vector_load %arg7[%get3A_1111] {strides = array<i32>} : memref<2000xi32, #tpu.memory_space<vmem>>, vector<16xi32>,
        %gather3A_1113 = tpu.vector_load_idx %arg5[%get3A_1112] : memref<100000xf32, #tpu.memory_space<vmem>>[vector<16xi32>], vector<16xf32>,
        %swap3A_1114 = arith.constant 1328 : index
        %swap3A_1115 = tpu.vector_load %arg9[%swap3A_1114] {strides = array<i32>} : memref<2000xf32, #tpu.memory_space<vmem>>, vector<16xf32>,
        tpu.vector_store %arg9[%swap3A_1114], %gather3A_1113 {strides = array<i32>} : memref<2000xf32, #tpu.memory_space<vmem>>, vector<16xf32>,
        %get3A_1116 = arith.constant 1344 : index
        %get3A_1117 = tpu.vector_load %arg7[%get3A_1116] {strides = array<i32>} : memref<2000xi32, #tpu.memory_space<vmem>>, vector<16xi32>,
        %gather3A_1118 = tpu.vector_load_idx %arg5[%get3A_1117] : memref<100000xf32, #tpu.memory_space<vmem>>[vector<16xi32>], vector<16xf32>,
        %swap3A_1119 = arith.constant 1344 : index
        %swap3A_1120 = tpu.vector_load %arg9[%swap3A_1119] {strides = array<i32>} : memref<2000xf32, #tpu.memory_space<vmem>>, vector<16xf32>,
        tpu.vector_store %arg9[%swap3A_1119], %gather3A_1118 {strides = array<i32>} : memref<2000xf32, #tpu.memory_space<vmem>>, vector<16xf32>,
        %get3A_1121 = arith.constant 1360 : index
        %get3A_1122 = tpu.vector_load %arg7[%get3A_1121] {strides = array<i32>} : memref<2000xi32, #tpu.memory_space<vmem>>, vector<16xi32>,
        %gather3A_1123 = tpu.vector_load_idx %arg5[%get3A_1122] : memref<100000xf32, #tpu.memory_space<vmem>>[vector<16xi32>], vector<16xf32>,
        %swap3A_1124 = arith.constant 1360 : index
        %swap3A_1125 = tpu.vector_load %arg9[%swap3A_1124] {strides = array<i32>} : memref<2000xf32, #tpu.memory_space<vmem>>, vector<16xf32>,
        tpu.vector_store %arg9[%swap3A_1124], %gather3A_1123 {strides = array<i32>} : memref<2000xf32, #tpu.memory_space<vmem>>, vector<16xf32>,
        %get3A_1126 = arith.constant 1376 : index
        %get3A_1127 = tpu.vector_load %arg7[%get3A_1126] {strides = array<i32>} : memref<2000xi32, #tpu.memory_space<vmem>>, vector<16xi32>,
        %gather3A_1128 = tpu.vector_load_idx %arg5[%get3A_1127] : memref<100000xf32, #tpu.memory_space<vmem>>[vector<16xi32>], vector<16xf32>,
        %swap3A_1129 = arith.constant 1376 : index
        %swap3A_1130 = tpu.vector_load %arg9[%swap3A_1129] {strides = array<i32>} : memref<2000xf32, #tpu.memory_space<vmem>>, vector<16xf32>,
        tpu.vector_store %arg9[%swap3A_1129], %gather3A_1128 {strides = array<i32>} : memref<2000xf32, #tpu.memory_space<vmem>>, vector<16xf32>,
        %get3A_1131 = arith.constant 1392 : index
        %get3A_1132 = tpu.vector_load %arg7[%get3A_1131] {strides = array<i32>} : memref<2000xi32, #tpu.memory_space<vmem>>, vector<16xi32>,
        %gather3A_1133 = tpu.vector_load_idx %arg5[%get3A_1132] : memref<100000xf32, #tpu.memory_space<vmem>>[vector<16xi32>], vector<16xf32>,
        %swap3A_1134 = arith.constant 1392 : index
        %swap3A_1135 = tpu.vector_load %arg9[%swap3A_1134] {strides = array<i32>} : memref<2000xf32, #tpu.memory_space<vmem>>, vector<16xf32>,
        tpu.vector_store %arg9[%swap3A_1134], %gather3A_1133 {strides = array<i32>} : memref<2000xf32, #tpu.memory_space<vmem>>, vector<16xf32>,
        %get3A_1136 = arith.constant 1408 : index
        %get3A_1137 = tpu.vector_load %arg7[%get3A_1136] {strides = array<i32>} : memref<2000xi32, #tpu.memory_space<vmem>>, vector<16xi32>,
        %gather3A_1138 = tpu.vector_load_idx %arg5[%get3A_1137] : memref<100000xf32, #tpu.memory_space<vmem>>[vector<16xi32>], vector<16xf32>,
        %swap3A_1139 = arith.constant 1408 : index
        %swap3A_1140 = tpu.vector_load %arg9[%swap3A_1139] {strides = array<i32>} : memref<2000xf32, #tpu.memory_space<vmem>>, vector<16xf32>,
        tpu.vector_store %arg9[%swap3A_1139], %gather3A_1138 {strides = array<i32>} : memref<2000xf32, #tpu.memory_space<vmem>>, vector<16xf32>,
        %get3A_1141 = arith.constant 1424 : index
        %get3A_1142 = tpu.vector_load %arg7[%get3A_1141] {strides = array<i32>} : memref<2000xi32, #tpu.memory_space<vmem>>, vector<16xi32>,
        %gather3A_1143 = tpu.vector_load_idx %arg5[%get3A_1142] : memref<100000xf32, #tpu.memory_space<vmem>>[vector<16xi32>], vector<16xf32>,
        %swap3A_1144 = arith.constant 1424 : index
        %swap3A_1145 = tpu.vector_load %arg9[%swap3A_1144] {strides = array<i32>} : memref<2000xf32, #tpu.memory_space<vmem>>, vector<16xf32>,
        tpu.vector_store %arg9[%swap3A_1144], %gather3A_1143 {strides = array<i32>} : memref<2000xf32, #tpu.memory_space<vmem>>, vector<16xf32>,
        %get3A_1146 = arith.constant 1440 : index
        %get3A_1147 = tpu.vector_load %arg7[%get3A_1146] {strides = array<i32>} : memref<2000xi32, #tpu.memory_space<vmem>>, vector<16xi32>,
        %gather3A_1148 = tpu.vector_load_idx %arg5[%get3A_1147] : memref<100000xf32, #tpu.memory_space<vmem>>[vector<16xi32>], vector<16xf32>,
        %swap3A_1149 = arith.constant 1440 : index
        %swap3A_1150 = tpu.vector_load %arg9[%swap3A_1149] {strides = array<i32>} : memref<2000xf32, #tpu.memory_space<vmem>>, vector<16xf32>,
        tpu.vector_store %arg9[%swap3A_1149], %gather3A_1148 {strides = array<i32>} : memref<2000xf32, #tpu.memory_space<vmem>>, vector<16xf32>,
        %get3A_1151 = arith.constant 1456 : index
        %get3A_1152 = tpu.vector_load %arg7[%get3A_1151] {strides = array<i32>} : memref<2000xi32, #tpu.memory_space<vmem>>, vector<16xi32>,
        %gather3A_1153 = tpu.vector_load_idx %arg5[%get3A_1152] : memref<100000xf32, #tpu.memory_space<vmem>>[vector<16xi32>], vector<16xf32>,
        %swap3A_1154 = arith.constant 1456 : index
        %swap3A_1155 = tpu.vector_load %arg9[%swap3A_1154] {strides = array<i32>} : memref<2000xf32, #tpu.memory_space<vmem>>, vector<16xf32>,
        tpu.vector_store %arg9[%swap3A_1154], %gather3A_1153 {strides = array<i32>} : memref<2000xf32, #tpu.memory_space<vmem>>, vector<16xf32>,
        %get3A_1156 = arith.constant 1472 : index
        %get3A_1157 = tpu.vector_load %arg7[%get3A_1156] {strides = array<i32>} : memref<2000xi32, #tpu.memory_space<vmem>>, vector<16xi32>,
        %gather3A_1158 = tpu.vector_load_idx %arg5[%get3A_1157] : memref<100000xf32, #tpu.memory_space<vmem>>[vector<16xi32>], vector<16xf32>,
        %swap3A_1159 = arith.constant 1472 : index
        %swap3A_1160 = tpu.vector_load %arg9[%swap3A_1159] {strides = array<i32>} : memref<2000xf32, #tpu.memory_space<vmem>>, vector<16xf32>,
        tpu.vector_store %arg9[%swap3A_1159], %gather3A_1158 {strides = array<i32>} : memref<2000xf32, #tpu.memory_space<vmem>>, vector<16xf32>,
        %get3A_1161 = arith.constant 1488 : index
        %get3A_1162 = tpu.vector_load %arg7[%get3A_1161] {strides = array<i32>} : memref<2000xi32, #tpu.memory_space<vmem>>, vector<16xi32>,
        %gather3A_1163 = tpu.vector_load_idx %arg5[%get3A_1162] : memref<100000xf32, #tpu.memory_space<vmem>>[vector<16xi32>], vector<16xf32>,
        %swap3A_1164 = arith.constant 1488 : index
        %swap3A_1165 = tpu.vector_load %arg9[%swap3A_1164] {strides = array<i32>} : memref<2000xf32, #tpu.memory_space<vmem>>, vector<16xf32>,
        tpu.vector_store %arg9[%swap3A_1164], %gather3A_1163 {strides = array<i32>} : memref<2000xf32, #tpu.memory_space<vmem>>, vector<16xf32>,
        %get3A_1166 = arith.constant 1504 : index
        %get3A_1167 = tpu.vector_load %arg7[%get3A_1166] {strides = array<i32>} : memref<2000xi32, #tpu.memory_space<vmem>>, vector<16xi32>,
        %gather3A_1168 = tpu.vector_load_idx %arg5[%get3A_1167] : memref<100000xf32, #tpu.memory_space<vmem>>[vector<16xi32>], vector<16xf32>,
        %swap3A_1169 = arith.constant 1504 : index
        %swap3A_1170 = tpu.vector_load %arg9[%swap3A_1169] {strides = array<i32>} : memref<2000xf32, #tpu.memory_space<vmem>>, vector<16xf32>,
        tpu.vector_store %arg9[%swap3A_1169], %gather3A_1168 {strides = array<i32>} : memref<2000xf32, #tpu.memory_space<vmem>>, vector<16xf32>,
        %get3A_1171 = arith.constant 1520 : index
        %get3A_1172 = tpu.vector_load %arg7[%get3A_1171] {strides = array<i32>} : memref<2000xi32, #tpu.memory_space<vmem>>, vector<16xi32>,
        %gather3A_1173 = tpu.vector_load_idx %arg5[%get3A_1172] : memref<100000xf32, #tpu.memory_space<vmem>>[vector<16xi32>], vector<16xf32>,
        %swap3A_1174 = arith.constant 1520 : index
        %swap3A_1175 = tpu.vector_load %arg9[%swap3A_1174] {strides = array<i32>} : memref<2000xf32, #tpu.memory_space<vmem>>, vector<16xf32>,
        tpu.vector_store %arg9[%swap3A_1174], %gather3A_1173 {strides = array<i32>} : memref<2000xf32, #tpu.memory_space<vmem>>, vector<16xf32>,
        %get3A_1176 = arith.constant 1536 : index
        %get3A_1177 = tpu.vector_load %arg7[%get3A_1176] {strides = array<i32>} : memref<2000xi32, #tpu.memory_space<vmem>>, vector<16xi32>,
        %gather3A_1178 = tpu.vector_load_idx %arg5[%get3A_1177] : memref<100000xf32, #tpu.memory_space<vmem>>[vector<16xi32>], vector<16xf32>,
        %swap3A_1179 = arith.constant 1536 : index
        %swap3A_1180 = tpu.vector_load %arg9[%swap3A_1179] {strides = array<i32>} : memref<2000xf32, #tpu.memory_space<vmem>>, vector<16xf32>,
        tpu.vector_store %arg9[%swap3A_1179], %gather3A_1178 {strides = array<i32>} : memref<2000xf32, #tpu.memory_space<vmem>>, vector<16xf32>,
        %get3A_1181 = arith.constant 1552 : index
        %get3A_1182 = tpu.vector_load %arg7[%get3A_1181] {strides = array<i32>} : memref<2000xi32, #tpu.memory_space<vmem>>, vector<16xi32>,
        %gather3A_1183 = tpu.vector_load_idx %arg5[%get3A_1182] : memref<100000xf32, #tpu.memory_space<vmem>>[vector<16xi32>], vector<16xf32>,
        %swap3A_1184 = arith.constant 1552 : index
        %swap3A_1185 = tpu.vector_load %arg9[%swap3A_1184] {strides = array<i32>} : memref<2000xf32, #tpu.memory_space<vmem>>, vector<16xf32>,
        tpu.vector_store %arg9[%swap3A_1184], %gather3A_1183 {strides = array<i32>} : memref<2000xf32, #tpu.memory_space<vmem>>, vector<16xf32>,
        %get3A_1186 = arith.constant 1568 : index
        %get3A_1187 = tpu.vector_load %arg7[%get3A_1186] {strides = array<i32>} : memref<2000xi32, #tpu.memory_space<vmem>>, vector<16xi32>,
        %gather3A_1188 = tpu.vector_load_idx %arg5[%get3A_1187] : memref<100000xf32, #tpu.memory_space<vmem>>[vector<16xi32>], vector<16xf32>,
        %swap3A_1189 = arith.constant 1568 : index
        %swap3A_1190 = tpu.vector_load %arg9[%swap3A_1189] {strides = array<i32>} : memref<2000xf32, #tpu.memory_space<vmem>>, vector<16xf32>,
        tpu.vector_store %arg9[%swap3A_1189], %gather3A_1188 {strides = array<i32>} : memref<2000xf32, #tpu.memory_space<vmem>>, vector<16xf32>,
        %get3A_1191 = arith.constant 1584 : index
        %get3A_1192 = tpu.vector_load %arg7[%get3A_1191] {strides = array<i32>} : memref<2000xi32, #tpu.memory_space<vmem>>, vector<16xi32>,
        %gather3A_1193 = tpu.vector_load_idx %arg5[%get3A_1192] : memref<100000xf32, #tpu.memory_space<vmem>>[vector<16xi32>], vector<16xf32>,
        %swap3A_1194 = arith.constant 1584 : index
        %swap3A_1195 = tpu.vector_load %arg9[%swap3A_1194] {strides = array<i32>} : memref<2000xf32, #tpu.memory_space<vmem>>, vector<16xf32>,
        tpu.vector_store %arg9[%swap3A_1194], %gather3A_1193 {strides = array<i32>} : memref<2000xf32, #tpu.memory_space<vmem>>, vector<16xf32>,
        %get3A_1196 = arith.constant 1600 : index
        %get3A_1197 = tpu.vector_load %arg7[%get3A_1196] {strides = array<i32>} : memref<2000xi32, #tpu.memory_space<vmem>>, vector<16xi32>,
        %gather3A_1198 = tpu.vector_load_idx %arg5[%get3A_1197] : memref<100000xf32, #tpu.memory_space<vmem>>[vector<16xi32>], vector<16xf32>,
        %swap3A_1199 = arith.constant 1600 : index
        %swap3A_1200 = tpu.vector_load %arg9[%swap3A_1199] {strides = array<i32>} : memref<2000xf32, #tpu.memory_space<vmem>>, vector<16xf32>,
        tpu.vector_store %arg9[%swap3A_1199], %gather3A_1198 {strides = array<i32>} : memref<2000xf32, #tpu.memory_space<vmem>>, vector<16xf32>,
        %get3A_1201 = arith.constant 1616 : index
        %get3A_1202 = tpu.vector_load %arg7[%get3A_1201] {strides = array<i32>} : memref<2000xi32, #tpu.memory_space<vmem>>, vector<16xi32>,
        %gather3A_1203 = tpu.vector_load_idx %arg5[%get3A_1202] : memref<100000xf32, #tpu.memory_space<vmem>>[vector<16xi32>], vector<16xf32>,
        %swap3A_1204 = arith.constant 1616 : index
        %swap3A_1205 = tpu.vector_load %arg9[%swap3A_1204] {strides = array<i32>} : memref<2000xf32, #tpu.memory_space<vmem>>, vector<16xf32>,
        tpu.vector_store %arg9[%swap3A_1204], %gather3A_1203 {strides = array<i32>} : memref<2000xf32, #tpu.memory_space<vmem>>, vector<16xf32>,
        %get3A_1206 = arith.constant 1632 : index
        %get3A_1207 = tpu.vector_load %arg7[%get3A_1206] {strides = array<i32>} : memref<2000xi32, #tpu.memory_space<vmem>>, vector<16xi32>,
        %gather3A_1208 = tpu.vector_load_idx %arg5[%get3A_1207] : memref<100000xf32, #tpu.memory_space<vmem>>[vector<16xi32>], vector<16xf32>,
        %swap3A_1209 = arith.constant 1632 : index
        %swap3A_1210 = tpu.vector_load %arg9[%swap3A_1209] {strides = array<i32>} : memref<2000xf32, #tpu.memory_space<vmem>>, vector<16xf32>,
        tpu.vector_store %arg9[%swap3A_1209], %gather3A_1208 {strides = array<i32>} : memref<2000xf32, #tpu.memory_space<vmem>>, vector<16xf32>,
        %get3A_1211 = arith.constant 1648 : index
        %get3A_1212 = tpu.vector_load %arg7[%get3A_1211] {strides = array<i32>} : memref<2000xi32, #tpu.memory_space<vmem>>, vector<16xi32>,
        %gather3A_1213 = tpu.vector_load_idx %arg5[%get3A_1212] : memref<100000xf32, #tpu.memory_space<vmem>>[vector<16xi32>], vector<16xf32>,
        %swap3A_1214 = arith.constant 1648 : index
        %swap3A_1215 = tpu.vector_load %arg9[%swap3A_1214] {strides = array<i32>} : memref<2000xf32, #tpu.memory_space<vmem>>, vector<16xf32>,
        tpu.vector_store %arg9[%swap3A_1214], %gather3A_1213 {strides = array<i32>} : memref<2000xf32, #tpu.memory_space<vmem>>, vector<16xf32>,
        %get3A_1216 = arith.constant 1664 : index
        %get3A_1217 = tpu.vector_load %arg7[%get3A_1216] {strides = array<i32>} : memref<2000xi32, #tpu.memory_space<vmem>>, vector<16xi32>,
        %gather3A_1218 = tpu.vector_load_idx %arg5[%get3A_1217] : memref<100000xf32, #tpu.memory_space<vmem>>[vector<16xi32>], vector<16xf32>,
        %swap3A_1219 = arith.constant 1664 : index
        %swap3A_1220 = tpu.vector_load %arg9[%swap3A_1219] {strides = array<i32>} : memref<2000xf32, #tpu.memory_space<vmem>>, vector<16xf32>,
        tpu.vector_store %arg9[%swap3A_1219], %gather3A_1218 {strides = array<i32>} : memref<2000xf32, #tpu.memory_space<vmem>>, vector<16xf32>,
        %get3A_1221 = arith.constant 1680 : index
        %get3A_1222 = tpu.vector_load %arg7[%get3A_1221] {strides = array<i32>} : memref<2000xi32, #tpu.memory_space<vmem>>, vector<16xi32>,
        %gather3A_1223 = tpu.vector_load_idx %arg5[%get3A_1222] : memref<100000xf32, #tpu.memory_space<vmem>>[vector<16xi32>], vector<16xf32>,
        %swap3A_1224 = arith.constant 1680 : index
        %swap3A_1225 = tpu.vector_load %arg9[%swap3A_1224] {strides = array<i32>} : memref<2000xf32, #tpu.memory_space<vmem>>, vector<16xf32>,
        tpu.vector_store %arg9[%swap3A_1224], %gather3A_1223 {strides = array<i32>} : memref<2000xf32, #tpu.memory_space<vmem>>, vector<16xf32>,
        %get3A_1226 = arith.constant 1696 : index
        %get3A_1227 = tpu.vector_load %arg7[%get3A_1226] {strides = array<i32>} : memref<2000xi32, #tpu.memory_space<vmem>>, vector<16xi32>,
        %gather3A_1228 = tpu.vector_load_idx %arg5[%get3A_1227] : memref<100000xf32, #tpu.memory_space<vmem>>[vector<16xi32>], vector<16xf32>,
        %swap3A_1229 = arith.constant 1696 : index
        %swap3A_1230 = tpu.vector_load %arg9[%swap3A_1229] {strides = array<i32>} : memref<2000xf32, #tpu.memory_space<vmem>>, vector<16xf32>,
        tpu.vector_store %arg9[%swap3A_1229], %gather3A_1228 {strides = array<i32>} : memref<2000xf32, #tpu.memory_space<vmem>>, vector<16xf32>,
        %get3A_1231 = arith.constant 1712 : index
        %get3A_1232 = tpu.vector_load %arg7[%get3A_1231] {strides = array<i32>} : memref<2000xi32, #tpu.memory_space<vmem>>, vector<16xi32>,
        %gather3A_1233 = tpu.vector_load_idx %arg5[%get3A_1232] : memref<100000xf32, #tpu.memory_space<vmem>>[vector<16xi32>], vector<16xf32>,
        %swap3A_1234 = arith.constant 1712 : index
        %swap3A_1235 = tpu.vector_load %arg9[%swap3A_1234] {strides = array<i32>} : memref<2000xf32, #tpu.memory_space<vmem>>, vector<16xf32>,
        tpu.vector_store %arg9[%swap3A_1234], %gather3A_1233 {strides = array<i32>} : memref<2000xf32, #tpu.memory_space<vmem>>, vector<16xf32>,
        %get3A_1236 = arith.constant 1728 : index
        %get3A_1237 = tpu.vector_load %arg7[%get3A_1236] {strides = array<i32>} : memref<2000xi32, #tpu.memory_space<vmem>>, vector<16xi32>,
        %gather3A_1238 = tpu.vector_load_idx %arg5[%get3A_1237] : memref<100000xf32, #tpu.memory_space<vmem>>[vector<16xi32>], vector<16xf32>,
        %swap3A_1239 = arith.constant 1728 : index
        %swap3A_1240 = tpu.vector_load %arg9[%swap3A_1239] {strides = array<i32>} : memref<2000xf32, #tpu.memory_space<vmem>>, vector<16xf32>,
        tpu.vector_store %arg9[%swap3A_1239], %gather3A_1238 {strides = array<i32>} : memref<2000xf32, #tpu.memory_space<vmem>>, vector<16xf32>,
        %get3A_1241 = arith.constant 1744 : index
        %get3A_1242 = tpu.vector_load %arg7[%get3A_1241] {strides = array<i32>} : memref<2000xi32, #tpu.memory_space<vmem>>, vector<16xi32>,
        %gather3A_1243 = tpu.vector_load_idx %arg5[%get3A_1242] : memref<100000xf32, #tpu.memory_space<vmem>>[vector<16xi32>], vector<16xf32>,
        %swap3A_1244 = arith.constant 1744 : index
        %swap3A_1245 = tpu.vector_load %arg9[%swap3A_1244] {strides = array<i32>} : memref<2000xf32, #tpu.memory_space<vmem>>, vector<16xf32>,
        tpu.vector_store %arg9[%swap3A_1244], %gather3A_1243 {strides = array<i32>} : memref<2000xf32, #tpu.memory_space<vmem>>, vector<16xf32>,
        %get3A_1246 = arith.constant 1760 : index
        %get3A_1247 = tpu.vector_load %arg7[%get3A_1246] {strides = array<i32>} : memref<2000xi32, #tpu.memory_space<vmem>>, vector<16xi32>,
        %gather3A_1248 = tpu.vector_load_idx %arg5[%get3A_1247] : memref<100000xf32, #tpu.memory_space<vmem>>[vector<16xi32>], vector<16xf32>,
        %swap3A_1249 = arith.constant 1760 : index
        %swap3A_1250 = tpu.vector_load %arg9[%swap3A_1249] {strides = array<i32>} : memref<2000xf32, #tpu.memory_space<vmem>>, vector<16xf32>,
        tpu.vector_store %arg9[%swap3A_1249], %gather3A_1248 {strides = array<i32>} : memref<2000xf32, #tpu.memory_space<vmem>>, vector<16xf32>,
        %get3A_1251 = arith.constant 1776 : index
        %get3A_1252 = tpu.vector_load %arg7[%get3A_1251] {strides = array<i32>} : memref<2000xi32, #tpu.memory_space<vmem>>, vector<16xi32>,
        %gather3A_1253 = tpu.vector_load_idx %arg5[%get3A_1252] : memref<100000xf32, #tpu.memory_space<vmem>>[vector<16xi32>], vector<16xf32>,
        %swap3A_1254 = arith.constant 1776 : index
        %swap3A_1255 = tpu.vector_load %arg9[%swap3A_1254] {strides = array<i32>} : memref<2000xf32, #tpu.memory_space<vmem>>, vector<16xf32>,
        tpu.vector_store %arg9[%swap3A_1254], %gather3A_1253 {strides = array<i32>} : memref<2000xf32, #tpu.memory_space<vmem>>, vector<16xf32>,
        %get3A_1256 = arith.constant 1792 : index
        %get3A_1257 = tpu.vector_load %arg7[%get3A_1256] {strides = array<i32>} : memref<2000xi32, #tpu.memory_space<vmem>>, vector<16xi32>,
        %gather3A_1258 = tpu.vector_load_idx %arg5[%get3A_1257] : memref<100000xf32, #tpu.memory_space<vmem>>[vector<16xi32>], vector<16xf32>,
        %swap3A_1259 = arith.constant 1792 : index
        %swap3A_1260 = tpu.vector_load %arg9[%swap3A_1259] {strides = array<i32>} : memref<2000xf32, #tpu.memory_space<vmem>>, vector<16xf32>,
        tpu.vector_store %arg9[%swap3A_1259], %gather3A_1258 {strides = array<i32>} : memref<2000xf32, #tpu.memory_space<vmem>>, vector<16xf32>,
        %get3A_1261 = arith.constant 1808 : index
        %get3A_1262 = tpu.vector_load %arg7[%get3A_1261] {strides = array<i32>} : memref<2000xi32, #tpu.memory_space<vmem>>, vector<16xi32>,
        %gather3A_1263 = tpu.vector_load_idx %arg5[%get3A_1262] : memref<100000xf32, #tpu.memory_space<vmem>>[vector<16xi32>], vector<16xf32>,
        %swap3A_1264 = arith.constant 1808 : index
        %swap3A_1265 = tpu.vector_load %arg9[%swap3A_1264] {strides = array<i32>} : memref<2000xf32, #tpu.memory_space<vmem>>, vector<16xf32>,
        tpu.vector_store %arg9[%swap3A_1264], %gather3A_1263 {strides = array<i32>} : memref<2000xf32, #tpu.memory_space<vmem>>, vector<16xf32>,
        %get3A_1266 = arith.constant 1824 : index
        %get3A_1267 = tpu.vector_load %arg7[%get3A_1266] {strides = array<i32>} : memref<2000xi32, #tpu.memory_space<vmem>>, vector<16xi32>,
        %gather3A_1268 = tpu.vector_load_idx %arg5[%get3A_1267] : memref<100000xf32, #tpu.memory_space<vmem>>[vector<16xi32>], vector<16xf32>,
        %swap3A_1269 = arith.constant 1824 : index
        %swap3A_1270 = tpu.vector_load %arg9[%swap3A_1269] {strides = array<i32>} : memref<2000xf32, #tpu.memory_space<vmem>>, vector<16xf32>,
        tpu.vector_store %arg9[%swap3A_1269], %gather3A_1268 {strides = array<i32>} : memref<2000xf32, #tpu.memory_space<vmem>>, vector<16xf32>,
        %get3A_1271 = arith.constant 1840 : index
        %get3A_1272 = tpu.vector_load %arg7[%get3A_1271] {strides = array<i32>} : memref<2000xi32, #tpu.memory_space<vmem>>, vector<16xi32>,
        %gather3A_1273 = tpu.vector_load_idx %arg5[%get3A_1272] : memref<100000xf32, #tpu.memory_space<vmem>>[vector<16xi32>], vector<16xf32>,
        %swap3A_1274 = arith.constant 1840 : index
        %swap3A_1275 = tpu.vector_load %arg9[%swap3A_1274] {strides = array<i32>} : memref<2000xf32, #tpu.memory_space<vmem>>, vector<16xf32>,
        tpu.vector_store %arg9[%swap3A_1274], %gather3A_1273 {strides = array<i32>} : memref<2000xf32, #tpu.memory_space<vmem>>, vector<16xf32>,
        %get3A_1276 = arith.constant 1856 : index
        %get3A_1277 = tpu.vector_load %arg7[%get3A_1276] {strides = array<i32>} : memref<2000xi32, #tpu.memory_space<vmem>>, vector<16xi32>,
        %gather3A_1278 = tpu.vector_load_idx %arg5[%get3A_1277] : memref<100000xf32, #tpu.memory_space<vmem>>[vector<16xi32>], vector<16xf32>,
        %swap3A_1279 = arith.constant 1856 : index
        %swap3A_1280 = tpu.vector_load %arg9[%swap3A_1279] {strides = array<i32>} : memref<2000xf32, #tpu.memory_space<vmem>>, vector<16xf32>,
        tpu.vector_store %arg9[%swap3A_1279], %gather3A_1278 {strides = array<i32>} : memref<2000xf32, #tpu.memory_space<vmem>>, vector<16xf32>,
        %get3A_1281 = arith.constant 1872 : index
        %get3A_1282 = tpu.vector_load %arg7[%get3A_1281] {strides = array<i32>} : memref<2000xi32, #tpu.memory_space<vmem>>, vector<16xi32>,
        %gather3A_1283 = tpu.vector_load_idx %arg5[%get3A_1282] : memref<100000xf32, #tpu.memory_space<vmem>>[vector<16xi32>], vector<16xf32>,
        %swap3A_1284 = arith.constant 1872 : index
        %swap3A_1285 = tpu.vector_load %arg9[%swap3A_1284] {strides = array<i32>} : memref<2000xf32, #tpu.memory_space<vmem>>, vector<16xf32>,
        tpu.vector_store %arg9[%swap3A_1284], %gather3A_1283 {strides = array<i32>} : memref<2000xf32, #tpu.memory_space<vmem>>, vector<16xf32>,
        %get3A_1286 = arith.constant 1888 : index
        %get3A_1287 = tpu.vector_load %arg7[%get3A_1286] {strides = array<i32>} : memref<2000xi32, #tpu.memory_space<vmem>>, vector<16xi32>,
        %gather3A_1288 = tpu.vector_load_idx %arg5[%get3A_1287] : memref<100000xf32, #tpu.memory_space<vmem>>[vector<16xi32>], vector<16xf32>,
        %swap3A_1289 = arith.constant 1888 : index
        %swap3A_1290 = tpu.vector_load %arg9[%swap3A_1289] {strides = array<i32>} : memref<2000xf32, #tpu.memory_space<vmem>>, vector<16xf32>,
        tpu.vector_store %arg9[%swap3A_1289], %gather3A_1288 {strides = array<i32>} : memref<2000xf32, #tpu.memory_space<vmem>>, vector<16xf32>,
        %get3A_1291 = arith.constant 1904 : index
        %get3A_1292 = tpu.vector_load %arg7[%get3A_1291] {strides = array<i32>} : memref<2000xi32, #tpu.memory_space<vmem>>, vector<16xi32>,
        %gather3A_1293 = tpu.vector_load_idx %arg5[%get3A_1292] : memref<100000xf32, #tpu.memory_space<vmem>>[vector<16xi32>], vector<16xf32>,
        %swap3A_1294 = arith.constant 1904 : index
        %swap3A_1295 = tpu.vector_load %arg9[%swap3A_1294] {strides = array<i32>} : memref<2000xf32, #tpu.memory_space<vmem>>, vector<16xf32>,
        tpu.vector_store %arg9[%swap3A_1294], %gather3A_1293 {strides = array<i32>} : memref<2000xf32, #tpu.memory_space<vmem>>, vector<16xf32>,
        %get3A_1296 = arith.constant 1920 : index
        %get3A_1297 = tpu.vector_load %arg7[%get3A_1296] {strides = array<i32>} : memref<2000xi32, #tpu.memory_space<vmem>>, vector<16xi32>,
        %gather3A_1298 = tpu.vector_load_idx %arg5[%get3A_1297] : memref<100000xf32, #tpu.memory_space<vmem>>[vector<16xi32>], vector<16xf32>,
        %swap3A_1299 = arith.constant 1920 : index
        %swap3A_1300 = tpu.vector_load %arg9[%swap3A_1299] {strides = array<i32>} : memref<2000xf32, #tpu.memory_space<vmem>>, vector<16xf32>,
        tpu.vector_store %arg9[%swap3A_1299], %gather3A_1298 {strides = array<i32>} : memref<2000xf32, #tpu.memory_space<vmem>>, vector<16xf32>,
        %get3A_1301 = arith.constant 1936 : index
        %get3A_1302 = tpu.vector_load %arg7[%get3A_1301] {strides = array<i32>} : memref<2000xi32, #tpu.memory_space<vmem>>, vector<16xi32>,
        %gather3A_1303 = tpu.vector_load_idx %arg5[%get3A_1302] : memref<100000xf32, #tpu.memory_space<vmem>>[vector<16xi32>], vector<16xf32>,
        %swap3A_1304 = arith.constant 1936 : index
        %swap3A_1305 = tpu.vector_load %arg9[%swap3A_1304] {strides = array<i32>} : memref<2000xf32, #tpu.memory_space<vmem>>, vector<16xf32>,
        tpu.vector_store %arg9[%swap3A_1304], %gather3A_1303 {strides = array<i32>} : memref<2000xf32, #tpu.memory_space<vmem>>, vector<16xf32>,
        %get3A_1306 = arith.constant 1952 : index
        %get3A_1307 = tpu.vector_load %arg7[%get3A_1306] {strides = array<i32>} : memref<2000xi32, #tpu.memory_space<vmem>>, vector<16xi32>,
        %gather3A_1308 = tpu.vector_load_idx %arg5[%get3A_1307] : memref<100000xf32, #tpu.memory_space<vmem>>[vector<16xi32>], vector<16xf32>,
        %swap3A_1309 = arith.constant 1952 : index
        %swap3A_1310 = tpu.vector_load %arg9[%swap3A_1309] {strides = array<i32>} : memref<2000xf32, #tpu.memory_space<vmem>>, vector<16xf32>,
        tpu.vector_store %arg9[%swap3A_1309], %gather3A_1308 {strides = array<i32>} : memref<2000xf32, #tpu.memory_space<vmem>>, vector<16xf32>,
        %get3A_1311 = arith.constant 1968 : index
        %get3A_1312 = tpu.vector_load %arg7[%get3A_1311] {strides = array<i32>} : memref<2000xi32, #tpu.memory_space<vmem>>, vector<16xi32>,
        %gather3A_1313 = tpu.vector_load_idx %arg5[%get3A_1312] : memref<100000xf32, #tpu.memory_space<vmem>>[vector<16xi32>], vector<16xf32>,
        %swap3A_1314 = arith.constant 1968 : index
        %swap3A_1315 = tpu.vector_load %arg9[%swap3A_1314] {strides = array<i32>} : memref<2000xf32, #tpu.memory_space<vmem>>, vector<16xf32>,
        tpu.vector_store %arg9[%swap3A_1314], %gather3A_1313 {strides = array<i32>} : memref<2000xf32, #tpu.memory_space<vmem>>, vector<16xf32>,
        %get3A_1316 = arith.constant 1984 : index
        %get3A_1317 = tpu.vector_load %arg7[%get3A_1316] {strides = array<i32>} : memref<2000xi32, #tpu.memory_space<vmem>>, vector<16xi32>,
        %gather3A_1318 = tpu.vector_load_idx %arg5[%get3A_1317] : memref<100000xf32, #tpu.memory_space<vmem>>[vector<16xi32>], vector<16xf32>,
        %swap3A_1319 = arith.constant 1984 : index
        %swap3A_1320 = tpu.vector_load %arg9[%swap3A_1319] {strides = array<i32>} : memref<2000xf32, #tpu.memory_space<vmem>>, vector<16xf32>,
        tpu.vector_store %arg9[%swap3A_1319], %gather3A_1318 {strides = array<i32>} : memref<2000xf32, #tpu.memory_space<vmem>>, vector<16xf32>,
        %mul3A_1321 = arith.constant 2000 : i32
        %mul3A_1322 = arith.muli %add3A_679, %mul3A_1321 : i32
        %add3A_1323 = arith.addi %mul3A_13, %mul3A_1322 : i32
        %dma_start3A_1324 = tpu.memref_slice %arg4[%add3A_1323] : memref<12800000xf32, #tpu.memory_space<hbm>> -> memref<2000xf32, #tpu.memory_space<hbm>>
        %dma_start3A_1325 = tpu.memref_slice %arg4[%add3A_1323] : memref<12800000xf32, #tpu.memory_space<hbm>> -> memref<2000xf32, #tpu.memory_space<hbm>>
        tpu.enqueue_dma source(%arg9 : memref<2000xf32, #tpu.memory_space<vmem>>) target(%dma_start3A_1325 : memref<2000xf32, #tpu.memory_space<hbm>>) target_semaphore(%arg14 : memref<!tpu.dma_semaphore, #tpu.memory_space<semaphore_mem>>)
      }
      %scan3A_22 = arith.constant 25 : i32
      %dma_wait3A = arith.constant 0 : i32
      %dma_wait3A_23 = tpu.memref_slice %arg4[%dma_wait3A] : memref<12800000xf32, #tpu.memory_space<hbm>> -> memref<2000xf32, #tpu.memory_space<hbm>>
      %dma_wait3A_24 = arith.constant 0 : i32
      %dma_wait3A_25 = tpu.memref_slice %arg4[%dma_wait3A_24] : memref<12800000xf32, #tpu.memory_space<hbm>> -> memref<2000xf32, #tpu.memory_space<hbm>>
      tpu.wait_dma2 semaphore(%arg13 : memref<!tpu.dma_semaphore, #tpu.memory_space<semaphore_mem>>) src(%arg8 : memref<2000xf32, #tpu.memory_space<vmem>>) dst(%dma_wait3A_25 : memref<2000xf32, #tpu.memory_space<hbm>>)
      %dma_wait3A_26 = arith.constant 0 : i32
      %dma_wait3A_27 = tpu.memref_slice %arg4[%dma_wait3A_26] : memref<12800000xf32, #tpu.memory_space<hbm>> -> memref<2000xf32, #tpu.memory_space<hbm>>
      %dma_wait3A_28 = arith.constant 0 : i32
      %dma_wait3A_29 = tpu.memref_slice %arg4[%dma_wait3A_28] : memref<12800000xf32, #tpu.memory_space<hbm>> -> memref<2000xf32, #tpu.memory_space<hbm>>
      tpu.wait_dma2 semaphore(%arg14 : memref<!tpu.dma_semaphore, #tpu.memory_space<semaphore_mem>>) src(%arg9 : memref<2000xf32, #tpu.memory_space<vmem>>) dst(%dma_wait3A_29 : memref<2000xf32, #tpu.memory_space<hbm>>)
    }
    %scan3A_7 = arith.constant 4 : i32
    return
  }
}

</mosaic_0001>

<sc_bundles>
// kernel: _run.3.cloned.1.call-start
scs
__scs_entry_jumppad:
0x0: {  	(pc) =	sbr.rel $0x88, $3  }
0x1: {  	(tag) =	ssettag $0x0;
	lr =	simm.s32 $0x1  }
0x2: {  	[smem:$0x3FA0] =	sst lr;
	_ =	strace $0xD0000000  }
0x3: {  	_ = 	snop  }
0x4: {  	_ = 	snop  }
0x5: {  	_ = 	snop  }
0x6: {  	_ = 	snop  }
0x7: {  	_ = 	snop  }
__scs_overlays_trampoline_lowered:
0x8: {  	[smem:$0x3FAF] =	sst s0  }
0x9: {  	[smem:$0x3FB0] =	sst s1  }
0xa: {  	[smem:$0x3FB1] =	sst s2  }
0xb: {  	[smem:$0x3FB2] =	sst s3  }
0xc: {  	[smem:$0x3FB3] =	sst s4  }
0xd: {  	[smem:$0x3FB4] =	sst s5  }
0xe: {  	[smem:$0x3FB5] =	sst s6  }
0xf: {  	[smem:$0x3FB6] =	sst s7  }
0x10: {  	[smem:$0x3FB7] =	sst s8  }
0x11: {  	[smem:$0x3FB8] =	sst s9;
	s0 =	simm.s32 @!p0 $0x0  }
0x12: {  	s1 =	sld [smem:$0x3F9E];
	s0 =	simm.s32 @p0 $0x1  }
0x13: {  	[smem:$0x3FB9] =	sst s0;
	s0 =	simm.s32 @!p1 $0x0  }
0x14: {  	s2 =	sld [smem:$0x3F9D];
	s0 =	simm.s32 @p1 $0x1  }
0x15: {  	[smem:$0x3FBA] =	sst s0;
	s0 =	simm.s32 @!p2 $0x0  }
0x16: {  	s3 =	sld [smem:$0x3FDB];
	s0 =	simm.s32 @p2 $0x1  }
0x17: {  	s4 =	simm.s32 $0x1BF5;
	[smem:$0x3FBC] =	sst s0  }
0x18: {  	s0 =	sld [smem:$0x3F9F];
	_ =	swait.ge [sflag:s4], $0x0  }
0x19: {  	s7 =	sld [smem:$0x3FA0]  }
0x1a: {  	s8 =	sadd.s32 $0xFFFFE003, lr  }
0x1b: {  	s9 =	sadd.s32 $0xFFFFFEF7, lr;
	s5 =	simm.s32 $0xFFFFFFFF;
	p2 =	slt.u32 s8, $0xFFFFF086  }
0x1c: {  	p1 =	slt.u32 s9, $0xF7A;
	s5 =	simm.s32 @!p2 $0x0  }
0x1d: {  	s5 =	simm.s32 @p1 $0x1;
	p0 =	seq.s32 s7, s2  }
0x1e: {  	s7 =	smul.u32 @!p0 $0xF7A, s2;
	p2 =	seq.s32 @!p0 s5, $0x0  }
0x1f: {  	s9 =	smul.u32 $0xF7A, s1;
	s8 =	simm.s32 @!p0 $0x1BF5;
	p2 =	por !p2, p0  }
0x20: {  	[sflag:s8] =	ssyncset.s32 @!p0 $0xFFFFF086;
	s6 =	sadd.s32 @!p0 s3, s7;
	s7 =	simm.s32 @!p0 $0x108  }
0x21: {  	s3 =	sadd.s32 s3, s9;
	s6 =	sadd.s32 @!p0 $0x88, s6;
	s7 =	simm.s32 @p2 $0x1082  }
0x22: {  	[simem:s7], [sflag:s8] =	dma.local @!p0 [hbm:s6], $0xF7A  }
0x23: {  	s9 =	sor.u32 $0xD0000000, s2;
	s6 =	simm.s32 $0x108;
	_ =	swait.ge @!p0 [sflag:s8], $0x0  }
0x24: {  	s3 =	sadd.s32 $0x88, s3;
	s6 =	simm.s32 @!p1 $0x1082;
	[sflag:s4] =	ssyncset.s32 $0xFFFFF086  }
0x25: {  	[simem:s6], [sflag:s4] =	dma.local [hbm:s3], $0xF7A  }
0x26: {  	[smem:$0x3FA0] =	sst s1;
	(tag) =	ssettag s2;
	_ =	strace s9  }
0x27: {  	s1 =	sld [smem:$0x3FB0]  }
0x28: {  	s2 =	sld [smem:$0x3FB1]  }
0x29: {  	s4 =	sld [smem:$0x3FB3]  }
0x2a: {  	p0 =	seq.s32 s5, $0x0;
	s5 =	sld [smem:$0x3FB4]  }
0x2b: {  	s6 =	sld [smem:$0x3FB5]  }
0x2c: {  	s7 =	sld [smem:$0x3FB6]  }
0x2d: {  	s3 =	simm.s32 $0x108;
	s8 =	sld [smem:$0x3FB7]  }
0x2e: {  	s3 =	simm.s32 @!p0 $0x1082;
	s9 =	sld [smem:$0x3FB8]  }
0x2f: {  	lr =	sadd.s32 s0, s3;
	s0 =	sld [smem:$0x3FAF]  }
0x30: {  	s3 =	sld [smem:$0x3FB2]  }
0x31: {  	[smem:$0x3FBB] =	sst s10  }
0x32: {  	s10 =	sld [smem:$0x3FB9];
	_ =	sdelay $0x3  }
0x33: {  	p0 =	seq.s32 s10, $0x1;
	s10 =	sld [smem:$0x3FBB];
	_ =	sdelay $0x3  }
0x34: {  	[smem:$0x3FBB] =	sst s10  }
0x35: {  	s10 =	sld [smem:$0x3FBA];
	_ =	sdelay $0x3  }
0x36: {  	p1 =	seq.s32 s10, $0x1;
	s10 =	sld [smem:$0x3FBB];
	_ =	sdelay $0x3  }
0x37: {  	[smem:$0x3FBB] =	sst s10  }
0x38: {  	s10 =	sld [smem:$0x3FBC]  }
0x39: {  	_ = 	snop;
	(pc) =	sbr.ind lr, $3  }
0x3a: {  	_ = 	snop  }
0x3b: {  	_ = 	snop  }
0x3c: {  	p2 =	seq.s32 s10, $0x1;
	s10 =	sld [smem:$0x3FBB]  }
0x3d: {  	_ =	shalt  }
0x3e: {  	_ =	shalt  }
0x3f: {  	_ =	shalt  }
0x40: {  	_ =	shalt  }
0x41: {  	_ =	shalt  }
0x42: {  	_ =	shalt  }
0x43: {  	_ =	shalt  }
0x44: {  	_ =	shalt  }
0x45: {  	_ =	shalt  }
0x46: {  	_ =	shalt  }
0x47: {  	_ =	shalt  }
0x48: {  	_ =	shalt  }
0x49: {  	_ =	shalt  }
0x4a: {  	_ =	shalt  }
0x4b: {  	_ =	shalt  }
0x4c: {  	_ =	shalt  }
0x4d: {  	_ =	shalt  }
0x4e: {  	_ =	shalt  }
0x4f: {  	_ =	shalt  }
0x50: {  	_ =	shalt  }
0x51: {  	_ =	shalt  }
0x52: {  	_ =	shalt  }
0x53: {  	_ =	shalt  }
0x54: {  	_ =	shalt  }
0x55: {  	_ =	shalt  }
0x56: {  	_ =	shalt  }
0x57: {  	_ =	shalt  }
0x58: {  	_ =	shalt  }
0x59: {  	_ =	shalt  }
0x5a: {  	_ =	shalt  }
0x5b: {  	_ =	shalt  }
0x5c: {  	_ =	shalt  }
0x5d: {  	_ =	shalt  }
0x5e: {  	_ =	shalt  }
0x5f: {  	_ =	shalt  }
0x60: {  	_ =	shalt  }
0x61: {  	_ =	shalt  }
0x62: {  	_ =	shalt  }
0x63: {  	_ =	shalt  }
0x64: {  	_ =	shalt  }
0x65: {  	_ =	shalt  }
0x66: {  	_ =	shalt  }
0x67: {  	_ =	shalt  }
0x68: {  	_ =	shalt  }
0x69: {  	_ =	shalt  }
0x6a: {  	_ =	shalt  }
0x6b: {  	_ =	shalt  }
0x6c: {  	_ =	shalt  }
0x6d: {  	_ =	shalt  }
0x6e: {  	_ =	shalt  }
0x6f: {  	_ =	shalt  }
0x70: {  	_ =	shalt  }
0x71: {  	_ =	shalt  }
0x72: {  	_ =	shalt  }
0x73: {  	_ =	shalt  }
0x74: {  	_ =	shalt  }
0x75: {  	_ =	shalt  }
0x76: {  	_ =	shalt  }
0x77: {  	_ =	shalt  }
0x78: {  	_ =	shalt  }
0x79: {  	_ =	shalt  }
0x7a: {  	_ =	shalt  }
0x7b: {  	_ =	shalt  }
0x7c: {  	_ =	shalt  }
0x7d: {  	_ =	shalt  }
0x7e: {  	_ =	shalt  }
0x7f: {  	_ =	shalt  }
0x80: {  	_ =	shalt  }
0x81: {  	_ =	shalt  }
0x82: {  	_ =	shalt  }
0x83: {  	_ =	shalt  }
0x84: {  	_ =	shalt  }
0x85: {  	_ =	shalt  }
0x86: {  	_ =	shalt  }
0x87: {  	_ =	shalt  }
.Lfunc_end0:
.L_simem_size_0:
called_computation.1_lowered:
.L_overlay_start_0:
0x88: {  	s2 =	sld [smem:$0x3FD9]  }
0x89: {  	s3 =	sld [smem:$0x3FFE];
	_ =	sdelay $0x1  }
0x8a: {  	s1 =	srdreg.scid  }
0x8b: {  	s0 =	sand.u32 $0x1, s1  }
0x8c: {  	s17 =	sshll.u32 s0, $0xA;
	s2 =	sadd.s32 s3, s2  }
0x8d: {  	s2 =	sadd.s32 s2, s17  }
0x8e: {  	[smem:$0x3FC7] =	sst s2  }
0x8f: {  	_ = 	snop  }
0x90: {  	s2 =	sld [smem:$0x3FD0];
	(tm) =	ssettm $0x1  }
0x91: {  	s18 =	sld [smem:$0x3FFB];
	_ =	sdelay $0x3  }
0x92: {  	_ =	strace s18  }
0x93: {  	s3 =	sld [smem:$0x3FFC];
	_ =	sdelay $0x3  }
0x94: {  	_ =	strace s3  }
0x95: {  	s3 =	sld [smem:$0x3FFD];
	_ =	sdelay $0x3  }
0x96: {  	_ =	strace s3  }
0x97: {  	_ =	strace $0x8FFFFFFF  }
0x98: {  	s19 =	sld [smem:$0x3FDB];
	_ =	sdelay $0x1  }
0x99: {  	s4 =	simm.s32 $_scs_section_size  }
0x9a: {  	s5 =	simm.s32 $_size__tile_overlayer_lowered;
	s6 =	simm.s32 $_tile_overlayer_lowered  }
0x9b: {  	s22 =	simm.s32 $0x1BFF;
	s21 =	sshll.u32 s6, $0x1;
	s3 =	sadd.s32 s4, s19  }
0x9c: {  	s7 =	simm.s32 $0x0;
	s20 =	sshll.u32 s5, $0x1;
	s5 =	sadd.s32 s21, s3  }
0x9d: {  	[timem:s7], [sflag:s22] =	dma.local [hbm:s5], s20  }
0x9e: {  	_ =	swait.ge [sflag:s22], s20  }
0x9f: {  	s4 =	ssub.s32 $0x0, s20;
	[sflag:s22] =	ssyncset.done $0x0  }
0xa0: {  	[sflag:s22] =	ssyncadd.s32 s4;
	_ =	sdelay $0x1  }
0xa1: {  	s23 =	simm.s32 $0x1B8B  }
0xa2: {  	_ =	swait.ge [sflag:s23], $0x1  }
0xa3: {  	[sflag:s23] =	ssyncset.done $0x0  }
0xa4: {  	s25 =	simm.s32 $0x1B8E;
	s24 =	sld [smem:$0x3FFE];
	[sflag:s23] =	ssyncadd.s32 $0xFFFFFFFF  }
0xa5: {  	s26 =	simm.s32 $execute0_lowered;
	[smem:$0x3FD2] =	sst s25  }
0xa6: {  	s5 =	sshll.u32 s26, $0x1;
	_ =	strace $0x80000046;
	[dreg:$0x1] =	wrdreg $0xFFFFFFFF  }
0xa7: {  	s28 =	simm.s32 $_size_execute0_lowered;
	s3 =	sadd.s32 s3, s5;
	[dreg:$0x0] =	wrdreg $0x0  }
0xa8: {  	s5 =	sshll.u32 s28, $0x1;
	[dreg:$0x2] =	wrdreg s3  }
0xa9: {  	[dreg:$0x3] =	wrdreg s5  }
0xaa: {  	[dreg:$0x4] =	wrdreg $0xC0  }
0xab: {  	_ =	task [dreg:s7], $0x5FFFF  }
0xac: {  	[dreg:$0x1] =	wrdreg $0xFFFFFFFF  }
0xad: {  	[dreg:$0x0] =	wrdreg $0x60  }
0xae: {  	[dreg:$0x2] =	wrdreg s2  }
0xaf: {  	[dreg:$0x3] =	wrdreg s24  }
0xb0: {  	[dreg:$0x4] =	wrdreg $0x1A7000  }
0xb1: {  	[dreg:$0x5] =	wrdreg $0x9  }
0xb2: {  	_ =	task.clear_ibuf [dreg:s7], $0x6FFFF;
	_ =	strace $0x90000046  }
0xb3: {  	s29 =	simm.s32 $0x9;
	_ =	strace $0x80000048  }
0xb4: {  	_ =	swait.ge [sflag:s29], $0x1  }
0xb5: {  	[sflag:s29] =	ssyncadd.s32 $0xFFFFFFFF  }
0xb6: {  	_ =	strace $0x90000048  }
0xb7: {  	_ =	sfence  }
0xb8: {  	s30 =	sld [smem:$0x0];
	_ =	sdelay $0x2  }
0xb9: {  	s31 =	sshll.u32 s1, $0xD;
	s1 =	sshrl.u32 s1, $0x2  }
0xba: {  	s3 =	sand.u32 $0x4000, s31;
	s1 =	sadd.s32 s1, s30  }
0xbb: {  	s0 =	sor.u32 s3, s0;
	s1 =	sshll.u32 s1, $0x11  }
0xbc: {  	s0 =	sor.u32 s1, s0  }
0xbd: {  	s0 =	sadd.s32 $0x8F2B, s0  }
0xbe: {  	[sflag:s0] =	ssyncadd.remote.s32 $0x1  }
0xbf: {  	_ =	sfence.sel $0xFFFF  }
0xc0: {  	[dreg:$0x0] =	wrdreg $0xFFFFFFFF;
	(pc) =	sbr.abs _section_cstart, $3  }
0xc1: {  	[dreg:$0x1] =	wrdreg $0xFFFFFFFF  }
0xc2: {  	_ =	task.clear_ibuf [dreg:s7], $0x2FFFF;
	_ =	strace $0x9FFFFFFF  }
0xc3: {  	(tm) =	ssettm $0x7FFFFFFF  }
tec
execute0_lowered:
.L_overlay_start_1:
0x0: {  	(tag) =	ssettag $0x1  }
0x1: {  	s1 =	rddreg [dreg:$0x0]  }
0x2: {  	s5 =	rddreg [dreg:$0x1]  }
0x3: {  	s2 =	rddreg [dreg:$0x2]  }
0x4: {  	s0 =	rddreg [dreg:$0x3]  }
0x5: {  	s3 =	simm.s32 $0x0;
	s6 =	srdreg.scid;
	s8 =	stileid.u32  }
0x6: {  	s13 =	simm.s32 $0x1;
	s14 =	simm.s32 $0x19700;
	s15 =	simm.s32 $0x2  }
0x7: {  	s16 =	simm.s32 $0x4;
	s17 =	simm.s32 $0x19F00;
	s18 =	simm.s32 $0x3  }
0x8: {  	s19 =	simm.s32 $0x0;
	[smem:$0x7FF] =	sst s3;
	s4 =	sadd.s32 $0xA00, s5  }
0x9: {  	s6 =	sand.u32 $0x1, s6;
	s7 =	smul.u32 $0xC3500, s8;
	s9 =	sadd.s32 $0x3C00, s5  }
0xa: {  	s12 =	sshll.u32 s8, $0x3;
	p0 =	sne.s32 s8, $0x0;
	_ =	strace $0x80000047  }
0xb: {  	s29 =	ssub.s32 $0x2, s6;
	s10 =	smul.u32 $0x61A80, s6;
	s6 =	sshll.u32 s6, $0x2  }
.Ltmp0:
0xc: {  	s11 =	sshrl.u32 s29, $0x1;
	s5 =	sor.u32 s6, s12;
	(pc) =	sbr.rel .LBB2_1-.Ltmp0, $4  }
0xd: {  	s12 =	simm.s32 $0x18F00;
	s11 =	ssub.s32 s29, s11;
	s7 =	sadd.s32 s10, s7  }
0xe: {  	s6 =	smax.u32 s11, $0x1;
	s10 =	sshrl.u32 s7, $0x3;
	s30 =	sadd.s32 $0x7D0, s7  }
0xf: {  	s11 =	simm.s32 $0x5;
	s7 =	sadd.s32 s10, s9;
	s31 =	sshrl.u32 s30, $0x3  }
0x10: {  	s10 =	simm.s32 $0x18700;
	s8 =	sadd.s32 s31, s9;
	s9 =	sshrl.u32 @!p0 s2, $0x3  }
.LBB2_9:
0x11: {  	s19 =	sadd.s32 $0x1, s19  }
0x12: {  	p1 =	sne.s32 s19, s6  }
.Ltmp1:
0x13: {  	_ = 	snop;
	(pc) =	sbr.rel @!p1 .LBB2_10-.Ltmp1, $1  }
0x14: {  	_ =	sdelay $0x3  }
.LBB2_1:
0x15: {  	s20 =	simm.s32 @!p0 $0x1C05  }
0x16: {  	[spmem:s9], [sflag:s20] =	dma.local @!p0 [hbm:s4], $0x30E0  }
0x17: {  	s20 =	simm.s32 @!p0 $0x5  }
.Ltmp2:
0x18: {  	_ =	swait.ge @!p0 [sflag:s20], $0x30E0;
	(pc) =	sbr.rel .LBB2_2-.Ltmp2, $4  }
0x19: {  	[sflag:s20] =	ssyncset.done @!p0 $0x0  }
0x1a: {  	[sflag:s20] =	ssyncadd.s32 @!p0 $0xFFFFCF20  }
0x1b: {  	[bflag:$0x0] =	sbarrier.arrive $0xFFFF  }
0x1c: {  	s21 =	smov.u32 s7;
	s22 =	simm.s32 $0x0;
	s20 =	smov.u32 s8  }
.LBB2_8:
0x1d: {  	s22 =	sadd.s32 $0x1, s22  }
0x1e: {  	_ =	swait.ge [sflag:s18], $0x7D0;
	p1 =	sne.s32 s22, $0x4  }
.Ltmp3:
0x1f: {  	[sflag:s18] =	ssyncset.done $0x0;
	(pc) =	sbr.rel @!p1 .LBB2_9-.Ltmp3, $4  }
0x20: {  	[sflag:s18] =	ssyncadd.s32 $0xFFFFF830  }
0x21: {  	_ =	swait.ge [sflag:s16], $0x7D0  }
0x22: {  	[sflag:s16] =	ssyncset.done $0x0  }
0x23: {  	s21 =	sadd.s32 $0x30D4, s21;
	s20 =	sadd.s32 $0x30D4, s20;
	[sflag:s16] =	ssyncadd.s32 $0xFFFFF830  }
.LBB2_2:
0x24: {  	s23 =	sadd.s32 s5, s22  }
0x25: {  	s23 =	smul.u32 $0x186A0, s23  }
0x26: {  	[tilespmem:s10], [sflag:$0x1] =	stream.linear.gather [spmem:s2], $0x7D0, $0x38;
	[tilespmem:$0x1BF70] =	vst v63  }
0x27: {  	s23 =	sshrl.u32 s23, $0x3  }
.Ltmp4:
0x28: {  	s24 =	sadd.s32 s1, s23;
	s23 =	simm.s32 $0x0;
	(pc) =	sbr.rel .LBB2_3-.Ltmp4, $4  }
0x29: {  	[tilespmem:s23], [sflag:$0x5] =	stream.linear.gather [hbm4b:s24+s23], $0x186A0, $0x38;
	[tilespmem:$0x1BF70] =	vst v63  }
0x2a: {  	_ =	swait.ge [sflag:s11], $0x186A0  }
0x2b: {  	[sflag:s11] =	ssyncset.done $0x0  }
0x2c: {  	s25 =	smov.u32 s21;
	s24 =	smov.u32 s20;
	[sflag:s11] =	ssyncadd.s32 $0xFFFE7960  }
.LBB2_4:
0x2d: {  	_ =	swait.ge [sflag:s15], $0x7D0  }
0x2e: {  	[sflag:s15] =	ssyncset.done $0x0  }
0x2f: {  	[sflag:s15] =	ssyncadd.s32 $0xFFFFF830  }
.LBB2_6:
0x30: {  	_ =	swait.ge [sflag:s16], $0x7D0  }
0x31: {  	[sflag:s16] =	ssyncset.done $0x0  }
0x32: {  	[sflag:s16] =	ssyncadd.s32 $0xFFFFF830  }
.LBB2_7:
0x33: {  	v0 =	vld [tilespmem:$0x18F00];
	_ =	sdelay $0x5  }
0x34: {  	v1 =	vld [tilespmem:$0x18F10];
	_ =	sdelay $0x1  }
0x35: {  	v0 =	vld.idx.msk [tilespmem:v0+s3+$0x0], $0xffff;
	_ =	sdelay $0x3  }
0x36: {  	v2 =	vld [tilespmem:$0x18F20]  }
0x37: {  	[tilespmem:$0x19F00] =	vst v0  }
0x38: {  	v0 =	vld.idx.msk [tilespmem:v1+s3+$0x0], $0xffff;
	_ =	sdelay $0x3  }
0x39: {  	v62 =	vld [tilespmem:$0x18F30]  }
0x3a: {  	[tilespmem:$0x19F10] =	vst v0  }
0x3b: {  	v0 =	vld.idx.msk [tilespmem:v2+s3+$0x0], $0xffff;
	_ =	sdelay $0x3  }
0x3c: {  	v63 =	vld [tilespmem:$0x18F40]  }
0x3d: {  	[tilespmem:$0x19F20] =	vst v0  }
0x3e: {  	v0 =	vld.idx.msk [tilespmem:v62+s3+$0x0], $0xffff;
	_ =	sdelay $0x3  }
0x3f: {  	v4 =	vld [tilespmem:$0x18F50]  }
0x40: {  	[tilespmem:$0x19F30] =	vst v0  }
0x41: {  	v0 =	vld.idx.msk [tilespmem:v63+s3+$0x0], $0xffff;
	_ =	sdelay $0x3  }
0x42: {  	v5 =	vld [tilespmem:$0x18F60]  }
0x43: {  	[tilespmem:$0x19F40] =	vst v0  }
0x44: {  	v0 =	vld.idx.msk [tilespmem:v4+s3+$0x0], $0xffff;
	_ =	sdelay $0x3  }
0x45: {  	v6 =	vld [tilespmem:$0x18F70]  }
0x46: {  	[tilespmem:$0x19F50] =	vst v0  }
0x47: {  	v0 =	vld.idx.msk [tilespmem:v5+s3+$0x0], $0xffff;
	_ =	sdelay $0x3  }
0x48: {  	v7 =	vld [tilespmem:$0x18F80]  }
0x49: {  	[tilespmem:$0x19F60] =	vst v0  }
0x4a: {  	v0 =	vld.idx.msk [tilespmem:v6+s3+$0x0], $0xffff;
	_ =	sdelay $0x3  }
0x4b: {  	v8 =	vld [tilespmem:$0x18F90]  }
0x4c: {  	[tilespmem:$0x19F70] =	vst v0  }
0x4d: {  	v0 =	vld.idx.msk [tilespmem:v7+s3+$0x0], $0xffff;
	_ =	sdelay $0x3  }
0x4e: {  	v9 =	vld [tilespmem:$0x18FA0]  }
0x4f: {  	[tilespmem:$0x19F80] =	vst v0  }
0x50: {  	v0 =	vld.idx.msk [tilespmem:v8+s3+$0x0], $0xffff;
	_ =	sdelay $0x3  }
0x51: {  	v10 =	vld [tilespmem:$0x18FB0]  }
0x52: {  	[tilespmem:$0x19F90] =	vst v0  }
0x53: {  	v0 =	vld.idx.msk [tilespmem:v9+s3+$0x0], $0xffff;
	_ =	sdelay $0x3  }
0x54: {  	v11 =	vld [tilespmem:$0x18FC0]  }
0x55: {  	[tilespmem:$0x19FA0] =	vst v0  }
0x56: {  	v0 =	vld.idx.msk [tilespmem:v10+s3+$0x0], $0xffff;
	_ =	sdelay $0x3  }
0x57: {  	v12 =	vld [tilespmem:$0x18FD0]  }
0x58: {  	[tilespmem:$0x19FB0] =	vst v0  }
0x59: {  	v0 =	vld.idx.msk [tilespmem:v11+s3+$0x0], $0xffff;
	_ =	sdelay $0x3  }
0x5a: {  	v13 =	vld [tilespmem:$0x18FE0]  }
0x5b: {  	[tilespmem:$0x19FC0] =	vst v0  }
0x5c: {  	v0 =	vld.idx.msk [tilespmem:v12+s3+$0x0], $0xffff;
	_ =	sdelay $0x3  }
0x5d: {  	v14 =	vld [tilespmem:$0x18FF0]  }
0x5e: {  	[tilespmem:$0x19FD0] =	vst v0  }
0x5f: {  	v0 =	vld.idx.msk [tilespmem:v13+s3+$0x0], $0xffff;
	_ =	sdelay $0x3  }
0x60: {  	v15 =	vld [tilespmem:$0x19000]  }
0x61: {  	[tilespmem:$0x19FE0] =	vst v0  }
0x62: {  	v0 =	vld.idx.msk [tilespmem:v14+s3+$0x0], $0xffff;
	_ =	sdelay $0x3  }
0x63: {  	v16 =	vld [tilespmem:$0x19010]  }
0x64: {  	[tilespmem:$0x19FF0] =	vst v0  }
0x65: {  	v0 =	vld.idx.msk [tilespmem:v15+s3+$0x0], $0xffff;
	_ =	sdelay $0x3  }
0x66: {  	v17 =	vld [tilespmem:$0x19020]  }
0x67: {  	[tilespmem:$0x1A000] =	vst v0  }
0x68: {  	v0 =	vld.idx.msk [tilespmem:v16+s3+$0x0], $0xffff;
	_ =	sdelay $0x3  }
0x69: {  	v18 =	vld [tilespmem:$0x19030]  }
0x6a: {  	[tilespmem:$0x1A010] =	vst v0  }
0x6b: {  	v0 =	vld.idx.msk [tilespmem:v17+s3+$0x0], $0xffff;
	_ =	sdelay $0x3  }
0x6c: {  	v19 =	vld [tilespmem:$0x19040]  }
0x6d: {  	[tilespmem:$0x1A020] =	vst v0  }
0x6e: {  	v0 =	vld.idx.msk [tilespmem:v18+s3+$0x0], $0xffff;
	_ =	sdelay $0x3  }
0x6f: {  	v20 =	vld [tilespmem:$0x19050]  }
0x70: {  	[tilespmem:$0x1A030] =	vst v0  }
0x71: {  	v0 =	vld.idx.msk [tilespmem:v19+s3+$0x0], $0xffff;
	_ =	sdelay $0x3  }
0x72: {  	v21 =	vld [tilespmem:$0x19060]  }
0x73: {  	[tilespmem:$0x1A040] =	vst v0  }
0x74: {  	v0 =	vld.idx.msk [tilespmem:v20+s3+$0x0], $0xffff;
	_ =	sdelay $0x3  }
0x75: {  	v22 =	vld [tilespmem:$0x19070]  }
0x76: {  	[tilespmem:$0x1A050] =	vst v0  }
0x77: {  	v0 =	vld.idx.msk [tilespmem:v21+s3+$0x0], $0xffff;
	_ =	sdelay $0x3  }
0x78: {  	v23 =	vld [tilespmem:$0x19080]  }
0x79: {  	[tilespmem:$0x1A060] =	vst v0  }
0x7a: {  	v0 =	vld.idx.msk [tilespmem:v22+s3+$0x0], $0xffff;
	_ =	sdelay $0x3  }
0x7b: {  	v24 =	vld [tilespmem:$0x19090]  }
0x7c: {  	[tilespmem:$0x1A070] =	vst v0  }
0x7d: {  	v0 =	vld.idx.msk [tilespmem:v23+s3+$0x0], $0xffff;
	_ =	sdelay $0x3  }
0x7e: {  	v25 =	vld [tilespmem:$0x190A0]  }
0x7f: {  	[tilespmem:$0x1A080] =	vst v0  }
0x80: {  	v0 =	vld.idx.msk [tilespmem:v24+s3+$0x0], $0xffff;
	_ =	sdelay $0x3  }
0x81: {  	v26 =	vld [tilespmem:$0x190B0]  }
0x82: {  	[tilespmem:$0x1A090] =	vst v0  }
0x83: {  	v0 =	vld.idx.msk [tilespmem:v25+s3+$0x0], $0xffff;
	_ =	sdelay $0x3  }
0x84: {  	v27 =	vld [tilespmem:$0x190C0]  }
0x85: {  	[tilespmem:$0x1A0A0] =	vst v0  }
0x86: {  	v0 =	vld.idx.msk [tilespmem:v26+s3+$0x0], $0xffff;
	_ =	sdelay $0x3  }
0x87: {  	v28 =	vld [tilespmem:$0x190D0]  }
0x88: {  	[tilespmem:$0x1A0B0] =	vst v0  }
0x89: {  	v0 =	vld.idx.msk [tilespmem:v27+s3+$0x0], $0xffff;
	_ =	sdelay $0x3  }
0x8a: {  	v29 =	vld [tilespmem:$0x190E0]  }
0x8b: {  	[tilespmem:$0x1A0C0] =	vst v0  }
0x8c: {  	v0 =	vld.idx.msk [tilespmem:v28+s3+$0x0], $0xffff;
	_ =	sdelay $0x3  }
0x8d: {  	v30 =	vld [tilespmem:$0x190F0]  }
0x8e: {  	[tilespmem:$0x1A0D0] =	vst v0  }
0x8f: {  	v0 =	vld.idx.msk [tilespmem:v29+s3+$0x0], $0xffff;
	_ =	sdelay $0x3  }
0x90: {  	v31 =	vld [tilespmem:$0x19100]  }
0x91: {  	[tilespmem:$0x1A0E0] =	vst v0  }
0x92: {  	v0 =	vld.idx.msk [tilespmem:v30+s3+$0x0], $0xffff;
	_ =	sdelay $0x3  }
0x93: {  	v32 =	vld [tilespmem:$0x19110]  }
0x94: {  	[tilespmem:$0x1A0F0] =	vst v0  }
0x95: {  	v0 =	vld.idx.msk [tilespmem:v31+s3+$0x0], $0xffff;
	_ =	sdelay $0x3  }
0x96: {  	v33 =	vld [tilespmem:$0x19120]  }
0x97: {  	[tilespmem:$0x1A100] =	vst v0  }
0x98: {  	v0 =	vld.idx.msk [tilespmem:v32+s3+$0x0], $0xffff;
	_ =	sdelay $0x3  }
0x99: {  	v34 =	vld [tilespmem:$0x19130]  }
0x9a: {  	[tilespmem:$0x1A110] =	vst v0  }
0x9b: {  	v0 =	vld.idx.msk [tilespmem:v33+s3+$0x0], $0xffff;
	_ =	sdelay $0x3  }
0x9c: {  	v35 =	vld [tilespmem:$0x19140]  }
0x9d: {  	[tilespmem:$0x1A120] =	vst v0  }
0x9e: {  	v0 =	vld.idx.msk [tilespmem:v34+s3+$0x0], $0xffff;
	_ =	sdelay $0x3  }
0x9f: {  	v36 =	vld [tilespmem:$0x19150]  }
0xa0: {  	[tilespmem:$0x1A130] =	vst v0  }
0xa1: {  	v0 =	vld.idx.msk [tilespmem:v35+s3+$0x0], $0xffff;
	_ =	sdelay $0x3  }
0xa2: {  	v37 =	vld [tilespmem:$0x19160]  }
0xa3: {  	[tilespmem:$0x1A140] =	vst v0  }
0xa4: {  	v0 =	vld.idx.msk [tilespmem:v36+s3+$0x0], $0xffff;
	_ =	sdelay $0x3  }
0xa5: {  	v38 =	vld [tilespmem:$0x19170]  }
0xa6: {  	[tilespmem:$0x1A150] =	vst v0  }
0xa7: {  	v0 =	vld.idx.msk [tilespmem:v37+s3+$0x0], $0xffff;
	_ =	sdelay $0x3  }
0xa8: {  	v39 =	vld [tilespmem:$0x19180]  }
0xa9: {  	[tilespmem:$0x1A160] =	vst v0  }
0xaa: {  	v0 =	vld.idx.msk [tilespmem:v38+s3+$0x0], $0xffff;
	_ =	sdelay $0x3  }
0xab: {  	v40 =	vld [tilespmem:$0x19190]  }
0xac: {  	[tilespmem:$0x1A170] =	vst v0  }
0xad: {  	v0 =	vld.idx.msk [tilespmem:v39+s3+$0x0], $0xffff;
	_ =	sdelay $0x3  }
0xae: {  	v41 =	vld [tilespmem:$0x191A0]  }
0xaf: {  	[tilespmem:$0x1A180] =	vst v0  }
0xb0: {  	v0 =	vld.idx.msk [tilespmem:v40+s3+$0x0], $0xffff;
	_ =	sdelay $0x3  }
0xb1: {  	v42 =	vld [tilespmem:$0x191B0]  }
0xb2: {  	[tilespmem:$0x1A190] =	vst v0  }
0xb3: {  	v0 =	vld.idx.msk [tilespmem:v41+s3+$0x0], $0xffff;
	_ =	sdelay $0x3  }
0xb4: {  	v43 =	vld [tilespmem:$0x191C0]  }
0xb5: {  	[tilespmem:$0x1A1A0] =	vst v0  }
0xb6: {  	v0 =	vld.idx.msk [tilespmem:v42+s3+$0x0], $0xffff;
	_ =	sdelay $0x3  }
0xb7: {  	v44 =	vld [tilespmem:$0x191D0]  }
0xb8: {  	[tilespmem:$0x1A1B0] =	vst v0  }
0xb9: {  	v0 =	vld.idx.msk [tilespmem:v43+s3+$0x0], $0xffff;
	_ =	sdelay $0x3  }
0xba: {  	v45 =	vld [tilespmem:$0x191E0]  }
0xbb: {  	[tilespmem:$0x1A1C0] =	vst v0  }
0xbc: {  	v0 =	vld.idx.msk [tilespmem:v44+s3+$0x0], $0xffff;
	_ =	sdelay $0x3  }
0xbd: {  	v46 =	vld [tilespmem:$0x191F0]  }
0xbe: {  	[tilespmem:$0x1A1D0] =	vst v0  }
0xbf: {  	v0 =	vld.idx.msk [tilespmem:v45+s3+$0x0], $0xffff;
	_ =	sdelay $0x3  }
0xc0: {  	v47 =	vld [tilespmem:$0x19200]  }
0xc1: {  	[tilespmem:$0x1A1E0] =	vst v0  }
0xc2: {  	v0 =	vld.idx.msk [tilespmem:v46+s3+$0x0], $0xffff;
	_ =	sdelay $0x3  }
0xc3: {  	v48 =	vld [tilespmem:$0x19210]  }
0xc4: {  	[tilespmem:$0x1A1F0] =	vst v0  }
0xc5: {  	v0 =	vld.idx.msk [tilespmem:v47+s3+$0x0], $0xffff;
	_ =	sdelay $0x3  }
0xc6: {  	v49 =	vld [tilespmem:$0x19220]  }
0xc7: {  	[tilespmem:$0x1A200] =	vst v0  }
0xc8: {  	v0 =	vld.idx.msk [tilespmem:v48+s3+$0x0], $0xffff;
	_ =	sdelay $0x3  }
0xc9: {  	v50 =	vld [tilespmem:$0x19230]  }
0xca: {  	[tilespmem:$0x1A210] =	vst v0  }
0xcb: {  	v0 =	vld.idx.msk [tilespmem:v49+s3+$0x0], $0xffff;
	_ =	sdelay $0x3  }
0xcc: {  	v51 =	vld [tilespmem:$0x19240]  }
0xcd: {  	[tilespmem:$0x1A220] =	vst v0  }
0xce: {  	v0 =	vld.idx.msk [tilespmem:v50+s3+$0x0], $0xffff;
	_ =	sdelay $0x3  }
0xcf: {  	v52 =	vld [tilespmem:$0x19250]  }
0xd0: {  	[tilespmem:$0x1A230] =	vst v0  }
0xd1: {  	v0 =	vld.idx.msk [tilespmem:v51+s3+$0x0], $0xffff;
	_ =	sdelay $0x3  }
0xd2: {  	v53 =	vld [tilespmem:$0x19260]  }
0xd3: {  	[tilespmem:$0x1A240] =	vst v0  }
0xd4: {  	v0 =	vld.idx.msk [tilespmem:v52+s3+$0x0], $0xffff;
	_ =	sdelay $0x3  }
0xd5: {  	v54 =	vld [tilespmem:$0x19270]  }
0xd6: {  	[tilespmem:$0x1A250] =	vst v0  }
0xd7: {  	v0 =	vld.idx.msk [tilespmem:v53+s3+$0x0], $0xffff;
	_ =	sdelay $0x3  }
0xd8: {  	v55 =	vld [tilespmem:$0x19280]  }
0xd9: {  	[tilespmem:$0x1A260] =	vst v0  }
0xda: {  	v0 =	vld.idx.msk [tilespmem:v54+s3+$0x0], $0xffff;
	_ =	sdelay $0x3  }
0xdb: {  	v56 =	vld [tilespmem:$0x19290]  }
0xdc: {  	[tilespmem:$0x1A270] =	vst v0  }
0xdd: {  	v0 =	vld.idx.msk [tilespmem:v55+s3+$0x0], $0xffff;
	_ =	sdelay $0x3  }
0xde: {  	v57 =	vld [tilespmem:$0x192A0]  }
0xdf: {  	[tilespmem:$0x1A280] =	vst v0  }
0xe0: {  	v0 =	vld.idx.msk [tilespmem:v56+s3+$0x0], $0xffff;
	_ =	sdelay $0x3  }
0xe1: {  	v58 =	vld [tilespmem:$0x192B0]  }
0xe2: {  	[tilespmem:$0x1A290] =	vst v0  }
0xe3: {  	v0 =	vld.idx.msk [tilespmem:v57+s3+$0x0], $0xffff;
	_ =	sdelay $0x3  }
0xe4: {  	v59 =	vld [tilespmem:$0x192C0]  }
0xe5: {  	[tilespmem:$0x1A2A0] =	vst v0  }
0xe6: {  	v0 =	vld.idx.msk [tilespmem:v58+s3+$0x0], $0xffff;
	_ =	sdelay $0x3  }
0xe7: {  	v60 =	vld [tilespmem:$0x192D0]  }
0xe8: {  	[tilespmem:$0x1A2B0] =	vst v0  }
0xe9: {  	v0 =	vld.idx.msk [tilespmem:v59+s3+$0x0], $0xffff;
	_ =	sdelay $0x3  }
0xea: {  	v61 =	vld [tilespmem:$0x192E0]  }
0xeb: {  	[tilespmem:$0x1A2C0] =	vst v0  }
0xec: {  	v0 =	vld.idx.msk [tilespmem:v60+s3+$0x0], $0xffff;
	_ =	sdelay $0x3  }
0xed: {  	v62 =	vld [tilespmem:$0x192F0]  }
0xee: {  	[tilespmem:$0x1A2D0] =	vst v0  }
0xef: {  	v0 =	vld.idx.msk [tilespmem:v61+s3+$0x0], $0xffff;
	_ =	sdelay $0x3  }
0xf0: {  	v63 =	vld [tilespmem:$0x19300]  }
0xf1: {  	[tilespmem:$0x1A2E0] =	vst v0  }
0xf2: {  	v0 =	vld.idx.msk [tilespmem:v62+s3+$0x0], $0xffff;
	_ =	sdelay $0x3  }
0xf3: {  	v4 =	vld [tilespmem:$0x19310]  }
0xf4: {  	[tilespmem:$0x1A2F0] =	vst v0  }
0xf5: {  	v0 =	vld.idx.msk [tilespmem:v63+s3+$0x0], $0xffff;
	_ =	sdelay $0x3  }
0xf6: {  	v5 =	vld [tilespmem:$0x19320]  }
0xf7: {  	[tilespmem:$0x1A300] =	vst v0  }
0xf8: {  	v0 =	vld.idx.msk [tilespmem:v4+s3+$0x0], $0xffff;
	_ =	sdelay $0x3  }
0xf9: {  	v6 =	vld [tilespmem:$0x19330]  }
0xfa: {  	[tilespmem:$0x1A310] =	vst v0  }
0xfb: {  	v0 =	vld.idx.msk [tilespmem:v5+s3+$0x0], $0xffff;
	_ =	sdelay $0x3  }
0xfc: {  	v7 =	vld [tilespmem:$0x19340]  }
0xfd: {  	[tilespmem:$0x1A320] =	vst v0  }
0xfe: {  	v0 =	vld.idx.msk [tilespmem:v6+s3+$0x0], $0xffff;
	_ =	sdelay $0x3  }
0xff: {  	v8 =	vld [tilespmem:$0x19350]  }
0x100: {  	[tilespmem:$0x1A330] =	vst v0  }
0x101: {  	v0 =	vld.idx.msk [tilespmem:v7+s3+$0x0], $0xffff;
	_ =	sdelay $0x3  }
0x102: {  	v9 =	vld [tilespmem:$0x19360]  }
0x103: {  	[tilespmem:$0x1A340] =	vst v0  }
0x104: {  	v0 =	vld.idx.msk [tilespmem:v8+s3+$0x0], $0xffff;
	_ =	sdelay $0x3  }
0x105: {  	v10 =	vld [tilespmem:$0x19370]  }
0x106: {  	[tilespmem:$0x1A350] =	vst v0  }
0x107: {  	v0 =	vld.idx.msk [tilespmem:v9+s3+$0x0], $0xffff;
	_ =	sdelay $0x3  }
0x108: {  	v11 =	vld [tilespmem:$0x19380]  }
0x109: {  	[tilespmem:$0x1A360] =	vst v0  }
0x10a: {  	v0 =	vld.idx.msk [tilespmem:v10+s3+$0x0], $0xffff;
	_ =	sdelay $0x3  }
0x10b: {  	v12 =	vld [tilespmem:$0x19390]  }
0x10c: {  	[tilespmem:$0x1A370] =	vst v0  }
0x10d: {  	v0 =	vld.idx.msk [tilespmem:v11+s3+$0x0], $0xffff;
	_ =	sdelay $0x3  }
0x10e: {  	v13 =	vld [tilespmem:$0x193A0]  }
0x10f: {  	[tilespmem:$0x1A380] =	vst v0  }
0x110: {  	v0 =	vld.idx.msk [tilespmem:v12+s3+$0x0], $0xffff;
	_ =	sdelay $0x3  }
0x111: {  	v14 =	vld [tilespmem:$0x193B0]  }
0x112: {  	[tilespmem:$0x1A390] =	vst v0  }
0x113: {  	v0 =	vld.idx.msk [tilespmem:v13+s3+$0x0], $0xffff;
	_ =	sdelay $0x3  }
0x114: {  	v15 =	vld [tilespmem:$0x193C0]  }
0x115: {  	[tilespmem:$0x1A3A0] =	vst v0  }
0x116: {  	v0 =	vld.idx.msk [tilespmem:v14+s3+$0x0], $0xffff;
	_ =	sdelay $0x3  }
0x117: {  	v16 =	vld [tilespmem:$0x193D0]  }
0x118: {  	[tilespmem:$0x1A3B0] =	vst v0  }
0x119: {  	v0 =	vld.idx.msk [tilespmem:v15+s3+$0x0], $0xffff;
	_ =	sdelay $0x3  }
0x11a: {  	v17 =	vld [tilespmem:$0x193E0]  }
0x11b: {  	[tilespmem:$0x1A3C0] =	vst v0  }
0x11c: {  	v0 =	vld.idx.msk [tilespmem:v16+s3+$0x0], $0xffff;
	_ =	sdelay $0x3  }
0x11d: {  	v18 =	vld [tilespmem:$0x193F0]  }
0x11e: {  	[tilespmem:$0x1A3D0] =	vst v0  }
0x11f: {  	v0 =	vld.idx.msk [tilespmem:v17+s3+$0x0], $0xffff;
	_ =	sdelay $0x3  }
0x120: {  	v19 =	vld [tilespmem:$0x19400]  }
0x121: {  	[tilespmem:$0x1A3E0] =	vst v0  }
0x122: {  	v0 =	vld.idx.msk [tilespmem:v18+s3+$0x0], $0xffff;
	_ =	sdelay $0x3  }
0x123: {  	v20 =	vld [tilespmem:$0x19410]  }
0x124: {  	[tilespmem:$0x1A3F0] =	vst v0  }
0x125: {  	v0 =	vld.idx.msk [tilespmem:v19+s3+$0x0], $0xffff;
	_ =	sdelay $0x3  }
0x126: {  	v21 =	vld [tilespmem:$0x19420]  }
0x127: {  	[tilespmem:$0x1A400] =	vst v0  }
0x128: {  	v0 =	vld.idx.msk [tilespmem:v20+s3+$0x0], $0xffff;
	_ =	sdelay $0x3  }
0x129: {  	v22 =	vld [tilespmem:$0x19430]  }
0x12a: {  	[tilespmem:$0x1A410] =	vst v0  }
0x12b: {  	v0 =	vld.idx.msk [tilespmem:v21+s3+$0x0], $0xffff;
	_ =	sdelay $0x3  }
0x12c: {  	v23 =	vld [tilespmem:$0x19440]  }
0x12d: {  	[tilespmem:$0x1A420] =	vst v0  }
0x12e: {  	v0 =	vld.idx.msk [tilespmem:v22+s3+$0x0], $0xffff;
	_ =	sdelay $0x3  }
0x12f: {  	v24 =	vld [tilespmem:$0x19450]  }
0x130: {  	[tilespmem:$0x1A430] =	vst v0  }
0x131: {  	v0 =	vld.idx.msk [tilespmem:v23+s3+$0x0], $0xffff;
	_ =	sdelay $0x3  }
0x132: {  	v25 =	vld [tilespmem:$0x19460]  }
0x133: {  	[tilespmem:$0x1A440] =	vst v0  }
0x134: {  	v0 =	vld.idx.msk [tilespmem:v24+s3+$0x0], $0xffff;
	_ =	sdelay $0x3  }
0x135: {  	v26 =	vld [tilespmem:$0x19470]  }
0x136: {  	[tilespmem:$0x1A450] =	vst v0  }
0x137: {  	v0 =	vld.idx.msk [tilespmem:v25+s3+$0x0], $0xffff;
	_ =	sdelay $0x3  }
0x138: {  	v27 =	vld [tilespmem:$0x19480]  }
0x139: {  	[tilespmem:$0x1A460] =	vst v0  }
0x13a: {  	v0 =	vld.idx.msk [tilespmem:v26+s3+$0x0], $0xffff;
	_ =	sdelay $0x3  }
0x13b: {  	v28 =	vld [tilespmem:$0x19490]  }
0x13c: {  	[tilespmem:$0x1A470] =	vst v0  }
0x13d: {  	v0 =	vld.idx.msk [tilespmem:v27+s3+$0x0], $0xffff;
	_ =	sdelay $0x3  }
0x13e: {  	v29 =	vld [tilespmem:$0x194A0]  }
0x13f: {  	[tilespmem:$0x1A480] =	vst v0  }
0x140: {  	v0 =	vld.idx.msk [tilespmem:v28+s3+$0x0], $0xffff;
	_ =	sdelay $0x3  }
0x141: {  	v30 =	vld [tilespmem:$0x194B0]  }
0x142: {  	[tilespmem:$0x1A490] =	vst v0  }
0x143: {  	v0 =	vld.idx.msk [tilespmem:v29+s3+$0x0], $0xffff;
	_ =	sdelay $0x3  }
0x144: {  	v31 =	vld [tilespmem:$0x194C0]  }
0x145: {  	[tilespmem:$0x1A4A0] =	vst v0  }
0x146: {  	v0 =	vld.idx.msk [tilespmem:v30+s3+$0x0], $0xffff;
	_ =	sdelay $0x3  }
0x147: {  	v32 =	vld [tilespmem:$0x194D0]  }
0x148: {  	[tilespmem:$0x1A4B0] =	vst v0  }
0x149: {  	v0 =	vld.idx.msk [tilespmem:v31+s3+$0x0], $0xffff;
	_ =	sdelay $0x3  }
0x14a: {  	v33 =	vld [tilespmem:$0x194E0]  }
0x14b: {  	[tilespmem:$0x1A4C0] =	vst v0  }
0x14c: {  	v0 =	vld.idx.msk [tilespmem:v32+s3+$0x0], $0xffff;
	_ =	sdelay $0x3  }
0x14d: {  	v34 =	vld [tilespmem:$0x194F0]  }
0x14e: {  	[tilespmem:$0x1A4D0] =	vst v0  }
0x14f: {  	v0 =	vld.idx.msk [tilespmem:v33+s3+$0x0], $0xffff;
	_ =	sdelay $0x3  }
0x150: {  	v35 =	vld [tilespmem:$0x19500]  }
0x151: {  	[tilespmem:$0x1A4E0] =	vst v0  }
0x152: {  	v0 =	vld.idx.msk [tilespmem:v34+s3+$0x0], $0xffff;
	_ =	sdelay $0x3  }
0x153: {  	v36 =	vld [tilespmem:$0x19510]  }
0x154: {  	[tilespmem:$0x1A4F0] =	vst v0  }
0x155: {  	v0 =	vld.idx.msk [tilespmem:v35+s3+$0x0], $0xffff;
	_ =	sdelay $0x3  }
0x156: {  	v37 =	vld [tilespmem:$0x19520]  }
0x157: {  	[tilespmem:$0x1A500] =	vst v0  }
0x158: {  	v0 =	vld.idx.msk [tilespmem:v36+s3+$0x0], $0xffff;
	_ =	sdelay $0x3  }
0x159: {  	v38 =	vld [tilespmem:$0x19530]  }
0x15a: {  	[tilespmem:$0x1A510] =	vst v0  }
0x15b: {  	v0 =	vld.idx.msk [tilespmem:v37+s3+$0x0], $0xffff;
	_ =	sdelay $0x3  }
0x15c: {  	v39 =	vld [tilespmem:$0x19540]  }
0x15d: {  	[tilespmem:$0x1A520] =	vst v0  }
0x15e: {  	v0 =	vld.idx.msk [tilespmem:v38+s3+$0x0], $0xffff;
	_ =	sdelay $0x3  }
0x15f: {  	v40 =	vld [tilespmem:$0x19550]  }
0x160: {  	[tilespmem:$0x1A530] =	vst v0  }
0x161: {  	v0 =	vld.idx.msk [tilespmem:v39+s3+$0x0], $0xffff;
	_ =	sdelay $0x3  }
0x162: {  	v41 =	vld [tilespmem:$0x19560]  }
0x163: {  	[tilespmem:$0x1A540] =	vst v0  }
0x164: {  	v0 =	vld.idx.msk [tilespmem:v40+s3+$0x0], $0xffff;
	_ =	sdelay $0x3  }
0x165: {  	v42 =	vld [tilespmem:$0x19570]  }
0x166: {  	[tilespmem:$0x1A550] =	vst v0  }
0x167: {  	v0 =	vld.idx.msk [tilespmem:v41+s3+$0x0], $0xffff;
	_ =	sdelay $0x3  }
0x168: {  	v43 =	vld [tilespmem:$0x19580]  }
0x169: {  	[tilespmem:$0x1A560] =	vst v0  }
0x16a: {  	v0 =	vld.idx.msk [tilespmem:v42+s3+$0x0], $0xffff;
	_ =	sdelay $0x3  }
0x16b: {  	v44 =	vld [tilespmem:$0x19590]  }
0x16c: {  	[tilespmem:$0x1A570] =	vst v0  }
0x16d: {  	v0 =	vld.idx.msk [tilespmem:v43+s3+$0x0], $0xffff;
	_ =	sdelay $0x3  }
0x16e: {  	v45 =	vld [tilespmem:$0x195A0]  }
0x16f: {  	[tilespmem:$0x1A580] =	vst v0  }
0x170: {  	v0 =	vld.idx.msk [tilespmem:v44+s3+$0x0], $0xffff;
	_ =	sdelay $0x3  }
0x171: {  	v46 =	vld [tilespmem:$0x195B0]  }
0x172: {  	[tilespmem:$0x1A590] =	vst v0  }
0x173: {  	v0 =	vld.idx.msk [tilespmem:v45+s3+$0x0], $0xffff;
	_ =	sdelay $0x3  }
0x174: {  	v47 =	vld [tilespmem:$0x195C0]  }
0x175: {  	[tilespmem:$0x1A5A0] =	vst v0  }
0x176: {  	v0 =	vld.idx.msk [tilespmem:v46+s3+$0x0], $0xffff;
	_ =	sdelay $0x3  }
0x177: {  	v48 =	vld [tilespmem:$0x195D0]  }
0x178: {  	[tilespmem:$0x1A5B0] =	vst v0  }
0x179: {  	v0 =	vld.idx.msk [tilespmem:v47+s3+$0x0], $0xffff;
	_ =	sdelay $0x3  }
0x17a: {  	v49 =	vld [tilespmem:$0x195E0]  }
0x17b: {  	[tilespmem:$0x1A5C0] =	vst v0  }
0x17c: {  	v0 =	vld.idx.msk [tilespmem:v48+s3+$0x0], $0xffff;
	_ =	sdelay $0x3  }
0x17d: {  	v50 =	vld [tilespmem:$0x195F0]  }
0x17e: {  	[tilespmem:$0x1A5D0] =	vst v0  }
0x17f: {  	v0 =	vld.idx.msk [tilespmem:v49+s3+$0x0], $0xffff;
	_ =	sdelay $0x3  }
0x180: {  	v51 =	vld [tilespmem:$0x19600]  }
0x181: {  	[tilespmem:$0x1A5E0] =	vst v0  }
0x182: {  	v0 =	vld.idx.msk [tilespmem:v50+s3+$0x0], $0xffff;
	_ =	sdelay $0x3  }
0x183: {  	v52 =	vld [tilespmem:$0x19610]  }
0x184: {  	[tilespmem:$0x1A5F0] =	vst v0  }
0x185: {  	v0 =	vld.idx.msk [tilespmem:v51+s3+$0x0], $0xffff;
	_ =	sdelay $0x3  }
0x186: {  	v53 =	vld [tilespmem:$0x19620]  }
0x187: {  	[tilespmem:$0x1A600] =	vst v0  }
0x188: {  	v0 =	vld.idx.msk [tilespmem:v52+s3+$0x0], $0xffff;
	_ =	sdelay $0x3  }
0x189: {  	v54 =	vld [tilespmem:$0x19630]  }
0x18a: {  	[tilespmem:$0x1A610] =	vst v0  }
0x18b: {  	v0 =	vld.idx.msk [tilespmem:v53+s3+$0x0], $0xffff;
	_ =	sdelay $0x3  }
0x18c: {  	v55 =	vld [tilespmem:$0x19640]  }
0x18d: {  	[tilespmem:$0x1A620] =	vst v0  }
0x18e: {  	v0 =	vld.idx.msk [tilespmem:v54+s3+$0x0], $0xffff;
	_ =	sdelay $0x3  }
0x18f: {  	v56 =	vld [tilespmem:$0x19650]  }
0x190: {  	[tilespmem:$0x1A630] =	vst v0  }
0x191: {  	v0 =	vld.idx.msk [tilespmem:v55+s3+$0x0], $0xffff;
	_ =	sdelay $0x3  }
0x192: {  	v57 =	vld [tilespmem:$0x19660]  }
0x193: {  	[tilespmem:$0x1A640] =	vst v0  }
0x194: {  	v0 =	vld.idx.msk [tilespmem:v56+s3+$0x0], $0xffff;
	_ =	sdelay $0x3  }
0x195: {  	v58 =	vld [tilespmem:$0x19670]  }
0x196: {  	[tilespmem:$0x1A650] =	vst v0  }
0x197: {  	v0 =	vld.idx.msk [tilespmem:v57+s3+$0x0], $0xffff;
	_ =	sdelay $0x3  }
0x198: {  	v59 =	vld [tilespmem:$0x19680]  }
0x199: {  	[tilespmem:$0x1A660] =	vst v0  }
0x19a: {  	v0 =	vld.idx.msk [tilespmem:v58+s3+$0x0], $0xffff;
	_ =	sdelay $0x3  }
0x19b: {  	v60 =	vld [tilespmem:$0x19690]  }
0x19c: {  	[tilespmem:$0x1A670] =	vst v0  }
0x19d: {  	v0 =	vld.idx.msk [tilespmem:v59+s3+$0x0], $0xffff;
	_ =	sdelay $0x3  }
0x19e: {  	v61 =	vld [tilespmem:$0x196A0]  }
0x19f: {  	[tilespmem:$0x1A680] =	vst v0  }
0x1a0: {  	v0 =	vld.idx.msk [tilespmem:v60+s3+$0x0], $0xffff;
	_ =	sdelay $0x3  }
0x1a1: {  	v62 =	vld [tilespmem:$0x196B0]  }
0x1a2: {  	[tilespmem:$0x1A690] =	vst v0  }
0x1a3: {  	v0 =	vld.idx.msk [tilespmem:v61+s3+$0x0], $0xffff;
	_ =	sdelay $0x3  }
0x1a4: {  	v63 =	vld [tilespmem:$0x196C0]  }
0x1a5: {  	[tilespmem:$0x1A6A0] =	vst v0  }
0x1a6: {  	v0 =	vld.idx.msk [tilespmem:v62+s3+$0x0], $0xffff;
	_ =	sdelay $0x4  }
0x1a7: {  	[tilespmem:$0x1A6B0] =	vst v0  }
0x1a8: {  	v0 =	vld.idx.msk [tilespmem:v63+s3+$0x0], $0xffff  }
0x1a9: {  	s23 =	sadd.s32 $0x3E80, s23  }
0x1aa: {  	p1 =	sne.s32 s23, $0x61A80  }
.Ltmp5:
0x1ab: {  	_ = 	snop;
	(pc) =	sbr.rel @!p1 .LBB2_8-.Ltmp5, $4  }
0x1ac: {  	_ = 	snop  }
0x1ad: {  	[tilespmem:$0x1A6C0] =	vst v0  }
0x1ae: {  	[hbm4b:s24+s3] =	stream.linear.scatter [tilespmem:s17], [sflag:$0x4], $0x7D0, $0x38;
	[tilespmem:$0x1BF70] =	vst v63  }
0x1af: {  	s25 =	sadd.s32 $0x1F4, s25;
	s24 =	sadd.s32 $0x1F4, s24  }
.LBB2_3:
0x1b0: {  	s26 =	sshra.s32 s23, $0x2  }
0x1b1: {  	s26 =	sadd.s32 s26, s2  }
0x1b2: {  	s28 =	sadd.s32 $0x7D0, s26  }
0x1b3: {  	[tilespmem:s12], [sflag:$0x2] =	stream.linear.gather [spmem:s28], $0x7D0, $0x38;
	[tilespmem:$0x1BF70] =	vst v63  }
0x1b4: {  	_ =	swait.ge [sflag:s13], $0x7D0  }
0x1b5: {  	p1 =	seq.s32 s23, $0x0;
	[sflag:s13] =	ssyncset.done $0x0  }
0x1b6: {  	s28 =	simm.s32 @!p1 $0x3;
	[sflag:s13] =	ssyncadd.s32 $0xFFFFF830  }
0x1b7: {  	_ =	swait.ge @!p1 [sflag:s28], $0x7D0  }
0x1b8: {  	[sflag:s28] =	ssyncset.done @!p1 $0x0  }
0x1b9: {  	[sflag:s28] =	ssyncadd.s32 @!p1 $0xFFFFF830  }
0x1ba: {  	v0 =	vld [tilespmem:$0x18700];
	_ =	sdelay $0x5  }
0x1bb: {  	v1 =	vld [tilespmem:$0x18710];
	_ =	sdelay $0x1  }
0x1bc: {  	v0 =	vld.idx.msk [tilespmem:v0+s3+$0x0], $0xffff;
	_ =	sdelay $0x3  }
0x1bd: {  	v2 =	vld [tilespmem:$0x18720]  }
0x1be: {  	[tilespmem:$0x19700] =	vst v0  }
0x1bf: {  	v0 =	vld.idx.msk [tilespmem:v1+s3+$0x0], $0xffff;
	_ =	sdelay $0x3  }
0x1c0: {  	v62 =	vld [tilespmem:$0x18730]  }
0x1c1: {  	[tilespmem:$0x19710] =	vst v0  }
0x1c2: {  	v0 =	vld.idx.msk [tilespmem:v2+s3+$0x0], $0xffff;
	_ =	sdelay $0x3  }
0x1c3: {  	v63 =	vld [tilespmem:$0x18740]  }
0x1c4: {  	[tilespmem:$0x19720] =	vst v0  }
0x1c5: {  	v0 =	vld.idx.msk [tilespmem:v62+s3+$0x0], $0xffff;
	_ =	sdelay $0x3  }
0x1c6: {  	v4 =	vld [tilespmem:$0x18750]  }
0x1c7: {  	[tilespmem:$0x19730] =	vst v0  }
0x1c8: {  	v0 =	vld.idx.msk [tilespmem:v63+s3+$0x0], $0xffff;
	_ =	sdelay $0x3  }
0x1c9: {  	v5 =	vld [tilespmem:$0x18760]  }
0x1ca: {  	[tilespmem:$0x19740] =	vst v0  }
0x1cb: {  	v0 =	vld.idx.msk [tilespmem:v4+s3+$0x0], $0xffff;
	_ =	sdelay $0x3  }
0x1cc: {  	v6 =	vld [tilespmem:$0x18770]  }
0x1cd: {  	[tilespmem:$0x19750] =	vst v0  }
0x1ce: {  	v0 =	vld.idx.msk [tilespmem:v5+s3+$0x0], $0xffff;
	_ =	sdelay $0x3  }
0x1cf: {  	v7 =	vld [tilespmem:$0x18780]  }
0x1d0: {  	[tilespmem:$0x19760] =	vst v0  }
0x1d1: {  	v0 =	vld.idx.msk [tilespmem:v6+s3+$0x0], $0xffff;
	_ =	sdelay $0x3  }
0x1d2: {  	v8 =	vld [tilespmem:$0x18790]  }
0x1d3: {  	[tilespmem:$0x19770] =	vst v0  }
0x1d4: {  	v0 =	vld.idx.msk [tilespmem:v7+s3+$0x0], $0xffff;
	_ =	sdelay $0x3  }
0x1d5: {  	v9 =	vld [tilespmem:$0x187A0]  }
0x1d6: {  	[tilespmem:$0x19780] =	vst v0  }
0x1d7: {  	v0 =	vld.idx.msk [tilespmem:v8+s3+$0x0], $0xffff;
	_ =	sdelay $0x3  }
0x1d8: {  	v10 =	vld [tilespmem:$0x187B0]  }
0x1d9: {  	[tilespmem:$0x19790] =	vst v0  }
0x1da: {  	v0 =	vld.idx.msk [tilespmem:v9+s3+$0x0], $0xffff;
	_ =	sdelay $0x3  }
0x1db: {  	v11 =	vld [tilespmem:$0x187C0]  }
0x1dc: {  	[tilespmem:$0x197A0] =	vst v0  }
0x1dd: {  	v0 =	vld.idx.msk [tilespmem:v10+s3+$0x0], $0xffff;
	_ =	sdelay $0x3  }
0x1de: {  	v12 =	vld [tilespmem:$0x187D0]  }
0x1df: {  	[tilespmem:$0x197B0] =	vst v0  }
0x1e0: {  	v0 =	vld.idx.msk [tilespmem:v11+s3+$0x0], $0xffff;
	_ =	sdelay $0x3  }
0x1e1: {  	v13 =	vld [tilespmem:$0x187E0]  }
0x1e2: {  	[tilespmem:$0x197C0] =	vst v0  }
0x1e3: {  	v0 =	vld.idx.msk [tilespmem:v12+s3+$0x0], $0xffff;
	_ =	sdelay $0x3  }
0x1e4: {  	v14 =	vld [tilespmem:$0x187F0]  }
0x1e5: {  	[tilespmem:$0x197D0] =	vst v0  }
0x1e6: {  	v0 =	vld.idx.msk [tilespmem:v13+s3+$0x0], $0xffff;
	_ =	sdelay $0x3  }
0x1e7: {  	v15 =	vld [tilespmem:$0x18800]  }
0x1e8: {  	[tilespmem:$0x197E0] =	vst v0  }
0x1e9: {  	v0 =	vld.idx.msk [tilespmem:v14+s3+$0x0], $0xffff;
	_ =	sdelay $0x3  }
0x1ea: {  	v16 =	vld [tilespmem:$0x18810]  }
0x1eb: {  	[tilespmem:$0x197F0] =	vst v0  }
0x1ec: {  	v0 =	vld.idx.msk [tilespmem:v15+s3+$0x0], $0xffff;
	_ =	sdelay $0x3  }
0x1ed: {  	v17 =	vld [tilespmem:$0x18820]  }
0x1ee: {  	[tilespmem:$0x19800] =	vst v0  }
0x1ef: {  	v0 =	vld.idx.msk [tilespmem:v16+s3+$0x0], $0xffff;
	_ =	sdelay $0x3  }
0x1f0: {  	v18 =	vld [tilespmem:$0x18830]  }
0x1f1: {  	[tilespmem:$0x19810] =	vst v0  }
0x1f2: {  	v0 =	vld.idx.msk [tilespmem:v17+s3+$0x0], $0xffff;
	_ =	sdelay $0x3  }
0x1f3: {  	v19 =	vld [tilespmem:$0x18840]  }
0x1f4: {  	[tilespmem:$0x19820] =	vst v0  }
0x1f5: {  	v0 =	vld.idx.msk [tilespmem:v18+s3+$0x0], $0xffff;
	_ =	sdelay $0x3  }
0x1f6: {  	v20 =	vld [tilespmem:$0x18850]  }
0x1f7: {  	[tilespmem:$0x19830] =	vst v0  }
0x1f8: {  	v0 =	vld.idx.msk [tilespmem:v19+s3+$0x0], $0xffff;
	_ =	sdelay $0x3  }
0x1f9: {  	v21 =	vld [tilespmem:$0x18860]  }
0x1fa: {  	[tilespmem:$0x19840] =	vst v0  }
0x1fb: {  	v0 =	vld.idx.msk [tilespmem:v20+s3+$0x0], $0xffff;
	_ =	sdelay $0x3  }
0x1fc: {  	v22 =	vld [tilespmem:$0x18870]  }
0x1fd: {  	[tilespmem:$0x19850] =	vst v0  }
0x1fe: {  	v0 =	vld.idx.msk [tilespmem:v21+s3+$0x0], $0xffff;
	_ =	sdelay $0x3  }
0x1ff: {  	v23 =	vld [tilespmem:$0x18880]  }
0x200: {  	[tilespmem:$0x19860] =	vst v0  }
0x201: {  	v0 =	vld.idx.msk [tilespmem:v22+s3+$0x0], $0xffff;
	_ =	sdelay $0x3  }
0x202: {  	v24 =	vld [tilespmem:$0x18890]  }
0x203: {  	[tilespmem:$0x19870] =	vst v0  }
0x204: {  	v0 =	vld.idx.msk [tilespmem:v23+s3+$0x0], $0xffff;
	_ =	sdelay $0x3  }
0x205: {  	v25 =	vld [tilespmem:$0x188A0]  }
0x206: {  	[tilespmem:$0x19880] =	vst v0  }
0x207: {  	v0 =	vld.idx.msk [tilespmem:v24+s3+$0x0], $0xffff;
	_ =	sdelay $0x3  }
0x208: {  	v26 =	vld [tilespmem:$0x188B0]  }
0x209: {  	[tilespmem:$0x19890] =	vst v0  }
0x20a: {  	v0 =	vld.idx.msk [tilespmem:v25+s3+$0x0], $0xffff;
	_ =	sdelay $0x3  }
0x20b: {  	v27 =	vld [tilespmem:$0x188C0]  }
0x20c: {  	[tilespmem:$0x198A0] =	vst v0  }
0x20d: {  	v0 =	vld.idx.msk [tilespmem:v26+s3+$0x0], $0xffff;
	_ =	sdelay $0x3  }
0x20e: {  	v28 =	vld [tilespmem:$0x188D0]  }
0x20f: {  	[tilespmem:$0x198B0] =	vst v0  }
0x210: {  	v0 =	vld.idx.msk [tilespmem:v27+s3+$0x0], $0xffff;
	_ =	sdelay $0x3  }
0x211: {  	v29 =	vld [tilespmem:$0x188E0]  }
0x212: {  	[tilespmem:$0x198C0] =	vst v0  }
0x213: {  	v0 =	vld.idx.msk [tilespmem:v28+s3+$0x0], $0xffff;
	_ =	sdelay $0x3  }
0x214: {  	v30 =	vld [tilespmem:$0x188F0]  }
0x215: {  	[tilespmem:$0x198D0] =	vst v0  }
0x216: {  	v0 =	vld.idx.msk [tilespmem:v29+s3+$0x0], $0xffff;
	_ =	sdelay $0x3  }
0x217: {  	v31 =	vld [tilespmem:$0x18900]  }
0x218: {  	[tilespmem:$0x198E0] =	vst v0  }
0x219: {  	v0 =	vld.idx.msk [tilespmem:v30+s3+$0x0], $0xffff;
	_ =	sdelay $0x3  }
0x21a: {  	v32 =	vld [tilespmem:$0x18910]  }
0x21b: {  	[tilespmem:$0x198F0] =	vst v0  }
0x21c: {  	v0 =	vld.idx.msk [tilespmem:v31+s3+$0x0], $0xffff;
	_ =	sdelay $0x3  }
0x21d: {  	v33 =	vld [tilespmem:$0x18920]  }
0x21e: {  	[tilespmem:$0x19900] =	vst v0  }
0x21f: {  	v0 =	vld.idx.msk [tilespmem:v32+s3+$0x0], $0xffff;
	_ =	sdelay $0x3  }
0x220: {  	v34 =	vld [tilespmem:$0x18930]  }
0x221: {  	[tilespmem:$0x19910] =	vst v0  }
0x222: {  	v0 =	vld.idx.msk [tilespmem:v33+s3+$0x0], $0xffff;
	_ =	sdelay $0x3  }
0x223: {  	v35 =	vld [tilespmem:$0x18940]  }
0x224: {  	[tilespmem:$0x19920] =	vst v0  }
0x225: {  	v0 =	vld.idx.msk [tilespmem:v34+s3+$0x0], $0xffff;
	_ =	sdelay $0x3  }
0x226: {  	v36 =	vld [tilespmem:$0x18950]  }
0x227: {  	[tilespmem:$0x19930] =	vst v0  }
0x228: {  	v0 =	vld.idx.msk [tilespmem:v35+s3+$0x0], $0xffff;
	_ =	sdelay $0x3  }
0x229: {  	v37 =	vld [tilespmem:$0x18960]  }
0x22a: {  	[tilespmem:$0x19940] =	vst v0  }
0x22b: {  	v0 =	vld.idx.msk [tilespmem:v36+s3+$0x0], $0xffff;
	_ =	sdelay $0x3  }
0x22c: {  	v38 =	vld [tilespmem:$0x18970]  }
0x22d: {  	[tilespmem:$0x19950] =	vst v0  }
0x22e: {  	v0 =	vld.idx.msk [tilespmem:v37+s3+$0x0], $0xffff;
	_ =	sdelay $0x3  }
0x22f: {  	v39 =	vld [tilespmem:$0x18980]  }
0x230: {  	[tilespmem:$0x19960] =	vst v0  }
0x231: {  	v0 =	vld.idx.msk [tilespmem:v38+s3+$0x0], $0xffff;
	_ =	sdelay $0x3  }
0x232: {  	v40 =	vld [tilespmem:$0x18990]  }
0x233: {  	[tilespmem:$0x19970] =	vst v0  }
0x234: {  	v0 =	vld.idx.msk [tilespmem:v39+s3+$0x0], $0xffff;
	_ =	sdelay $0x3  }
0x235: {  	v41 =	vld [tilespmem:$0x189A0]  }
0x236: {  	[tilespmem:$0x19980] =	vst v0  }
0x237: {  	v0 =	vld.idx.msk [tilespmem:v40+s3+$0x0], $0xffff;
	_ =	sdelay $0x3  }
0x238: {  	v42 =	vld [tilespmem:$0x189B0]  }
0x239: {  	[tilespmem:$0x19990] =	vst v0  }
0x23a: {  	v0 =	vld.idx.msk [tilespmem:v41+s3+$0x0], $0xffff;
	_ =	sdelay $0x3  }
0x23b: {  	v43 =	vld [tilespmem:$0x189C0]  }
0x23c: {  	[tilespmem:$0x199A0] =	vst v0  }
0x23d: {  	v0 =	vld.idx.msk [tilespmem:v42+s3+$0x0], $0xffff;
	_ =	sdelay $0x3  }
0x23e: {  	v44 =	vld [tilespmem:$0x189D0]  }
0x23f: {  	[tilespmem:$0x199B0] =	vst v0  }
0x240: {  	v0 =	vld.idx.msk [tilespmem:v43+s3+$0x0], $0xffff;
	_ =	sdelay $0x3  }
0x241: {  	v45 =	vld [tilespmem:$0x189E0]  }
0x242: {  	[tilespmem:$0x199C0] =	vst v0  }
0x243: {  	v0 =	vld.idx.msk [tilespmem:v44+s3+$0x0], $0xffff;
	_ =	sdelay $0x3  }
0x244: {  	v46 =	vld [tilespmem:$0x189F0]  }
0x245: {  	[tilespmem:$0x199D0] =	vst v0  }
0x246: {  	v0 =	vld.idx.msk [tilespmem:v45+s3+$0x0], $0xffff;
	_ =	sdelay $0x3  }
0x247: {  	v47 =	vld [tilespmem:$0x18A00]  }
0x248: {  	[tilespmem:$0x199E0] =	vst v0  }
0x249: {  	v0 =	vld.idx.msk [tilespmem:v46+s3+$0x0], $0xffff;
	_ =	sdelay $0x3  }
0x24a: {  	v48 =	vld [tilespmem:$0x18A10]  }
0x24b: {  	[tilespmem:$0x199F0] =	vst v0  }
0x24c: {  	v0 =	vld.idx.msk [tilespmem:v47+s3+$0x0], $0xffff;
	_ =	sdelay $0x3  }
0x24d: {  	v49 =	vld [tilespmem:$0x18A20]  }
0x24e: {  	[tilespmem:$0x19A00] =	vst v0  }
0x24f: {  	v0 =	vld.idx.msk [tilespmem:v48+s3+$0x0], $0xffff;
	_ =	sdelay $0x3  }
0x250: {  	v50 =	vld [tilespmem:$0x18A30]  }
0x251: {  	[tilespmem:$0x19A10] =	vst v0  }
0x252: {  	v0 =	vld.idx.msk [tilespmem:v49+s3+$0x0], $0xffff;
	_ =	sdelay $0x3  }
0x253: {  	v51 =	vld [tilespmem:$0x18A40]  }
0x254: {  	[tilespmem:$0x19A20] =	vst v0  }
0x255: {  	v0 =	vld.idx.msk [tilespmem:v50+s3+$0x0], $0xffff;
	_ =	sdelay $0x3  }
0x256: {  	v52 =	vld [tilespmem:$0x18A50]  }
0x257: {  	[tilespmem:$0x19A30] =	vst v0  }
0x258: {  	v0 =	vld.idx.msk [tilespmem:v51+s3+$0x0], $0xffff;
	_ =	sdelay $0x3  }
0x259: {  	v53 =	vld [tilespmem:$0x18A60]  }
0x25a: {  	[tilespmem:$0x19A40] =	vst v0  }
0x25b: {  	v0 =	vld.idx.msk [tilespmem:v52+s3+$0x0], $0xffff;
	_ =	sdelay $0x3  }
0x25c: {  	v54 =	vld [tilespmem:$0x18A70]  }
0x25d: {  	[tilespmem:$0x19A50] =	vst v0  }
0x25e: {  	v0 =	vld.idx.msk [tilespmem:v53+s3+$0x0], $0xffff;
	_ =	sdelay $0x3  }
0x25f: {  	v55 =	vld [tilespmem:$0x18A80]  }
0x260: {  	[tilespmem:$0x19A60] =	vst v0  }
0x261: {  	v0 =	vld.idx.msk [tilespmem:v54+s3+$0x0], $0xffff;
	_ =	sdelay $0x3  }
0x262: {  	v56 =	vld [tilespmem:$0x18A90]  }
0x263: {  	[tilespmem:$0x19A70] =	vst v0  }
0x264: {  	v0 =	vld.idx.msk [tilespmem:v55+s3+$0x0], $0xffff;
	_ =	sdelay $0x3  }
0x265: {  	v57 =	vld [tilespmem:$0x18AA0]  }
0x266: {  	[tilespmem:$0x19A80] =	vst v0  }
0x267: {  	v0 =	vld.idx.msk [tilespmem:v56+s3+$0x0], $0xffff;
	_ =	sdelay $0x3  }
0x268: {  	v58 =	vld [tilespmem:$0x18AB0]  }
0x269: {  	[tilespmem:$0x19A90] =	vst v0  }
0x26a: {  	v0 =	vld.idx.msk [tilespmem:v57+s3+$0x0], $0xffff;
	_ =	sdelay $0x3  }
0x26b: {  	v59 =	vld [tilespmem:$0x18AC0]  }
0x26c: {  	[tilespmem:$0x19AA0] =	vst v0  }
0x26d: {  	v0 =	vld.idx.msk [tilespmem:v58+s3+$0x0], $0xffff;
	_ =	sdelay $0x3  }
0x26e: {  	v60 =	vld [tilespmem:$0x18AD0]  }
0x26f: {  	[tilespmem:$0x19AB0] =	vst v0  }
0x270: {  	v0 =	vld.idx.msk [tilespmem:v59+s3+$0x0], $0xffff;
	_ =	sdelay $0x3  }
0x271: {  	v61 =	vld [tilespmem:$0x18AE0]  }
0x272: {  	[tilespmem:$0x19AC0] =	vst v0  }
0x273: {  	v0 =	vld.idx.msk [tilespmem:v60+s3+$0x0], $0xffff;
	_ =	sdelay $0x3  }
0x274: {  	v62 =	vld [tilespmem:$0x18AF0]  }
0x275: {  	[tilespmem:$0x19AD0] =	vst v0  }
0x276: {  	v0 =	vld.idx.msk [tilespmem:v61+s3+$0x0], $0xffff;
	_ =	sdelay $0x3  }
0x277: {  	v63 =	vld [tilespmem:$0x18B00]  }
0x278: {  	[tilespmem:$0x19AE0] =	vst v0  }
0x279: {  	v0 =	vld.idx.msk [tilespmem:v62+s3+$0x0], $0xffff;
	_ =	sdelay $0x3  }
0x27a: {  	v4 =	vld [tilespmem:$0x18B10]  }
0x27b: {  	[tilespmem:$0x19AF0] =	vst v0  }
0x27c: {  	v0 =	vld.idx.msk [tilespmem:v63+s3+$0x0], $0xffff;
	_ =	sdelay $0x3  }
0x27d: {  	v5 =	vld [tilespmem:$0x18B20]  }
0x27e: {  	[tilespmem:$0x19B00] =	vst v0  }
0x27f: {  	v0 =	vld.idx.msk [tilespmem:v4+s3+$0x0], $0xffff;
	_ =	sdelay $0x3  }
0x280: {  	v6 =	vld [tilespmem:$0x18B30]  }
0x281: {  	[tilespmem:$0x19B10] =	vst v0  }
0x282: {  	v0 =	vld.idx.msk [tilespmem:v5+s3+$0x0], $0xffff;
	_ =	sdelay $0x3  }
0x283: {  	v7 =	vld [tilespmem:$0x18B40]  }
0x284: {  	[tilespmem:$0x19B20] =	vst v0  }
0x285: {  	v0 =	vld.idx.msk [tilespmem:v6+s3+$0x0], $0xffff;
	_ =	sdelay $0x3  }
0x286: {  	v8 =	vld [tilespmem:$0x18B50]  }
0x287: {  	[tilespmem:$0x19B30] =	vst v0  }
0x288: {  	v0 =	vld.idx.msk [tilespmem:v7+s3+$0x0], $0xffff;
	_ =	sdelay $0x3  }
0x289: {  	v9 =	vld [tilespmem:$0x18B60]  }
0x28a: {  	[tilespmem:$0x19B40] =	vst v0  }
0x28b: {  	v0 =	vld.idx.msk [tilespmem:v8+s3+$0x0], $0xffff;
	_ =	sdelay $0x3  }
0x28c: {  	v10 =	vld [tilespmem:$0x18B70]  }
0x28d: {  	[tilespmem:$0x19B50] =	vst v0  }
0x28e: {  	v0 =	vld.idx.msk [tilespmem:v9+s3+$0x0], $0xffff;
	_ =	sdelay $0x3  }
0x28f: {  	v11 =	vld [tilespmem:$0x18B80]  }
0x290: {  	[tilespmem:$0x19B60] =	vst v0  }
0x291: {  	v0 =	vld.idx.msk [tilespmem:v10+s3+$0x0], $0xffff;
	_ =	sdelay $0x3  }
0x292: {  	v12 =	vld [tilespmem:$0x18B90]  }
0x293: {  	[tilespmem:$0x19B70] =	vst v0  }
0x294: {  	v0 =	vld.idx.msk [tilespmem:v11+s3+$0x0], $0xffff;
	_ =	sdelay $0x3  }
0x295: {  	v13 =	vld [tilespmem:$0x18BA0]  }
0x296: {  	[tilespmem:$0x19B80] =	vst v0  }
0x297: {  	v0 =	vld.idx.msk [tilespmem:v12+s3+$0x0], $0xffff;
	_ =	sdelay $0x3  }
0x298: {  	v14 =	vld [tilespmem:$0x18BB0]  }
0x299: {  	[tilespmem:$0x19B90] =	vst v0  }
0x29a: {  	v0 =	vld.idx.msk [tilespmem:v13+s3+$0x0], $0xffff;
	_ =	sdelay $0x3  }
0x29b: {  	v15 =	vld [tilespmem:$0x18BC0]  }
0x29c: {  	[tilespmem:$0x19BA0] =	vst v0  }
0x29d: {  	v0 =	vld.idx.msk [tilespmem:v14+s3+$0x0], $0xffff;
	_ =	sdelay $0x3  }
0x29e: {  	v16 =	vld [tilespmem:$0x18BD0]  }
0x29f: {  	[tilespmem:$0x19BB0] =	vst v0  }
0x2a0: {  	v0 =	vld.idx.msk [tilespmem:v15+s3+$0x0], $0xffff;
	_ =	sdelay $0x3  }
0x2a1: {  	v17 =	vld [tilespmem:$0x18BE0]  }
0x2a2: {  	[tilespmem:$0x19BC0] =	vst v0  }
0x2a3: {  	v0 =	vld.idx.msk [tilespmem:v16+s3+$0x0], $0xffff;
	_ =	sdelay $0x3  }
0x2a4: {  	v18 =	vld [tilespmem:$0x18BF0]  }
0x2a5: {  	[tilespmem:$0x19BD0] =	vst v0  }
0x2a6: {  	v0 =	vld.idx.msk [tilespmem:v17+s3+$0x0], $0xffff;
	_ =	sdelay $0x3  }
0x2a7: {  	v19 =	vld [tilespmem:$0x18C00]  }
0x2a8: {  	[tilespmem:$0x19BE0] =	vst v0  }
0x2a9: {  	v0 =	vld.idx.msk [tilespmem:v18+s3+$0x0], $0xffff;
	_ =	sdelay $0x3  }
0x2aa: {  	v20 =	vld [tilespmem:$0x18C10]  }
0x2ab: {  	[tilespmem:$0x19BF0] =	vst v0  }
0x2ac: {  	v0 =	vld.idx.msk [tilespmem:v19+s3+$0x0], $0xffff;
	_ =	sdelay $0x3  }
0x2ad: {  	v21 =	vld [tilespmem:$0x18C20]  }
0x2ae: {  	[tilespmem:$0x19C00] =	vst v0  }
0x2af: {  	v0 =	vld.idx.msk [tilespmem:v20+s3+$0x0], $0xffff;
	_ =	sdelay $0x3  }
0x2b0: {  	v22 =	vld [tilespmem:$0x18C30]  }
0x2b1: {  	[tilespmem:$0x19C10] =	vst v0  }
0x2b2: {  	v0 =	vld.idx.msk [tilespmem:v21+s3+$0x0], $0xffff;
	_ =	sdelay $0x3  }
0x2b3: {  	v23 =	vld [tilespmem:$0x18C40]  }
0x2b4: {  	[tilespmem:$0x19C20] =	vst v0  }
0x2b5: {  	v0 =	vld.idx.msk [tilespmem:v22+s3+$0x0], $0xffff;
	_ =	sdelay $0x3  }
0x2b6: {  	v24 =	vld [tilespmem:$0x18C50]  }
0x2b7: {  	[tilespmem:$0x19C30] =	vst v0  }
0x2b8: {  	v0 =	vld.idx.msk [tilespmem:v23+s3+$0x0], $0xffff;
	_ =	sdelay $0x3  }
0x2b9: {  	v25 =	vld [tilespmem:$0x18C60]  }
0x2ba: {  	[tilespmem:$0x19C40] =	vst v0  }
0x2bb: {  	v0 =	vld.idx.msk [tilespmem:v24+s3+$0x0], $0xffff;
	_ =	sdelay $0x3  }
0x2bc: {  	v26 =	vld [tilespmem:$0x18C70]  }
0x2bd: {  	[tilespmem:$0x19C50] =	vst v0  }
0x2be: {  	v0 =	vld.idx.msk [tilespmem:v25+s3+$0x0], $0xffff;
	_ =	sdelay $0x3  }
0x2bf: {  	v27 =	vld [tilespmem:$0x18C80]  }
0x2c0: {  	[tilespmem:$0x19C60] =	vst v0  }
0x2c1: {  	v0 =	vld.idx.msk [tilespmem:v26+s3+$0x0], $0xffff;
	_ =	sdelay $0x3  }
0x2c2: {  	v28 =	vld [tilespmem:$0x18C90]  }
0x2c3: {  	[tilespmem:$0x19C70] =	vst v0  }
0x2c4: {  	v0 =	vld.idx.msk [tilespmem:v27+s3+$0x0], $0xffff;
	_ =	sdelay $0x3  }
0x2c5: {  	v29 =	vld [tilespmem:$0x18CA0]  }
0x2c6: {  	[tilespmem:$0x19C80] =	vst v0  }
0x2c7: {  	v0 =	vld.idx.msk [tilespmem:v28+s3+$0x0], $0xffff;
	_ =	sdelay $0x3  }
0x2c8: {  	v30 =	vld [tilespmem:$0x18CB0]  }
0x2c9: {  	[tilespmem:$0x19C90] =	vst v0  }
0x2ca: {  	v0 =	vld.idx.msk [tilespmem:v29+s3+$0x0], $0xffff;
	_ =	sdelay $0x3  }
0x2cb: {  	v31 =	vld [tilespmem:$0x18CC0]  }
0x2cc: {  	[tilespmem:$0x19CA0] =	vst v0  }
0x2cd: {  	v0 =	vld.idx.msk [tilespmem:v30+s3+$0x0], $0xffff;
	_ =	sdelay $0x3  }
0x2ce: {  	v32 =	vld [tilespmem:$0x18CD0]  }
0x2cf: {  	[tilespmem:$0x19CB0] =	vst v0  }
0x2d0: {  	v0 =	vld.idx.msk [tilespmem:v31+s3+$0x0], $0xffff;
	_ =	sdelay $0x3  }
0x2d1: {  	v33 =	vld [tilespmem:$0x18CE0]  }
0x2d2: {  	[tilespmem:$0x19CC0] =	vst v0  }
0x2d3: {  	v0 =	vld.idx.msk [tilespmem:v32+s3+$0x0], $0xffff;
	_ =	sdelay $0x3  }
0x2d4: {  	v34 =	vld [tilespmem:$0x18CF0]  }
0x2d5: {  	[tilespmem:$0x19CD0] =	vst v0  }
0x2d6: {  	v0 =	vld.idx.msk [tilespmem:v33+s3+$0x0], $0xffff;
	_ =	sdelay $0x3  }
0x2d7: {  	v35 =	vld [tilespmem:$0x18D00]  }
0x2d8: {  	[tilespmem:$0x19CE0] =	vst v0  }
0x2d9: {  	v0 =	vld.idx.msk [tilespmem:v34+s3+$0x0], $0xffff;
	_ =	sdelay $0x3  }
0x2da: {  	v36 =	vld [tilespmem:$0x18D10]  }
0x2db: {  	[tilespmem:$0x19CF0] =	vst v0  }
0x2dc: {  	v0 =	vld.idx.msk [tilespmem:v35+s3+$0x0], $0xffff;
	_ =	sdelay $0x3  }
0x2dd: {  	v37 =	vld [tilespmem:$0x18D20]  }
0x2de: {  	[tilespmem:$0x19D00] =	vst v0  }
0x2df: {  	v0 =	vld.idx.msk [tilespmem:v36+s3+$0x0], $0xffff;
	_ =	sdelay $0x3  }
0x2e0: {  	v38 =	vld [tilespmem:$0x18D30]  }
0x2e1: {  	[tilespmem:$0x19D10] =	vst v0  }
0x2e2: {  	v0 =	vld.idx.msk [tilespmem:v37+s3+$0x0], $0xffff;
	_ =	sdelay $0x3  }
0x2e3: {  	v39 =	vld [tilespmem:$0x18D40]  }
0x2e4: {  	[tilespmem:$0x19D20] =	vst v0  }
0x2e5: {  	v0 =	vld.idx.msk [tilespmem:v38+s3+$0x0], $0xffff;
	_ =	sdelay $0x3  }
0x2e6: {  	v40 =	vld [tilespmem:$0x18D50]  }
0x2e7: {  	[tilespmem:$0x19D30] =	vst v0  }
0x2e8: {  	v0 =	vld.idx.msk [tilespmem:v39+s3+$0x0], $0xffff;
	_ =	sdelay $0x3  }
0x2e9: {  	v41 =	vld [tilespmem:$0x18D60]  }
0x2ea: {  	[tilespmem:$0x19D40] =	vst v0  }
0x2eb: {  	v0 =	vld.idx.msk [tilespmem:v40+s3+$0x0], $0xffff;
	_ =	sdelay $0x3  }
0x2ec: {  	v42 =	vld [tilespmem:$0x18D70]  }
0x2ed: {  	[tilespmem:$0x19D50] =	vst v0  }
0x2ee: {  	v0 =	vld.idx.msk [tilespmem:v41+s3+$0x0], $0xffff;
	_ =	sdelay $0x3  }
0x2ef: {  	v43 =	vld [tilespmem:$0x18D80]  }
0x2f0: {  	[tilespmem:$0x19D60] =	vst v0  }
0x2f1: {  	v0 =	vld.idx.msk [tilespmem:v42+s3+$0x0], $0xffff;
	_ =	sdelay $0x3  }
0x2f2: {  	v44 =	vld [tilespmem:$0x18D90]  }
0x2f3: {  	[tilespmem:$0x19D70] =	vst v0  }
0x2f4: {  	v0 =	vld.idx.msk [tilespmem:v43+s3+$0x0], $0xffff;
	_ =	sdelay $0x3  }
0x2f5: {  	v45 =	vld [tilespmem:$0x18DA0]  }
0x2f6: {  	[tilespmem:$0x19D80] =	vst v0  }
0x2f7: {  	v0 =	vld.idx.msk [tilespmem:v44+s3+$0x0], $0xffff;
	_ =	sdelay $0x3  }
0x2f8: {  	v46 =	vld [tilespmem:$0x18DB0]  }
0x2f9: {  	[tilespmem:$0x19D90] =	vst v0  }
0x2fa: {  	v0 =	vld.idx.msk [tilespmem:v45+s3+$0x0], $0xffff;
	_ =	sdelay $0x3  }
0x2fb: {  	v47 =	vld [tilespmem:$0x18DC0]  }
0x2fc: {  	[tilespmem:$0x19DA0] =	vst v0  }
0x2fd: {  	v0 =	vld.idx.msk [tilespmem:v46+s3+$0x0], $0xffff;
	_ =	sdelay $0x3  }
0x2fe: {  	v48 =	vld [tilespmem:$0x18DD0]  }
0x2ff: {  	[tilespmem:$0x19DB0] =	vst v0  }
0x300: {  	v0 =	vld.idx.msk [tilespmem:v47+s3+$0x0], $0xffff;
	_ =	sdelay $0x3  }
0x301: {  	v49 =	vld [tilespmem:$0x18DE0]  }
0x302: {  	[tilespmem:$0x19DC0] =	vst v0  }
0x303: {  	v0 =	vld.idx.msk [tilespmem:v48+s3+$0x0], $0xffff;
	_ =	sdelay $0x3  }
0x304: {  	v50 =	vld [tilespmem:$0x18DF0]  }
0x305: {  	[tilespmem:$0x19DD0] =	vst v0  }
0x306: {  	v0 =	vld.idx.msk [tilespmem:v49+s3+$0x0], $0xffff;
	_ =	sdelay $0x3  }
0x307: {  	v51 =	vld [tilespmem:$0x18E00]  }
0x308: {  	[tilespmem:$0x19DE0] =	vst v0  }
0x309: {  	v0 =	vld.idx.msk [tilespmem:v50+s3+$0x0], $0xffff;
	_ =	sdelay $0x3  }
0x30a: {  	v52 =	vld [tilespmem:$0x18E10]  }
0x30b: {  	[tilespmem:$0x19DF0] =	vst v0  }
0x30c: {  	v0 =	vld.idx.msk [tilespmem:v51+s3+$0x0], $0xffff;
	_ =	sdelay $0x3  }
0x30d: {  	v53 =	vld [tilespmem:$0x18E20]  }
0x30e: {  	[tilespmem:$0x19E00] =	vst v0  }
0x30f: {  	v0 =	vld.idx.msk [tilespmem:v52+s3+$0x0], $0xffff;
	_ =	sdelay $0x3  }
0x310: {  	v54 =	vld [tilespmem:$0x18E30]  }
0x311: {  	[tilespmem:$0x19E10] =	vst v0  }
0x312: {  	v0 =	vld.idx.msk [tilespmem:v53+s3+$0x0], $0xffff;
	_ =	sdelay $0x3  }
0x313: {  	v55 =	vld [tilespmem:$0x18E40]  }
0x314: {  	[tilespmem:$0x19E20] =	vst v0  }
0x315: {  	v0 =	vld.idx.msk [tilespmem:v54+s3+$0x0], $0xffff;
	_ =	sdelay $0x3  }
0x316: {  	v56 =	vld [tilespmem:$0x18E50]  }
0x317: {  	[tilespmem:$0x19E30] =	vst v0  }
0x318: {  	v0 =	vld.idx.msk [tilespmem:v55+s3+$0x0], $0xffff;
	_ =	sdelay $0x3  }
0x319: {  	v57 =	vld [tilespmem:$0x18E60]  }
0x31a: {  	[tilespmem:$0x19E40] =	vst v0  }
0x31b: {  	v0 =	vld.idx.msk [tilespmem:v56+s3+$0x0], $0xffff;
	_ =	sdelay $0x3  }
0x31c: {  	v58 =	vld [tilespmem:$0x18E70]  }
0x31d: {  	[tilespmem:$0x19E50] =	vst v0  }
0x31e: {  	v0 =	vld.idx.msk [tilespmem:v57+s3+$0x0], $0xffff;
	_ =	sdelay $0x3  }
0x31f: {  	v59 =	vld [tilespmem:$0x18E80]  }
0x320: {  	[tilespmem:$0x19E60] =	vst v0  }
0x321: {  	v0 =	vld.idx.msk [tilespmem:v58+s3+$0x0], $0xffff;
	_ =	sdelay $0x3  }
0x322: {  	v60 =	vld [tilespmem:$0x18E90]  }
0x323: {  	[tilespmem:$0x19E70] =	vst v0  }
0x324: {  	v0 =	vld.idx.msk [tilespmem:v59+s3+$0x0], $0xffff;
	_ =	sdelay $0x3  }
0x325: {  	v61 =	vld [tilespmem:$0x18EA0]  }
0x326: {  	[tilespmem:$0x19E80] =	vst v0  }
0x327: {  	v0 =	vld.idx.msk [tilespmem:v60+s3+$0x0], $0xffff;
	_ =	sdelay $0x3  }
0x328: {  	v62 =	vld [tilespmem:$0x18EB0]  }
0x329: {  	[tilespmem:$0x19E90] =	vst v0  }
0x32a: {  	v0 =	vld.idx.msk [tilespmem:v61+s3+$0x0], $0xffff;
	_ =	sdelay $0x3  }
0x32b: {  	v63 =	vld [tilespmem:$0x18EC0]  }
0x32c: {  	[tilespmem:$0x19EA0] =	vst v0  }
0x32d: {  	v0 =	vld.idx.msk [tilespmem:v62+s3+$0x0], $0xffff;
	_ =	sdelay $0x4  }
0x32e: {  	[tilespmem:$0x19EB0] =	vst v0  }
0x32f: {  	v0 =	vld.idx.msk [tilespmem:v63+s3+$0x0], $0xffff  }
0x330: {  	p2 =	sne.s32 s23, $0x5DC00  }
.Ltmp6:
0x331: {  	_ = 	snop;
	(pc) =	sbr.rel @!p2 .LBB2_4-.Ltmp6, $3  }
0x332: {  	_ =	sdelay $0x1  }
0x333: {  	[tilespmem:$0x19EC0] =	vst v0  }
0x334: {  	[hbm4b:s25+s3] =	stream.linear.scatter [tilespmem:s14], [sflag:$0x3], $0x7D0, $0x38;
	[tilespmem:$0x1BF70] =	vst v63  }
0x335: {  	s26 =	sadd.s32 $0xFA0, s26  }
0x336: {  	[tilespmem:s10], [sflag:$0x1] =	stream.linear.gather [spmem:s26], $0x7D0, $0x38;
	[tilespmem:$0x1BF70] =	vst v63  }
.Ltmp7:
0x337: {  	_ = 	snop;
	(pc) =	sbr.rel @!p1 .LBB2_6-.Ltmp7, $4  }
.Ltmp8:
0x338: {  	_ = 	snop;
	(pc) =	sbr.rel @p1 .LBB2_7-.Ltmp8, $4  }
0x339: {  	_ =	swait.ge [sflag:s15], $0x7D0  }
0x33a: {  	[sflag:s15] =	ssyncset.done $0x0  }
0x33b: {  	[sflag:s15] =	ssyncadd.s32 $0xFFFFF830  }
0x33c: {  	_ = 	snop  }
.LBB2_10:
0x33d: {  	_ =	sfence.sel $0x180000  }
0x33e: {  	[bflag:$0x0] =	sbarrier.arrive $0xFFFF  }
0x33f: {  	_ =	strace $0x90000047  }
0x340: {  	s0 =	sadd.s32 @!p0 $0x100000, s0;
	[bflag:$0x2] =	sbarrier.arrive $0xFFFF  }
0x341: {  	[sflag:s0] =	ssyncadd.tile.s32 @!p0 $0x1;
	_ =	shalt  }
.Lfunc_end2:
_tile_overlayer_lowered:
.L_overlay_start_2:
0x342: {  	(tag) =	ssettag $0x2  }
0x343: {  	s0 =	rddreg [dreg:$0x0];
	s2 =	stileid.u32  }
0x344: {  	s1 =	rddreg [dreg:$0x1];
	p0 =	sne.s32 s2, $0x0  }
0x345: {  	s3 =	rddreg [dreg:$0x2];
	[bflag:$0x3] =	sbarrier.arrive $0xFFFF;
	s2 =	simm.s32 @!p0 $0x1C05  }
0x346: {  	[timem:s3], [sflag:s2] =	dma.local @!p0 [hbm:s0], s1  }
0x347: {  	s0 =	simm.s32 @!p0 $0x5  }
0x348: {  	_ =	swait.ge @!p0 [sflag:s0], s1  }
0x349: {  	s1 =	ssub.s32 @!p0 $0x0, s1;
	[sflag:s0] =	ssyncset.done @!p0 $0x0  }
0x34a: {  	[sflag:s0] =	ssyncadd.s32 @!p0 s1  }
0x34b: {  	[bflag:$0x3] =	sbarrier.arrive $0xFFFF  }
0x34c: {  	_ =	shalt  }

// kernel: sparse-core-data-format-call.cloned.1.call-start
scs
called_computation_lowered:
.L_overlay_start_0:
0x0: {  	s2 =	sld [smem:$0x3FD9]  }
0x1: {  	s3 =	sld [smem:$0x3FFE];
	_ =	sdelay $0x1  }
0x2: {  	s1 =	srdreg.scid  }
0x3: {  	s0 =	sand.u32 $0x1, s1  }
0x4: {  	s18 =	sshll.u32 s0, $0xA;
	s2 =	sadd.s32 s3, s2  }
0x5: {  	s2 =	sadd.s32 s2, s18  }
0x6: {  	[smem:$0x3FC7] =	sst s2  }
0x7: {  	_ = 	snop  }
0x8: {  	s2 =	sld [smem:$0x3FD0];
	(tm) =	ssettm $0x1  }
0x9: {  	s19 =	sld [smem:$0x3FFB];
	_ =	sdelay $0x3  }
0xa: {  	_ =	strace s19  }
0xb: {  	s3 =	sld [smem:$0x3FFC];
	_ =	sdelay $0x3  }
0xc: {  	_ =	strace s3  }
0xd: {  	s3 =	sld [smem:$0x3FFD];
	_ =	sdelay $0x3  }
0xe: {  	_ =	strace s3  }
0xf: {  	_ =	strace $0x8FFFFFFF  }
0x10: {  	s20 =	sld [smem:$0x3FDB];
	_ =	sdelay $0x1  }
0x11: {  	s4 =	simm.s32 $_scs_section_size  }
0x12: {  	s5 =	simm.s32 $_size__tile_overlayer_lowered;
	s6 =	simm.s32 $_tile_overlayer_lowered  }
0x13: {  	s23 =	simm.s32 $0x1BFF;
	s22 =	sshll.u32 s6, $0x1;
	s3 =	sadd.s32 s4, s20  }
0x14: {  	s7 =	simm.s32 $0x0;
	s21 =	sshll.u32 s5, $0x1;
	s5 =	sadd.s32 s22, s3  }
0x15: {  	[timem:s7], [sflag:s23] =	dma.local [hbm:s5], s21  }
0x16: {  	_ =	swait.ge [sflag:s23], s21  }
0x17: {  	s4 =	ssub.s32 $0x0, s21;
	[sflag:s23] =	ssyncset.done $0x0  }
0x18: {  	[sflag:s23] =	ssyncadd.s32 s4;
	_ =	sdelay $0x1  }
0x19: {  	s24 =	simm.s32 $0x1B8B  }
0x1a: {  	_ =	swait.ge [sflag:s24], $0x1  }
0x1b: {  	[sflag:s24] =	ssyncset.done $0x0  }
0x1c: {  	s26 =	simm.s32 $0x1B8E;
	s25 =	sld [smem:$0x3FFE];
	[sflag:s24] =	ssyncadd.s32 $0xFFFFFFFF  }
0x1d: {  	s27 =	simm.s32 $execute0_lowered;
	[smem:$0x3FD2] =	sst s26  }
0x1e: {  	s5 =	sshll.u32 s27, $0x1;
	_ =	strace $0x80000049;
	[dreg:$0x1] =	wrdreg $0xFFFFFFFF  }
0x1f: {  	s28 =	simm.s32 $_size_execute0_lowered;
	s3 =	sadd.s32 s3, s5;
	[dreg:$0x0] =	wrdreg $0x0  }
0x20: {  	s5 =	sshll.u32 s28, $0x1;
	[dreg:$0x2] =	wrdreg s3  }
0x21: {  	[dreg:$0x3] =	wrdreg s5  }
0x22: {  	[dreg:$0x4] =	wrdreg $0xC0  }
0x23: {  	_ =	task [dreg:s7], $0x5FFFF  }
0x24: {  	[dreg:$0x1] =	wrdreg $0xFFFFFFFF  }
0x25: {  	[dreg:$0x0] =	wrdreg $0x60  }
0x26: {  	[dreg:$0x2] =	wrdreg s25  }
0x27: {  	[dreg:$0x3] =	wrdreg s2  }
0x28: {  	[dreg:$0x4] =	wrdreg $0x9  }
0x29: {  	_ =	task.clear_ibuf [dreg:s7], $0x5FFFF;
	_ =	strace $0x90000049  }
0x2a: {  	s29 =	simm.s32 $0x9;
	_ =	strace $0x8000004B  }
0x2b: {  	_ =	swait.ge [sflag:s29], $0x1  }
0x2c: {  	[sflag:s29] =	ssyncadd.s32 $0xFFFFFFFF  }
0x2d: {  	_ =	strace $0x9000004B  }
0x2e: {  	_ =	sfence  }
0x2f: {  	s30 =	sld [smem:$0x0];
	_ =	sdelay $0x2  }
0x30: {  	s31 =	sshll.u32 s1, $0xD;
	s1 =	sshrl.u32 s1, $0x2  }
0x31: {  	s3 =	sand.u32 $0x4000, s31;
	s1 =	sadd.s32 s1, s30  }
0x32: {  	s0 =	sor.u32 s3, s0;
	s1 =	sshll.u32 s1, $0x11  }
0x33: {  	s0 =	sor.u32 s1, s0  }
0x34: {  	s0 =	sadd.s32 $0x8F2B, s0  }
0x35: {  	[sflag:s0] =	ssyncadd.remote.s32 $0x1  }
0x36: {  	_ =	sfence.sel $0xFFFF  }
0x37: {  	[dreg:$0x0] =	wrdreg $0xFFFFFFFF;
	(pc) =	sbr.abs _section_cstart, $3  }
0x38: {  	[dreg:$0x1] =	wrdreg $0xFFFFFFFF  }
0x39: {  	_ =	task.clear_ibuf [dreg:s7], $0x2FFFF;
	_ =	strace $0x9FFFFFFF  }
0x3a: {  	(tm) =	ssettm $0x7FFFFFFF  }
0x3b: {  	_ =	shalt  }
tec
execute0_lowered:
.L_overlay_start_1:
0x0: {  	(tag) =	ssettag $0x1  }
0x1: {  	s4 =	rddreg [dreg:$0x0]  }
0x2: {  	s0 =	srdreg.scid;
	s2 =	rddreg [dreg:$0x1]  }
0x3: {  	s1 =	stileid.u32;
	s5 =	simm.s32 $0x1;
	s7 =	simm.s32 $0x2  }
0x4: {  	s14 =	simm.s32 $0x0;
	p0 =	por $0x0, $0x0;
	s0 =	sshll.u32 s0, $0x4  }
0x5: {  	s13 =	simm.s32 $0x0;
	s8 =	simm.s32 $0x0;
	s3 =	sand.u32 $0x10, s0  }
.Ltmp0:
0x6: {  	s9 =	simm.s32 $0x0;
	s3 =	sor.u32 s1, s3;
	(pc) =	sbr.rel .LBB1_1-.Ltmp0, $4  }
0x7: {  	s11 =	simm.s32 $0x0;
	s12 =	simm.s32 $0x0;
	s3 =	sshll.u32 s3, $0x7  }
0x8: {  	s0 =	rddreg [dreg:$0x2];
	_ =	strace $0x8000004A;
	s6 =	ssub.s32 $0x18680, s3  }
0x9: {  	s4 =	sadd.s32 $0x18A600, s4;
	[sflag:s5] =	ssyncpa.u1 $0x0;
	s6 =	sshrl.u32 s6, $0xC  }
0xa: {  	[sflag:s7] =	ssyncpa.u1 $0x0;
	s10 =	smov.u32 s3;
	s7 =	sadd.s32 $0x2, s6  }
.LBB1_5:
0xb: {  	p1 =	slt.u32 s12, $0x2  }
0xc: {  	p2 =	sgt.s32 @!p1 s14, $0x18620  }
0xd: {  	s15 =	smov.u32 s14;
	s16 =	sshra.s32 @!p1 s14, $0x1F;
	p2 =	por !p2, p1  }
0xe: {  	s14 =	sand.u32 @!p1 s16, s14;
	s15 =	simm.s32 @p2 $0x18620  }
0xf: {  	s14 =	ssub.s32 @!p1 s15, s14;
	s15 =	ssub.s32 @!p1 $0x0, s13  }
0x10: {  	s17 =	smov.u32 s11;
	s16 =	sadd.s32 @!p1 $0xFFFE79E0, s14;
	s13 =	smin.u32 @!p1 s13, s15  }
0x11: {  	s14 =	ssub.s32 @!p1 $0x186A0, s14;
	p2 =	sgt.s32 @!p1 s16, $0x7F;
	p3 =	sgt.s32 @!p1 s13, $0x7F  }
0x12: {  	s13 =	ssub.s32 @!p1 $0x80, s13;
	p2 =	por !p2, p1;
	p3 =	por !p3, p1  }
0x13: {  	s15 =	sadd.s32 $0x1000, s10;
	s14 =	simm.s32 @!p2 $0x0;
	s13 =	simm.s32 @!p3 $0x0  }
0x14: {  	p2 =	sgt.s32 s15, $0x1869F;
	s13 =	smul.u32 @!p1 s13, s14;
	s14 =	sadd.s32 $0x80, s11  }
0x15: {  	s17 =	smov.u32 @p2 s14  }
0x16: {  	s15 =	smov.u32 @p2 s3;
	p2 =	sgt.s32 s17, $0x7F  }
0x17: {  	s17 =	simm.s32 @p2 $0x0;
	p2 =	sne.s32 s12, s7  }
.Ltmp1:
0x18: {  	p0 =	por !p0, !p0;
	s16 =	simm.s32 @!p1 $0x2;
	(pc) =	sbr.rel @!p2 .LBB1_6-.Ltmp1, $4  }
0x19: {  	s14 =	smov.u32 s8;
	s8 =	smov.u32 s10;
	s13 =	sand.u32 @!p1 $0x3FFFFFFF, s13  }
0x1a: {  	s10 =	smov.u32 s15;
	_ =	swait.ge @!p1 [sflag:s16], s13;
	s18 =	ssub.s32 @!p1 $0x0, s13  }
0x1b: {  	s13 =	smov.u32 s9;
	s12 =	sadd.s32 $0x1, s12;
	[sflag:s16] =	ssyncset.done @!p1 $0x0  }
0x1c: {  	s9 =	smov.u32 s11;
	s11 =	smov.u32 s17;
	[sflag:s16] =	ssyncadd.s32 @!p1 s18  }
.LBB1_1:
0x1d: {  	p1 =	sgt.u32 s12, s6  }
0x1e: {  	s15 =	sshrl.u32 @!p1 s11, $0x3  }
0x1f: {  	s16 =	sshll.u32 @!p1 s10, $0x3;
	s15 =	smul.u32 @!p1 $0xC3800, s15  }
0x20: {  	s17 =	sshll.u32 @!p1 s11, $0x7;
	s16 =	sand.u32 @!p1 $0xFFFFFC00, s16  }
0x21: {  	s15 =	sadd.s32 @!p1 s15, s16;
	s16 =	sand.u32 @!p1 $0x380, s17  }
0x22: {  	s17 =	sand.u32 @!p1 $0x7F, s10;
	s15 =	sor.u32 @!p1 s16, s15  }
0x23: {  	s16 =	sor.u32 @!p1 s17, s15  }
0x24: {  	s17 =	smulhi.u32 @!p1 $0xA79C7B17, s16;
	_ =	sdelay $0x1  }
0x25: {  	s15 =	smulhi.u32 @!p1 $0xA79C7B17, s15;
	s17 =	sshrl.u32 @!p1 s17, $0x10  }
0x26: {  	s17 =	smul.u32 @!p1 $0x18700, s17  }
0x27: {  	s18 =	sxor.u32 @!p1 $0xFFFFFFFF, s12;
	s15 =	sshrl.u32 @!p1 s15, $0x10  }
0x28: {  	s18 =	sshll.u32 @!p1 s18, $0xE;
	s15 =	sand.u32 @!p1 $0x7F, s15;
	s16 =	ssub.s32 @!p1 s16, s17  }
0x29: {  	s15 =	smul.u32 @!p1 $0x30E0, s15;
	s17 =	sshrl.u32 @!p1 s16, $0x3;
	s16 =	sand.u32 @!p1 $0x7, s16  }
0x2a: {  	s18 =	sand.u32 @!p1 $0x4000, s18;
	s17 =	sadd.s32 @!p1 s4, s17;
	s16 =	sshll.u32 @!p1 s16, $0x12  }
0x2b: {  	s15 =	sadd.s32 @!p1 s15, s17;
	s16 =	sor.u32 @!p1 $0x400, s16;
	s17 =	simm.s32 @!p1 $0xC3800  }
0x2c: {  	[tilespmem:s18], [sflag:$0x1] =	stream.strided.gather @!p1 [hbm4b:s15+s16], $0x4000, s17, s16, $0x38;
	[tilespmem:$0x10100] =	vst v63  }
0x2d: {  	p1 =	seq.s32 s12, $0x0  }
0x2e: {  	p2 =	sge.u32 @!p1 s12, s7  }
0x2f: {  	p1 =	por p1, p2  }
.Ltmp2:
0x30: {  	_ = 	snop;
	(pc) =	sbr.rel @p1 .LBB1_5-.Ltmp2, $1  }
0x31: {  	_ =	sdelay $0x3  }
0x32: {  	s15 =	simm.s32 $0x1  }
0x33: {  	_ =	swait.ge [sflag:s5], $0x4000;
	s15 =	simm.s32 @!p0 $0x0  }
0x34: {  	[sflag:s5] =	ssyncset.done $0x0;
	s16 =	sshll.u32 s15, $0xE  }
0x35: {  	[sflag:s5] =	ssyncadd.s32 $0xFFFFC000;
	s16 =	sor.u32 $0x40, s16  }
0x36: {  	s15 =	smul.u32 $0x10200, s15;
	v0 =	vld [tilespmem:s16+$0x30]  }
0x37: {  	v1 =	vld [tilespmem:s16+$0xFFFFFFD0]  }
0x38: {  	s15 =	sshrl.u32 s15, $0x2;
	v5 =	vld [tilespmem:s16+$0xFFFFFFE0]  }
0x39: {  	v6 =	vld [tilespmem:s16+$0xFFFFFFF0];
	s18 =	sor.u32 $0x8000, s15  }
0x3a: {  	s31 =	sand.u32 $0x1, s12;
	v4 =	vld [tilespmem:s16+$0x0];
	s17 =	sadd.s32 $0x0, s18  }
0x3b: {  	v3 =	vld [tilespmem:s16+$0x10];
	s15 =	smul.u32 $0x10200, s31;
	[tilespmem:s17+$0x3870 ss:$0x81] =	vst.msk $0xffff, v0  }
0x3c: {  	v2 =	vld [tilespmem:s16+$0x20];
	[tilespmem:s17+$0x810 ss:$0x81] =	vst.msk $0xffff, v1  }
0x3d: {  	s15 =	sshrl.u32 s15, $0x2;
	v0 =	vld [tilespmem:s16+$0xFFFFFFC0];
	[tilespmem:s17+$0x1020 ss:$0x81] =	vst.msk $0xffff, v5;
	s16 =	sadd.s32 $0x80, s16  }
0x3e: {  	s19 =	simm.s32 $0x4;
	s20 =	simm.s32 $0x8;
	s15 =	sor.u32 $0x8000, s15;
	[tilespmem:s17+$0x1830 ss:$0x81] =	vst.msk $0xffff, v6;
	v1 =	vld [tilespmem:s16+$0x30]  }
.LBB1_3:
0x3f: {  	p1 =	sne.s32 s20, $0x1FC;
	v5 =	vld [tilespmem:s16+$0xFFFFFFD0];
	[tilespmem:s17+$0x2040 ss:$0x81] =	vst.msk $0xffff, v4  }
0x40: {  	v6 =	vld [tilespmem:s16+$0xFFFFFFE0];
	[tilespmem:s17+$0x2850 ss:$0x81] =	vst.msk $0xffff, v3  }
0x41: {  	s21 =	sshra.s32 s19, $0x2;
	s19 =	smov.u32 s20;
	v7 =	vld [tilespmem:s16+$0xFFFFFFF0];
	[tilespmem:s17+$0x3060 ss:$0x81] =	vst.msk $0xffff, v2  }
.Ltmp3:
0x42: {  	v4 =	vld [tilespmem:s16+$0x0];
	[tilespmem:s17+$0x0 ss:$0x81] =	vst.msk $0xffff, v0;
	s17 =	sadd.s32 s21, s18;
	(pc) =	sbr.rel @p1 .LBB1_3-.Ltmp3, $4  }
0x43: {  	v3 =	vld [tilespmem:s16+$0x10];
	[tilespmem:s17+$0x3870 ss:$0x81] =	vst.msk $0xffff, v1  }
0x44: {  	[tilespmem:s17+$0x810 ss:$0x81] =	vst.msk $0xffff, v5;
	v2 =	vld [tilespmem:s16+$0x20]  }
0x45: {  	v0 =	vld [tilespmem:s16+$0xFFFFFFC0];
	[tilespmem:s17+$0x1020 ss:$0x81] =	vst.msk $0xffff, v6;
	s16 =	sadd.s32 $0x80, s16  }
0x46: {  	s20 =	sadd.s32 $0x4, s20;
	v1 =	vld [tilespmem:s16+$0x30];
	[tilespmem:s17+$0x1830 ss:$0x81] =	vst.msk $0xffff, v7  }
0x47: {  	s20 =	sshll.u32 s8, $0x7;
	s21 =	sshll.u32 s9, $0x3;
	s19 =	sshra.s32 s19, $0x2  }
0x48: {  	v5 =	vld [tilespmem:s16+$0xFFFFFFD0];
	[tilespmem:s17+$0x2040 ss:$0x81] =	vst.msk $0xffff, v4;
	p1 =	sgt.s32 s8, $0x18620;
	s22 =	sand.u32 $0xFFFFFC00, s20;
	s21 =	sand.u32 $0xFFFFFC00, s21  }
0x49: {  	v58 =	vld [tilespmem:s16+$0xFFFFFFE0];
	s24 =	sshra.s32 s8, $0x1F;
	s20 =	sand.u32 $0x380, s20;
	[tilespmem:s17+$0x2850 ss:$0x81] =	vst.msk $0xffff, v3;
	s21 =	sadd.s32 s21, s22  }
0x4a: {  	v59 =	vld [tilespmem:s16+$0xFFFFFFF0];
	s26 =	ssub.s32 $0x0, s9;
	s18 =	sadd.s32 s19, s18;
	[tilespmem:s17+$0x3060 ss:$0x81] =	vst.msk $0xffff, v2;
	s23 =	sor.u32 s20, s21  }
0x4b: {  	v60 =	vld [tilespmem:s16+$0x0];
	s28 =	smin.u32 s9, s26;
	s20 =	smov.u32 s8;
	[tilespmem:s17+$0x0 ss:$0x81] =	vst.msk $0xffff, v0;
	s19 =	sshrl.u32 s23, $0x7  }
0x4c: {  	v61 =	vld [tilespmem:s16+$0x10];
	s21 =	sand.u32 s24, s8;
	s20 =	simm.s32 @!p1 $0x18620;
	[tilespmem:s18+$0x3870 ss:$0x81] =	vst.msk $0xffff, v1;
	s25 =	smulhi.u32 $0x14F8B59, s19  }
0x4d: {  	v62 =	vld [tilespmem:s16+$0x20];
	s29 =	sshrl.u32 s9, $0x3;
	p2 =	sgt.s32 s28, $0x7F;
	s20 =	ssub.s32 s20, s21;
	[tilespmem:s18+$0x810 ss:$0x81] =	vst.msk $0xffff, v5  }
0x4e: {  	v63 =	vld [tilespmem:s16+$0xFFFFFFC0];
	[tilespmem:s18+$0x1020 ss:$0x81] =	vst.msk $0xffff, v58;
	s21 =	sadd.s32 $0xFFFE79E0, s20;
	s20 =	ssub.s32 $0x186A0, s20;
	s17 =	sshrl.u32 s25, $0x9  }
0x4f: {  	[tilespmem:s18+$0x1830 ss:$0x81] =	vst.msk $0xffff, v59;
	p1 =	sgt.s32 s21, $0x7F;
	s27 =	smul.u32 $0x186A0, s17;
	s17 =	ssub.s32 $0x80, s28  }
.Ltmp4:
0x50: {  	[tilespmem:s18+$0x2040 ss:$0x81] =	vst.msk $0xffff, v60;
	s20 =	simm.s32 @p1 $0x0;
	s17 =	simm.s32 @p2 $0x0;
	(pc) =	sbr.rel .LBB1_5-.Ltmp4, $4  }
0x51: {  	s30 =	sand.u32 $0xF, s29;
	[tilespmem:s18+$0x2850 ss:$0x81] =	vst.msk $0xffff, v61;
	s16 =	ssub.s32 s19, s27;
	s17 =	smul.u32 s17, s20  }
0x52: {  	[tilespmem:s18+$0x3060 ss:$0x81] =	vst.msk $0xffff, v62;
	s19 =	sadd.s32 s2, s30;
	s16 =	sshll.u32 s16, $0x4  }
0x53: {  	s31 =	sand.u32 $0x7, s9;
	[tilespmem:s18+$0x0 ss:$0x81] =	vst.msk $0xffff, v63;
	s17 =	sand.u32 $0x3FFFFFFF, s17;
	s16 =	sadd.s32 s16, s19  }
0x54: {  	[hbm4b:s16+s31] =	stream.linear.scatter [tilespmem:s15], [sflag:$0x2], s17, $0x20;
	[tilespmem:$0x10100] =	vst v63  }
.LBB1_6:
0x55: {  	_ =	sfence.sel $0x180000  }
0x56: {  	s2 =	simm.s32 $0x1;
	[bflag:$0x0] =	sbarrier.arrive $0xFFFF  }
0x57: {  	s31 =	simm.s32 $0x2;
	[sflag:s2] =	ssyncpa.u1 $0x1  }
0x58: {  	[sflag:s31] =	ssyncpa.u1 $0x1  }
0x59: {  	p0 =	sne.s32 s1, $0x0;
	_ =	strace $0x9000004A  }
0x5a: {  	s0 =	sadd.s32 @!p0 $0x100000, s0;
	[bflag:$0x2] =	sbarrier.arrive $0xFFFF  }
0x5b: {  	[sflag:s0] =	ssyncadd.tile.s32 @!p0 $0x1;
	_ =	shalt  }
.Lfunc_end1:
_tile_overlayer_lowered:
.L_overlay_start_2:
0x5c: {  	(tag) =	ssettag $0x2  }
0x5d: {  	s0 =	rddreg [dreg:$0x0];
	s2 =	stileid.u32  }
0x5e: {  	s1 =	rddreg [dreg:$0x1];
	p0 =	sne.s32 s2, $0x0  }
0x5f: {  	s3 =	rddreg [dreg:$0x2];
	[bflag:$0x3] =	sbarrier.arrive $0xFFFF;
	s2 =	simm.s32 @!p0 $0x1C01  }
0x60: {  	[timem:s3], [sflag:s2] =	dma.local @!p0 [hbm:s0], s1  }
0x61: {  	s0 =	simm.s32 @!p0 $0x1  }
0x62: {  	_ =	swait.ge @!p0 [sflag:s0], s1  }
0x63: {  	s1 =	ssub.s32 @!p0 $0x0, s1;
	[sflag:s0] =	ssyncset.done @!p0 $0x0  }
0x64: {  	[sflag:s0] =	ssyncadd.s32 @!p0 s1  }
0x65: {  	[bflag:$0x3] =	sbarrier.arrive $0xFFFF  }
0x66: {  	_ =	shalt  }

</sc_bundles>
